<compile_context>
chip_gen: v7x
topology: tpu7x:2x2x1
jax: 0.10.2.dev20260603
libtpu: 0.0.44.dev20260713+nightly
codegen_flags: <defaults>
</compile_context>

<pallas_src>
import functools

import jax
import jax.numpy as jnp
from jax import lax
from jax.experimental import pallas as pl
from jax.experimental.pallas import tpu as pltpu
from jax.experimental.pallas import tpu_sc as plsc

N = 10000
D = 128
N_PAD = 10240
BM = 5120
E_CHUNK = 128
IB = 8
N_SC = 2
N_SUB = 16
N_TILES = N_SC * N_SUB
EDGE_ALIGN = N_TILES * E_CHUNK * 2 * IB
RPT = N_PAD // N_SUB


def _deg_body(ept, elast, e_hbm, deg_out, dstbuf, hist, slbuf, acc, stage):
    c = lax.axis_index("c")
    s = lax.axis_index("s")
    w = c * N_SUB + s
    zero16 = jnp.zeros((16,), jnp.float32)
    ones16 = jnp.ones((16,), jnp.float32)

    def zh(i, carry):
        hist[pl.ds(i * 16, 16)] = zero16
        return carry

    lax.fori_loop(0, N_PAD // 16, zh, 0)

    @pl.when(w < N_TILES - 1)
    def _ldfull():
        pltpu.sync_copy(e_hbm.at[1, pl.ds(w * ept, ept)], dstbuf)

    @pl.when(w == N_TILES - 1)
    def _ldlast():
        if elast > 0:
            pltpu.sync_copy(e_hbm.at[1, pl.ds((N_TILES - 1) * ept, elast)],
                            dstbuf.at[pl.ds(0, elast)])

    def body(i, carry):
        idx = dstbuf[pl.ds(i * 16, 16)]
        plsc.addupdate_scatter(hist, [idx], ones16)
        return carry

    nit = jnp.where(w == N_TILES - 1, elast // 16, ept // 16)
    lax.fori_loop(0, nit, body, 0)
    pltpu.sync_copy(hist, stage.at[s])
    plsc.subcore_barrier()

    def za(i, carry):
        acc[pl.ds(i * 16, 16)] = zero16
        return carry

    lax.fori_loop(0, RPT // 16, za, 0)
    for t in range(N_SUB):
        pltpu.sync_copy(stage.at[t, pl.ds(s * RPT, RPT)], slbuf)

        def ab(i, carry):
            acc[pl.ds(i * 16, 16)] = acc[pl.ds(i * 16, 16)] + slbuf[pl.ds(i * 16, 16)]
            return carry

        lax.fori_loop(0, RPT // 16, ab, 0)
    pltpu.sync_copy(acc, deg_out.at[c, pl.ds(s * RPT, RPT)])


@functools.lru_cache(maxsize=None)
def _deg_call(ept, elast):
    return pl.kernel(
        functools.partial(_deg_body, ept, elast),
        out_type=jax.ShapeDtypeStruct((N_SC, N_PAD), jnp.float32),
        mesh=plsc.VectorSubcoreMesh(core_axis_name="c", subcore_axis_name="s"),
        compiler_params=pltpu.CompilerParams(needs_layout_passes=False),
        scratch_types=[
            pltpu.VMEM((ept,), jnp.int32),
            pltpu.VMEM((N_PAD,), jnp.float32),
            pltpu.VMEM((RPT,), jnp.float32),
            pltpu.VMEM((RPT,), jnp.float32),
            pltpu.VMEM_SHARED((N_SUB, N_PAD), jnp.float32),
        ],
    )


def _mm_body(x_ref, w_ref, deg_ref, g_ref):
    i = pl.program_id(0)
    h = jnp.dot(x_ref[...], w_ref[...], preferred_element_type=jnp.float32)
    deg = deg_ref[0, pl.ds(i * BM, BM)] + deg_ref[1, pl.ds(i * BM, BM)] + 1.0
    dis = lax.rsqrt(deg)
    g_ref[...] = h * dis[:, None]


@functools.lru_cache(maxsize=None)
def _mm_call():
    return pl.pallas_call(
        _mm_body,
        grid=(N_PAD // BM,),
        in_specs=[
            pl.BlockSpec((BM, D), lambda i: (i, 0)),
            pl.BlockSpec((D, D), lambda i: (0, 0)),
            pl.BlockSpec((N_SC, N_PAD), lambda i: (0, 0)),
        ],
        out_specs=pl.BlockSpec((BM, D), lambda i: (i, 0)),
        out_shape=jax.ShapeDtypeStruct((N_PAD, D), jnp.float32),
    )


def _scatter_body(nb, rc, e_hbm, mix_hbm, psrc_hbm, pdst_hbm, g_hbm, part_hbm,
                  si0, di0, si1, di1, rows0, rows1, agg,
                  isem0, isem1, gsem0, gsem1, ssem0, ssem1):
    c = lax.axis_index("c")
    s = lax.axis_index("s")
    w = c * N_SUB + s
    rbase = s * RPT
    zero16 = jnp.zeros((16,), jnp.float32)

    @pl.when(c == 0)
    def _initg():
        pltpu.sync_copy(g_hbm.at[pl.ds(rbase, RPT)], agg.at[pl.ds(rbase, RPT)])

    @pl.when(c == 1)
    def _initz():
        def zr(r, carry):
            for jj in range(D // 16):
                rows0[r, pl.ds(jj * 16, 16)] = zero16
            return carry

        lax.fori_loop(0, E_CHUNK, zr, 0)
        for t in range(RPT // E_CHUNK):
            pltpu.sync_copy(rows0, agg.at[pl.ds(rbase + t * E_CHUNK, E_CHUNK)])

    plsc.subcore_barrier()
    nkc = nb * IB
    chunk0 = w * nkc
    rb = (rc // IB) * IB

    ibufs = ((si0, di0, isem0), (si1, di1, isem1))
    rslots = ((rows0, gsem0, ssem0), (rows1, gsem1, ssem1))

    def fire_idx(b, ib):
        si, di, isem = ib
        cr = chunk0 + b * IB

        @pl.when(cr < rb)
        def _real():
            pltpu.async_copy(e_hbm.at[0, pl.ds(cr, IB)], si, isem)
            pltpu.async_copy(e_hbm.at[1, pl.ds(cr, IB)], di, isem)

        @pl.when(cr == rb)
        def _mixed():
            pltpu.async_copy(mix_hbm.at[0], si, isem)
            pltpu.async_copy(mix_hbm.at[1], di, isem)

        @pl.when(cr > rb)
        def _pad():
            pltpu.async_copy(psrc_hbm.at[pl.ds(cr - rb - IB, IB)], si, isem)
            pltpu.async_copy(pdst_hbm.at[pl.ds(cr - rb - IB, IB)], di, isem)

    def wait_idx(b, ib):
        si, di, isem = ib
        pltpu.make_async_copy(e_hbm.at[0, pl.ds(0, IB)], si, isem).wait()
        pltpu.make_async_copy(e_hbm.at[1, pl.ds(0, IB)], di, isem).wait()

    def fire_gather(ib, row, rs):
        pltpu.async_copy(g_hbm.at[ib[0].at[row]], rs[0], rs[1])

    def wait_gather(ib, row, rs):
        pltpu.make_async_copy(g_hbm.at[ib[0].at[row]], rs[0], rs[1]).wait()

    def fire_scatter(ib, row, rs):
        pltpu.async_copy(rs[0], agg.at[ib[1].at[row]], rs[2], add=True)

    def wait_scatter(ib, row, rs):
        pltpu.make_async_copy(rs[0], agg.at[ib[1].at[row]], rs[2]).wait()

    fire_idx(jnp.int32(0), ibufs[0])
    wait_idx(jnp.int32(0), ibufs[0])
    fire_gather(ibufs[0], 0, rslots[0])

    def body(m, carry):
        b0 = 2 * m
        k0 = b0 * IB
        for j in range(2 * IB):
            cur_ib = ibufs[j // IB]
            cur_row = j % IB
            cur_rs = rslots[j % 2]
            wait_gather(cur_ib, cur_row, cur_rs)
            fire_scatter(cur_ib, cur_row, cur_rs)
            if j == 0:
                pib = ibufs[1]

                @pl.when(k0 > 0)
                def _drain():
                    wait_scatter(pib, IB - 1, rslots[1])
            else:
                pj = j - 1
                wait_scatter(ibufs[pj // IB], pj % IB, rslots[pj % 2])
            if j == 0:
                fire_idx(b0 + 1, ibufs[1])
            elif j == IB:
                @pl.when(b0 + 2 < nb)
                def _refresh():
                    fire_idx(b0 + 2, ibufs[0])
            nj = j + 1
            if nj < 2 * IB:
                nib = ibufs[nj // IB]
                if nj == IB:
                    wait_idx(b0 + 1, ibufs[1])
                fire_gather(nib, nj % IB, rslots[nj % 2])
            else:
                @pl.when(b0 + 2 < nb)
                def _nextblock():
                    wait_idx(b0 + 2, ibufs[0])
                    fire_gather(ibufs[0], 0, rslots[0])

        return carry

    lax.fori_loop(0, nb // 2, body, 0)
    wait_scatter(ibufs[1], IB - 1, rslots[1])
    plsc.subcore_barrier()
    pltpu.sync_copy(agg.at[pl.ds(rbase, RPT)], part_hbm.at[c, pl.ds(rbase, RPT)])


@functools.lru_cache(maxsize=None)
def _scatter_call(nb, rc):
    assert nb % 2 == 0 and IB % 2 == 0
    return pl.kernel(
        functools.partial(_scatter_body, nb, rc),
        out_type=jax.ShapeDtypeStruct((N_SC, N_PAD, D), jnp.float32),
        mesh=plsc.VectorSubcoreMesh(core_axis_name="c", subcore_axis_name="s"),
        compiler_params=pltpu.CompilerParams(needs_layout_passes=False),
        scratch_types=[
            pltpu.VMEM((IB, E_CHUNK), jnp.int32),
            pltpu.VMEM((IB, E_CHUNK), jnp.int32),
            pltpu.VMEM((IB, E_CHUNK), jnp.int32),
            pltpu.VMEM((IB, E_CHUNK), jnp.int32),
            pltpu.VMEM((E_CHUNK, D), jnp.float32),
            pltpu.VMEM((E_CHUNK, D), jnp.float32),
            pltpu.VMEM_SHARED((N_PAD, D), jnp.float32),
            pltpu.SemaphoreType.DMA,
            pltpu.SemaphoreType.DMA,
            pltpu.SemaphoreType.DMA,
            pltpu.SemaphoreType.DMA,
            pltpu.SemaphoreType.DMA,
            pltpu.SemaphoreType.DMA,
        ],
    )


def _final_body(p_ref, deg_ref, b_ref, pw_ref, o_ref):
    i = pl.program_id(0)
    deg = deg_ref[0, pl.ds(i * BM, BM)] + deg_ref[1, pl.ds(i * BM, BM)] + 1.0
    dis = lax.rsqrt(deg)
    v = (p_ref[0] + p_ref[1]) * dis[:, None] + b_ref[0][None, :]
    o_ref[...] = jnp.where(v >= 0, v, pw_ref[0][None, :] * v)


@functools.lru_cache(maxsize=None)
def _final_call():
    return pl.pallas_call(
        _final_body,
        grid=(pl.cdiv(N, BM),),
        in_specs=[
            pl.BlockSpec((N_SC, BM, D), lambda i: (0, i, 0)),
            pl.BlockSpec((N_SC, N_PAD), lambda i: (0, 0)),
            pl.BlockSpec((1, D), lambda i: (0, 0)),
            pl.BlockSpec((1, D), lambda i: (0, 0)),
        ],
        out_specs=pl.BlockSpec((BM, D), lambda i: (i, 0)),
        out_shape=jax.ShapeDtypeStruct((N, D), jnp.float32),
    )


def kernel(x, edge_index, W, b, prelu_weight):
    e = edge_index.shape[1]
    assert e % E_CHUNK == 0
    rc = e // E_CHUNK
    rem = rc % IB
    e_pad = ((e + EDGE_ALIGN - 1) // EDGE_ALIGN) * EDGE_ALIGN
    padc = e_pad // E_CHUNK - rc
    assert padc >= IB - rem
    ept = e_pad // N_TILES
    elast = e - (N_TILES - 1) * ept
    assert 0 <= elast and elast % 16 == 0
    pad_i = jnp.arange(padc * E_CHUNK, dtype=jnp.int32)
    psrc = (pad_i % N_PAD).reshape(padc, E_CHUNK)
    pdst = (N + pad_i % (N_PAD - N)).reshape(padc, E_CHUNK)
    e1 = edge_index.astype(jnp.int32)
    e2 = e1.reshape(2, rc, E_CHUNK)
    mix = jnp.concatenate(
        [e2[:, rc - rem:],
         jnp.stack([psrc[:IB - rem], pdst[:IB - rem]])], axis=1)

    deg2 = _deg_call(ept, elast)(e1)
    g = _mm_call()(x, W.astype(jnp.float32), deg2)
    nb = ept // (E_CHUNK * IB)
    parts = _scatter_call(nb, rc)(e2, mix, psrc[IB - rem:], pdst[IB - rem:], g)
    return _final_call()(parts, deg2,
                         b.reshape(1, D).astype(jnp.float32),
                         prelu_weight.reshape(1, D).astype(jnp.float32))

# --- scband reference (transcript-rebuilt; emitter-appended) ---
"""Pipeline reference for scband-encoder-6313601925376 (READ-ONLY COPY).

The authoritative reference and input builder live on the scoring server;
editing this copy changes nothing except your own understanding.
"""

import jax, jax.numpy as jnp
import numpy as np

N = 10000
E = 320000
D_IN = 128
D_HID = 128


def setup_inputs(seed: int = 0) -> dict:
    key = jax.random.key(seed)
    k1, k2, k3, k4 = jax.random.split(key, 4)
    x = jax.random.normal(k1, (N, D_IN), dtype=jnp.float32)
    edge_index = jax.random.randint(k2, (2, E), 0, N)
    # GCNConv weight (glorot init) and bias
    scale = jnp.sqrt(6.0 / (D_IN + D_HID))
    W = jax.random.uniform(k3, (D_IN, D_HID), dtype=jnp.float32, minval=-scale, maxval=scale)
    b = jnp.zeros((D_HID,), dtype=jnp.float32)
    # PReLU per-channel weight (torch default init 0.25)
    prelu_weight = jnp.full((D_HID,), 0.25, dtype=jnp.float32)
    return {"x": x, "edge_index": edge_index, "W": W, "b": b, "prelu_weight": prelu_weight}


def reference(x, edge_index, W, b, prelu_weight):
    n = x.shape[0]
    src = edge_index[0]
    dst = edge_index[1]
    # add self-loops (PyG GCNConv default)
    loop = jnp.arange(n, dtype=src.dtype)
    src = jnp.concatenate([src, loop], axis=0)
    dst = jnp.concatenate([dst, loop], axis=0)
    # symmetric normalization: D^{-1/2} (A+I) D^{-1/2}
    ones = jnp.ones(src.shape[0], dtype=x.dtype)
    deg = jax.ops.segment_sum(ones, dst, num_segments=n)
    deg_inv_sqrt = jnp.where(deg > 0, jax.lax.rsqrt(jnp.maximum(deg, 1e-12)), 0.0)
    norm = deg_inv_sqrt[src] * deg_inv_sqrt[dst]
    # linear transform then propagate (gather -> scale -> scatter-add)
    h = x @ W
    msgs = h[src] * norm[:, None]
    agg = jax.ops.segment_sum(msgs, dst, num_segments=n)
    out = agg + b
    # PReLU with per-channel weight
    out = jnp.where(out >= 0, out, prelu_weight * out)
    return out

if __name__ == "__main__":
    import jax
    _d = setup_inputs()
    print(jax.jit(kernel)(*tuple(_d.values())))

</pallas_src>

<mosaic_0001>
#map = affine_map<(d0, d1) -> (0, 0)>
module attributes {stable_mosaic.version = 14 : i64} {
  func.func @_deg_body(%arg0: i32, %arg1: i32, %arg2: memref<2x320000xi32, #tpu.memory_space<hbm>>, %arg3: memref<2x10240xf32, #tpu.memory_space<hbm>>, %arg4: memref<10240xi32, #tpu.memory_space<vmem>>, %arg5: memref<10240xf32, #tpu.memory_space<vmem>>, %arg6: memref<640xf32, #tpu.memory_space<vmem>>, %arg7: memref<640xf32, #tpu.memory_space<vmem>>, %arg8: memref<16x10240xf32, #tpu.memory_space<vmem_shared>>) attributes {dimension_semantics = [#tpu.dimension_semantics<core_parallel>, #tpu.dimension_semantics<subcore_parallel>], iteration_bounds = array<i64: 2, 16>, scalar_prefetch = 0 : i64, scratch_operands = 5 : i64, tpu.core_type = #tpu.core_type<sc_vector_subcore>, window_params = [{transform_indices = #map}, {transform_indices = #map}]} {
    %mul3A = arith.constant 16 : i32
    %mul3A_0 = arith.muli %arg0, %mul3A : i32
    %add3A = arith.addi %mul3A_0, %arg1 : i32
    %broadcast_in_dim3A = arith.constant 0.000000e+00 : f32
    %broadcast_in_dim3A_1 = vector.broadcast %broadcast_in_dim3A : f32 to vector<16xf32>
    %broadcast_in_dim3A_2 = arith.constant 1.000000e+00 : f32
    %broadcast_in_dim3A_3 = vector.broadcast %broadcast_in_dim3A_2 : f32 to vector<16xf32>
    %scan3A = arith.constant 0 : i32
    %scan3A_4 = arith.constant 0 : i32
    %scan3A_5 = arith.constant 640 : i32
    %scan3A_6 = arith.addi %scan3A_4, %scan3A_5 : i32
    %scan3A_7 = arith.constant 1 : i32
    scf.for %scan3A_178 = %scan3A_4 to %scan3A_6 step %scan3A_7  : i32 {
      %mul3A_179 = arith.constant 16 : i32
      %mul3A_180 = arith.muli %scan3A_178, %mul3A_179 : i32
      %swap3A = arith.index_cast %mul3A_180 : i32 to index
      %swap3A_181 = tpu.vector_load %arg5[%swap3A] {strides = array<i32>} : memref<10240xf32, #tpu.memory_space<vmem>>, vector<16xf32>,
      tpu.vector_store %arg5[%swap3A], %broadcast_in_dim3A_1 {strides = array<i32>} : memref<10240xf32, #tpu.memory_space<vmem>>, vector<16xf32>,
    }
    %scan3A_8 = arith.constant 640 : i32
    %lt3A = arith.constant 31 : i32
    %lt3A_9 = arith.cmpi slt, %add3A, %lt3A : i32
    %convert_element_type3A = arith.extui %lt3A_9 : i1 to i32
    %cond3A = arith.constant 0 : i32
    %cond3A_10 = arith.cmpi ne, %convert_element_type3A, %cond3A : i32
    scf.if %cond3A_10 {
      %mul3A_178 = arith.constant 10240 : i32
      %mul3A_179 = arith.muli %add3A, %mul3A_178 : i32
      %run_scoped3A_180 = arith.constant 1 : i32
      "tpu.region"() ({
        %run_scoped3A_181 = tpu.sem_alloc : memref<!tpu.dma_semaphore, #tpu.memory_space<semaphore_mem>>
        %dma_start3A = tpu.memref_slice %arg2[%run_scoped3A_180, %mul3A_179] : memref<2x320000xi32, #tpu.memory_space<hbm>> -> memref<1x10240xi32, #tpu.memory_space<hbm>>
        %dma_start3A_182 = tpu.memref_squeeze %dma_start3A : memref<1x10240xi32, #tpu.memory_space<hbm>> -> memref<10240xi32, #tpu.memory_space<hbm>>
        %dma_start3A_183 = tpu.memref_slice %arg2[%run_scoped3A_180, %mul3A_179] : memref<2x320000xi32, #tpu.memory_space<hbm>> -> memref<1x10240xi32, #tpu.memory_space<hbm>>
        %dma_start3A_184 = tpu.memref_squeeze %dma_start3A_183 : memref<1x10240xi32, #tpu.memory_space<hbm>> -> memref<10240xi32, #tpu.memory_space<hbm>>
        tpu.enqueue_dma source(%dma_start3A_184 : memref<10240xi32, #tpu.memory_space<hbm>>) target(%arg4 : memref<10240xi32, #tpu.memory_space<vmem>>) target_semaphore(%run_scoped3A_181 : memref<!tpu.dma_semaphore, #tpu.memory_space<semaphore_mem>>)
        %dma_wait3A = tpu.memref_slice %arg2[%run_scoped3A_180, %mul3A_179] : memref<2x320000xi32, #tpu.memory_space<hbm>> -> memref<1x10240xi32, #tpu.memory_space<hbm>>
        %dma_wait3A_185 = tpu.memref_squeeze %dma_wait3A : memref<1x10240xi32, #tpu.memory_space<hbm>> -> memref<10240xi32, #tpu.memory_space<hbm>>
        %dma_wait3A_186 = tpu.memref_slice %arg2[%run_scoped3A_180, %mul3A_179] : memref<2x320000xi32, #tpu.memory_space<hbm>> -> memref<1x10240xi32, #tpu.memory_space<hbm>>
        %dma_wait3A_187 = tpu.memref_squeeze %dma_wait3A_186 : memref<1x10240xi32, #tpu.memory_space<hbm>> -> memref<10240xi32, #tpu.memory_space<hbm>>
        tpu.wait_dma2 semaphore(%run_scoped3A_181 : memref<!tpu.dma_semaphore, #tpu.memory_space<semaphore_mem>>) src(%dma_wait3A_187 : memref<10240xi32, #tpu.memory_space<hbm>>) dst(%arg4 : memref<10240xi32, #tpu.memory_space<vmem>>)
        tpu.yield
      }) : () -> ()
    } else {
    }
    %eq3A = arith.constant 31 : i32
    %eq3A_11 = arith.cmpi eq, %add3A, %eq3A : i32
    %convert_element_type3A_12 = arith.extui %eq3A_11 : i1 to i32
    %cond3A_13 = arith.constant 0 : i32
    %cond3A_14 = arith.cmpi ne, %convert_element_type3A_12, %cond3A_13 : i32
    scf.if %cond3A_14 {
      %run_scoped3A_178 = arith.constant 1 : i32
      "tpu.region"() ({
        %run_scoped3A_179 = tpu.sem_alloc : memref<!tpu.dma_semaphore, #tpu.memory_space<semaphore_mem>>
        %dma_start3A = arith.constant 0 : i32
        %dma_start3A_180 = tpu.memref_slice %arg4[%dma_start3A] : memref<10240xi32, #tpu.memory_space<vmem>> -> memref<2560xi32, #tpu.memory_space<vmem>>
        %dma_start3A_181 = arith.constant 317440 : i32
        %dma_start3A_182 = tpu.memref_slice %arg2[%run_scoped3A_178, %dma_start3A_181] : memref<2x320000xi32, #tpu.memory_space<hbm>> -> memref<1x2560xi32, #tpu.memory_space<hbm>>
        %dma_start3A_183 = tpu.memref_squeeze %dma_start3A_182 : memref<1x2560xi32, #tpu.memory_space<hbm>> -> memref<2560xi32, #tpu.memory_space<hbm>>
        %dma_start3A_184 = arith.constant 0 : i32
        %dma_start3A_185 = tpu.memref_slice %arg4[%dma_start3A_184] : memref<10240xi32, #tpu.memory_space<vmem>> -> memref<2560xi32, #tpu.memory_space<vmem>>
        %dma_start3A_186 = arith.constant 317440 : i32
        %dma_start3A_187 = tpu.memref_slice %arg2[%run_scoped3A_178, %dma_start3A_186] : memref<2x320000xi32, #tpu.memory_space<hbm>> -> memref<1x2560xi32, #tpu.memory_space<hbm>>
        %dma_start3A_188 = tpu.memref_squeeze %dma_start3A_187 : memref<1x2560xi32, #tpu.memory_space<hbm>> -> memref<2560xi32, #tpu.memory_space<hbm>>
        tpu.enqueue_dma source(%dma_start3A_188 : memref<2560xi32, #tpu.memory_space<hbm>>) target(%dma_start3A_185 : memref<2560xi32, #tpu.memory_space<vmem>>) target_semaphore(%run_scoped3A_179 : memref<!tpu.dma_semaphore, #tpu.memory_space<semaphore_mem>>)
        %dma_wait3A = arith.constant 0 : i32
        %dma_wait3A_189 = tpu.memref_slice %arg4[%dma_wait3A] : memref<10240xi32, #tpu.memory_space<vmem>> -> memref<2560xi32, #tpu.memory_space<vmem>>
        %dma_wait3A_190 = arith.constant 317440 : i32
        %dma_wait3A_191 = tpu.memref_slice %arg2[%run_scoped3A_178, %dma_wait3A_190] : memref<2x320000xi32, #tpu.memory_space<hbm>> -> memref<1x2560xi32, #tpu.memory_space<hbm>>
        %dma_wait3A_192 = tpu.memref_squeeze %dma_wait3A_191 : memref<1x2560xi32, #tpu.memory_space<hbm>> -> memref<2560xi32, #tpu.memory_space<hbm>>
        %dma_wait3A_193 = arith.constant 0 : i32
        %dma_wait3A_194 = tpu.memref_slice %arg4[%dma_wait3A_193] : memref<10240xi32, #tpu.memory_space<vmem>> -> memref<2560xi32, #tpu.memory_space<vmem>>
        %dma_wait3A_195 = arith.constant 317440 : i32
        %dma_wait3A_196 = tpu.memref_slice %arg2[%run_scoped3A_178, %dma_wait3A_195] : memref<2x320000xi32, #tpu.memory_space<hbm>> -> memref<1x2560xi32, #tpu.memory_space<hbm>>
        %dma_wait3A_197 = tpu.memref_squeeze %dma_wait3A_196 : memref<1x2560xi32, #tpu.memory_space<hbm>> -> memref<2560xi32, #tpu.memory_space<hbm>>
        tpu.wait_dma2 semaphore(%run_scoped3A_179 : memref<!tpu.dma_semaphore, #tpu.memory_space<semaphore_mem>>) src(%dma_wait3A_197 : memref<2560xi32, #tpu.memory_space<hbm>>) dst(%dma_wait3A_194 : memref<2560xi32, #tpu.memory_space<vmem>>)
        tpu.yield
      }) : () -> ()
    } else {
    }
    %eq3A_15 = arith.constant 31 : i32
    %eq3A_16 = arith.cmpi eq, %add3A, %eq3A_15 : i32
    %jit3A = arith.constant 160 : i32
    %jit3A_17 = arith.constant 640 : i32
    %select_n3A = arith.select %eq3A_16, %jit3A, %jit3A_17 : i32
    %while3A = arith.constant 0 : i32
    %while3A_18 = arith.constant 0 : i32
    %while3A_19 = arith.subi %select_n3A, %while3A_18 : i32
    %while3A_20 = arith.addi %while3A_18, %while3A_19 : i32
    %while3A_21 = arith.constant 1 : i32
    %while3A_22 = arith.divsi %while3A_19, %while3A_21 : i32
    %while3A_23 = arith.muli %while3A_22, %while3A_21 : i32
    %while3A_24 = arith.addi %while3A_18, %while3A_23 : i32
    %while3A_25 = arith.constant 1 : i32
    scf.for %while3A_178 = %while3A_18 to %while3A_24 step %while3A_25  : i32 {
      %mul3A_179 = arith.constant 16 : i32
      %mul3A_180 = arith.muli %while3A_178, %mul3A_179 : i32
      %get3A = arith.index_cast %mul3A_180 : i32 to index
      %get3A_181 = tpu.vector_load %arg4[%get3A] {strides = array<i32>} : memref<10240xi32, #tpu.memory_space<vmem>>, vector<16xi32>,
      tpu.vector_store_idx %arg5[%get3A_181], %broadcast_in_dim3A_3 {add = true} : memref<10240xf32, #tpu.memory_space<vmem>>[vector<16xi32>], vector<16xf32>,
    }
    %while3A_26 = arith.constant 1 : i32
    scf.for %while3A_178 = %while3A_24 to %while3A_20 step %while3A_26  : i32 {
      %mul3A_179 = arith.constant 16 : i32
      %mul3A_180 = arith.muli %while3A_178, %mul3A_179 : i32
      %get3A = arith.index_cast %mul3A_180 : i32 to index
      %get3A_181 = tpu.vector_load %arg4[%get3A] {strides = array<i32>} : memref<10240xi32, #tpu.memory_space<vmem>>, vector<16xi32>,
      tpu.vector_store_idx %arg5[%get3A_181], %broadcast_in_dim3A_3 {add = true} : memref<10240xf32, #tpu.memory_space<vmem>>[vector<16xi32>], vector<16xf32>,
    }
    "tpu.region"() ({
      %run_scoped3A_178 = tpu.sem_alloc : memref<!tpu.dma_semaphore, #tpu.memory_space<semaphore_mem>>
      %dma_start3A = arith.constant 0 : i32
      %dma_start3A_179 = tpu.memref_slice %arg8[%arg1, %dma_start3A] : memref<16x10240xf32, #tpu.memory_space<vmem_shared>> -> memref<1x10240xf32, #tpu.memory_space<vmem_shared>>
      %dma_start3A_180 = tpu.memref_squeeze %dma_start3A_179 : memref<1x10240xf32, #tpu.memory_space<vmem_shared>> -> memref<10240xf32, #tpu.memory_space<vmem_shared>>
      %dma_start3A_181 = arith.constant 0 : i32
      %dma_start3A_182 = tpu.memref_slice %arg8[%arg1, %dma_start3A_181] : memref<16x10240xf32, #tpu.memory_space<vmem_shared>> -> memref<1x10240xf32, #tpu.memory_space<vmem_shared>>
      %dma_start3A_183 = tpu.memref_squeeze %dma_start3A_182 : memref<1x10240xf32, #tpu.memory_space<vmem_shared>> -> memref<10240xf32, #tpu.memory_space<vmem_shared>>
      tpu.enqueue_dma source(%arg5 : memref<10240xf32, #tpu.memory_space<vmem>>) target(%dma_start3A_183 : memref<10240xf32, #tpu.memory_space<vmem_shared>>) target_semaphore(%run_scoped3A_178 : memref<!tpu.dma_semaphore, #tpu.memory_space<semaphore_mem>>)
      %dma_wait3A = arith.constant 0 : i32
      %dma_wait3A_184 = tpu.memref_slice %arg8[%arg1, %dma_wait3A] : memref<16x10240xf32, #tpu.memory_space<vmem_shared>> -> memref<1x10240xf32, #tpu.memory_space<vmem_shared>>
      %dma_wait3A_185 = tpu.memref_squeeze %dma_wait3A_184 : memref<1x10240xf32, #tpu.memory_space<vmem_shared>> -> memref<10240xf32, #tpu.memory_space<vmem_shared>>
      %dma_wait3A_186 = arith.constant 0 : i32
      %dma_wait3A_187 = tpu.memref_slice %arg8[%arg1, %dma_wait3A_186] : memref<16x10240xf32, #tpu.memory_space<vmem_shared>> -> memref<1x10240xf32, #tpu.memory_space<vmem_shared>>
      %dma_wait3A_188 = tpu.memref_squeeze %dma_wait3A_187 : memref<1x10240xf32, #tpu.memory_space<vmem_shared>> -> memref<10240xf32, #tpu.memory_space<vmem_shared>>
      tpu.wait_dma2 semaphore(%run_scoped3A_178 : memref<!tpu.dma_semaphore, #tpu.memory_space<semaphore_mem>>) src(%arg5 : memref<10240xf32, #tpu.memory_space<vmem>>) dst(%dma_wait3A_188 : memref<10240xf32, #tpu.memory_space<vmem_shared>>)
      tpu.yield
    }) : () -> ()
    %barrier3A = arith.constant 0 : index
    tpu.barrier barrier_id(%barrier3A)
    %scan3A_27 = arith.constant 0 : i32
    %scan3A_28 = arith.constant 0 : i32
    %scan3A_29 = arith.constant 40 : i32
    %scan3A_30 = arith.addi %scan3A_28, %scan3A_29 : i32
    %scan3A_31 = arith.constant 1 : i32
    scf.for %scan3A_178 = %scan3A_28 to %scan3A_30 step %scan3A_31  : i32 {
      %mul3A_179 = arith.constant 16 : i32
      %mul3A_180 = arith.muli %scan3A_178, %mul3A_179 : i32
      %swap3A = arith.index_cast %mul3A_180 : i32 to index
      %swap3A_181 = tpu.vector_load %arg7[%swap3A] {strides = array<i32>} : memref<640xf32, #tpu.memory_space<vmem>>, vector<16xf32>,
      tpu.vector_store %arg7[%swap3A], %broadcast_in_dim3A_1 {strides = array<i32>} : memref<640xf32, #tpu.memory_space<vmem>>, vector<16xf32>,
    }
    %scan3A_32 = arith.constant 40 : i32
    %mul3A_33 = arith.constant 640 : i32
    %mul3A_34 = arith.muli %arg1, %mul3A_33 : i32
    %run_scoped3A = arith.constant 0 : i32
    "tpu.region"() ({
      %run_scoped3A_178 = tpu.sem_alloc : memref<!tpu.dma_semaphore, #tpu.memory_space<semaphore_mem>>
      %dma_start3A = tpu.memref_slice %arg8[%run_scoped3A, %mul3A_34] : memref<16x10240xf32, #tpu.memory_space<vmem_shared>> -> memref<1x640xf32, #tpu.memory_space<vmem_shared>>
      %dma_start3A_179 = tpu.memref_squeeze %dma_start3A : memref<1x640xf32, #tpu.memory_space<vmem_shared>> -> memref<640xf32, #tpu.memory_space<vmem_shared>>
      %dma_start3A_180 = tpu.memref_slice %arg8[%run_scoped3A, %mul3A_34] : memref<16x10240xf32, #tpu.memory_space<vmem_shared>> -> memref<1x640xf32, #tpu.memory_space<vmem_shared>>
      %dma_start3A_181 = tpu.memref_squeeze %dma_start3A_180 : memref<1x640xf32, #tpu.memory_space<vmem_shared>> -> memref<640xf32, #tpu.memory_space<vmem_shared>>
      tpu.enqueue_dma source(%dma_start3A_181 : memref<640xf32, #tpu.memory_space<vmem_shared>>) target(%arg6 : memref<640xf32, #tpu.memory_space<vmem>>) target_semaphore(%run_scoped3A_178 : memref<!tpu.dma_semaphore, #tpu.memory_space<semaphore_mem>>)
      %dma_wait3A = tpu.memref_slice %arg8[%run_scoped3A, %mul3A_34] : memref<16x10240xf32, #tpu.memory_space<vmem_shared>> -> memref<1x640xf32, #tpu.memory_space<vmem_shared>>
      %dma_wait3A_182 = tpu.memref_squeeze %dma_wait3A : memref<1x640xf32, #tpu.memory_space<vmem_shared>> -> memref<640xf32, #tpu.memory_space<vmem_shared>>
      %dma_wait3A_183 = tpu.memref_slice %arg8[%run_scoped3A, %mul3A_34] : memref<16x10240xf32, #tpu.memory_space<vmem_shared>> -> memref<1x640xf32, #tpu.memory_space<vmem_shared>>
      %dma_wait3A_184 = tpu.memref_squeeze %dma_wait3A_183 : memref<1x640xf32, #tpu.memory_space<vmem_shared>> -> memref<640xf32, #tpu.memory_space<vmem_shared>>
      tpu.wait_dma2 semaphore(%run_scoped3A_178 : memref<!tpu.dma_semaphore, #tpu.memory_space<semaphore_mem>>) src(%dma_wait3A_184 : memref<640xf32, #tpu.memory_space<vmem_shared>>) dst(%arg6 : memref<640xf32, #tpu.memory_space<vmem>>)
      tpu.yield
    }) : () -> ()
    %scan3A_35 = arith.constant 0 : i32
    %scan3A_36 = arith.constant 0 : i32
    %scan3A_37 = arith.constant 40 : i32
    %scan3A_38 = arith.addi %scan3A_36, %scan3A_37 : i32
    %scan3A_39 = arith.constant 1 : i32
    scf.for %scan3A_178 = %scan3A_36 to %scan3A_38 step %scan3A_39  : i32 {
      %mul3A_179 = arith.constant 16 : i32
      %mul3A_180 = arith.muli %scan3A_178, %mul3A_179 : i32
      %get3A = arith.index_cast %mul3A_180 : i32 to index
      %get3A_181 = tpu.vector_load %arg7[%get3A] {strides = array<i32>} : memref<640xf32, #tpu.memory_space<vmem>>, vector<16xf32>,
      %mul3A_182 = arith.constant 16 : i32
      %mul3A_183 = arith.muli %scan3A_178, %mul3A_182 : i32
      %get3A_184 = arith.index_cast %mul3A_183 : i32 to index
      %get3A_185 = tpu.vector_load %arg6[%get3A_184] {strides = array<i32>} : memref<640xf32, #tpu.memory_space<vmem>>, vector<16xf32>,
      %add3A_186 = arith.addf %get3A_181, %get3A_185 : vector<16xf32>
      %mul3A_187 = arith.constant 16 : i32
      %mul3A_188 = arith.muli %scan3A_178, %mul3A_187 : i32
      %swap3A = arith.index_cast %mul3A_188 : i32 to index
      %swap3A_189 = tpu.vector_load %arg7[%swap3A] {strides = array<i32>} : memref<640xf32, #tpu.memory_space<vmem>>, vector<16xf32>,
      tpu.vector_store %arg7[%swap3A], %add3A_186 {strides = array<i32>} : memref<640xf32, #tpu.memory_space<vmem>>, vector<16xf32>,
    }
    %scan3A_40 = arith.constant 40 : i32
    %mul3A_41 = arith.constant 640 : i32
    %mul3A_42 = arith.muli %arg1, %mul3A_41 : i32
    %run_scoped3A_43 = arith.constant 1 : i32
    "tpu.region"() ({
      %run_scoped3A_178 = tpu.sem_alloc : memref<!tpu.dma_semaphore, #tpu.memory_space<semaphore_mem>>
      %dma_start3A = tpu.memref_slice %arg8[%run_scoped3A_43, %mul3A_42] : memref<16x10240xf32, #tpu.memory_space<vmem_shared>> -> memref<1x640xf32, #tpu.memory_space<vmem_shared>>
      %dma_start3A_179 = tpu.memref_squeeze %dma_start3A : memref<1x640xf32, #tpu.memory_space<vmem_shared>> -> memref<640xf32, #tpu.memory_space<vmem_shared>>
      %dma_start3A_180 = tpu.memref_slice %arg8[%run_scoped3A_43, %mul3A_42] : memref<16x10240xf32, #tpu.memory_space<vmem_shared>> -> memref<1x640xf32, #tpu.memory_space<vmem_shared>>
      %dma_start3A_181 = tpu.memref_squeeze %dma_start3A_180 : memref<1x640xf32, #tpu.memory_space<vmem_shared>> -> memref<640xf32, #tpu.memory_space<vmem_shared>>
      tpu.enqueue_dma source(%dma_start3A_181 : memref<640xf32, #tpu.memory_space<vmem_shared>>) target(%arg6 : memref<640xf32, #tpu.memory_space<vmem>>) target_semaphore(%run_scoped3A_178 : memref<!tpu.dma_semaphore, #tpu.memory_space<semaphore_mem>>)
      %dma_wait3A = tpu.memref_slice %arg8[%run_scoped3A_43, %mul3A_42] : memref<16x10240xf32, #tpu.memory_space<vmem_shared>> -> memref<1x640xf32, #tpu.memory_space<vmem_shared>>
      %dma_wait3A_182 = tpu.memref_squeeze %dma_wait3A : memref<1x640xf32, #tpu.memory_space<vmem_shared>> -> memref<640xf32, #tpu.memory_space<vmem_shared>>
      %dma_wait3A_183 = tpu.memref_slice %arg8[%run_scoped3A_43, %mul3A_42] : memref<16x10240xf32, #tpu.memory_space<vmem_shared>> -> memref<1x640xf32, #tpu.memory_space<vmem_shared>>
      %dma_wait3A_184 = tpu.memref_squeeze %dma_wait3A_183 : memref<1x640xf32, #tpu.memory_space<vmem_shared>> -> memref<640xf32, #tpu.memory_space<vmem_shared>>
      tpu.wait_dma2 semaphore(%run_scoped3A_178 : memref<!tpu.dma_semaphore, #tpu.memory_space<semaphore_mem>>) src(%dma_wait3A_184 : memref<640xf32, #tpu.memory_space<vmem_shared>>) dst(%arg6 : memref<640xf32, #tpu.memory_space<vmem>>)
      tpu.yield
    }) : () -> ()
    %scan3A_44 = arith.constant 0 : i32
    %scan3A_45 = arith.constant 0 : i32
    %scan3A_46 = arith.constant 40 : i32
    %scan3A_47 = arith.addi %scan3A_45, %scan3A_46 : i32
    %scan3A_48 = arith.constant 1 : i32
    scf.for %scan3A_178 = %scan3A_45 to %scan3A_47 step %scan3A_48  : i32 {
      %mul3A_179 = arith.constant 16 : i32
      %mul3A_180 = arith.muli %scan3A_178, %mul3A_179 : i32
      %get3A = arith.index_cast %mul3A_180 : i32 to index
      %get3A_181 = tpu.vector_load %arg7[%get3A] {strides = array<i32>} : memref<640xf32, #tpu.memory_space<vmem>>, vector<16xf32>,
      %mul3A_182 = arith.constant 16 : i32
      %mul3A_183 = arith.muli %scan3A_178, %mul3A_182 : i32
      %get3A_184 = arith.index_cast %mul3A_183 : i32 to index
      %get3A_185 = tpu.vector_load %arg6[%get3A_184] {strides = array<i32>} : memref<640xf32, #tpu.memory_space<vmem>>, vector<16xf32>,
      %add3A_186 = arith.addf %get3A_181, %get3A_185 : vector<16xf32>
      %mul3A_187 = arith.constant 16 : i32
      %mul3A_188 = arith.muli %scan3A_178, %mul3A_187 : i32
      %swap3A = arith.index_cast %mul3A_188 : i32 to index
      %swap3A_189 = tpu.vector_load %arg7[%swap3A] {strides = array<i32>} : memref<640xf32, #tpu.memory_space<vmem>>, vector<16xf32>,
      tpu.vector_store %arg7[%swap3A], %add3A_186 {strides = array<i32>} : memref<640xf32, #tpu.memory_space<vmem>>, vector<16xf32>,
    }
    %scan3A_49 = arith.constant 40 : i32
    %mul3A_50 = arith.constant 640 : i32
    %mul3A_51 = arith.muli %arg1, %mul3A_50 : i32
    %run_scoped3A_52 = arith.constant 2 : i32
    "tpu.region"() ({
      %run_scoped3A_178 = tpu.sem_alloc : memref<!tpu.dma_semaphore, #tpu.memory_space<semaphore_mem>>
      %dma_start3A = tpu.memref_slice %arg8[%run_scoped3A_52, %mul3A_51] : memref<16x10240xf32, #tpu.memory_space<vmem_shared>> -> memref<1x640xf32, #tpu.memory_space<vmem_shared>>
      %dma_start3A_179 = tpu.memref_squeeze %dma_start3A : memref<1x640xf32, #tpu.memory_space<vmem_shared>> -> memref<640xf32, #tpu.memory_space<vmem_shared>>
      %dma_start3A_180 = tpu.memref_slice %arg8[%run_scoped3A_52, %mul3A_51] : memref<16x10240xf32, #tpu.memory_space<vmem_shared>> -> memref<1x640xf32, #tpu.memory_space<vmem_shared>>
      %dma_start3A_181 = tpu.memref_squeeze %dma_start3A_180 : memref<1x640xf32, #tpu.memory_space<vmem_shared>> -> memref<640xf32, #tpu.memory_space<vmem_shared>>
      tpu.enqueue_dma source(%dma_start3A_181 : memref<640xf32, #tpu.memory_space<vmem_shared>>) target(%arg6 : memref<640xf32, #tpu.memory_space<vmem>>) target_semaphore(%run_scoped3A_178 : memref<!tpu.dma_semaphore, #tpu.memory_space<semaphore_mem>>)
      %dma_wait3A = tpu.memref_slice %arg8[%run_scoped3A_52, %mul3A_51] : memref<16x10240xf32, #tpu.memory_space<vmem_shared>> -> memref<1x640xf32, #tpu.memory_space<vmem_shared>>
      %dma_wait3A_182 = tpu.memref_squeeze %dma_wait3A : memref<1x640xf32, #tpu.memory_space<vmem_shared>> -> memref<640xf32, #tpu.memory_space<vmem_shared>>
      %dma_wait3A_183 = tpu.memref_slice %arg8[%run_scoped3A_52, %mul3A_51] : memref<16x10240xf32, #tpu.memory_space<vmem_shared>> -> memref<1x640xf32, #tpu.memory_space<vmem_shared>>
      %dma_wait3A_184 = tpu.memref_squeeze %dma_wait3A_183 : memref<1x640xf32, #tpu.memory_space<vmem_shared>> -> memref<640xf32, #tpu.memory_space<vmem_shared>>
      tpu.wait_dma2 semaphore(%run_scoped3A_178 : memref<!tpu.dma_semaphore, #tpu.memory_space<semaphore_mem>>) src(%dma_wait3A_184 : memref<640xf32, #tpu.memory_space<vmem_shared>>) dst(%arg6 : memref<640xf32, #tpu.memory_space<vmem>>)
      tpu.yield
    }) : () -> ()
    %scan3A_53 = arith.constant 0 : i32
    %scan3A_54 = arith.constant 0 : i32
    %scan3A_55 = arith.constant 40 : i32
    %scan3A_56 = arith.addi %scan3A_54, %scan3A_55 : i32
    %scan3A_57 = arith.constant 1 : i32
    scf.for %scan3A_178 = %scan3A_54 to %scan3A_56 step %scan3A_57  : i32 {
      %mul3A_179 = arith.constant 16 : i32
      %mul3A_180 = arith.muli %scan3A_178, %mul3A_179 : i32
      %get3A = arith.index_cast %mul3A_180 : i32 to index
      %get3A_181 = tpu.vector_load %arg7[%get3A] {strides = array<i32>} : memref<640xf32, #tpu.memory_space<vmem>>, vector<16xf32>,
      %mul3A_182 = arith.constant 16 : i32
      %mul3A_183 = arith.muli %scan3A_178, %mul3A_182 : i32
      %get3A_184 = arith.index_cast %mul3A_183 : i32 to index
      %get3A_185 = tpu.vector_load %arg6[%get3A_184] {strides = array<i32>} : memref<640xf32, #tpu.memory_space<vmem>>, vector<16xf32>,
      %add3A_186 = arith.addf %get3A_181, %get3A_185 : vector<16xf32>
      %mul3A_187 = arith.constant 16 : i32
      %mul3A_188 = arith.muli %scan3A_178, %mul3A_187 : i32
      %swap3A = arith.index_cast %mul3A_188 : i32 to index
      %swap3A_189 = tpu.vector_load %arg7[%swap3A] {strides = array<i32>} : memref<640xf32, #tpu.memory_space<vmem>>, vector<16xf32>,
      tpu.vector_store %arg7[%swap3A], %add3A_186 {strides = array<i32>} : memref<640xf32, #tpu.memory_space<vmem>>, vector<16xf32>,
    }
    %scan3A_58 = arith.constant 40 : i32
    %mul3A_59 = arith.constant 640 : i32
    %mul3A_60 = arith.muli %arg1, %mul3A_59 : i32
    %run_scoped3A_61 = arith.constant 3 : i32
    "tpu.region"() ({
      %run_scoped3A_178 = tpu.sem_alloc : memref<!tpu.dma_semaphore, #tpu.memory_space<semaphore_mem>>
      %dma_start3A = tpu.memref_slice %arg8[%run_scoped3A_61, %mul3A_60] : memref<16x10240xf32, #tpu.memory_space<vmem_shared>> -> memref<1x640xf32, #tpu.memory_space<vmem_shared>>
      %dma_start3A_179 = tpu.memref_squeeze %dma_start3A : memref<1x640xf32, #tpu.memory_space<vmem_shared>> -> memref<640xf32, #tpu.memory_space<vmem_shared>>
      %dma_start3A_180 = tpu.memref_slice %arg8[%run_scoped3A_61, %mul3A_60] : memref<16x10240xf32, #tpu.memory_space<vmem_shared>> -> memref<1x640xf32, #tpu.memory_space<vmem_shared>>
      %dma_start3A_181 = tpu.memref_squeeze %dma_start3A_180 : memref<1x640xf32, #tpu.memory_space<vmem_shared>> -> memref<640xf32, #tpu.memory_space<vmem_shared>>
      tpu.enqueue_dma source(%dma_start3A_181 : memref<640xf32, #tpu.memory_space<vmem_shared>>) target(%arg6 : memref<640xf32, #tpu.memory_space<vmem>>) target_semaphore(%run_scoped3A_178 : memref<!tpu.dma_semaphore, #tpu.memory_space<semaphore_mem>>)
      %dma_wait3A = tpu.memref_slice %arg8[%run_scoped3A_61, %mul3A_60] : memref<16x10240xf32, #tpu.memory_space<vmem_shared>> -> memref<1x640xf32, #tpu.memory_space<vmem_shared>>
      %dma_wait3A_182 = tpu.memref_squeeze %dma_wait3A : memref<1x640xf32, #tpu.memory_space<vmem_shared>> -> memref<640xf32, #tpu.memory_space<vmem_shared>>
      %dma_wait3A_183 = tpu.memref_slice %arg8[%run_scoped3A_61, %mul3A_60] : memref<16x10240xf32, #tpu.memory_space<vmem_shared>> -> memref<1x640xf32, #tpu.memory_space<vmem_shared>>
      %dma_wait3A_184 = tpu.memref_squeeze %dma_wait3A_183 : memref<1x640xf32, #tpu.memory_space<vmem_shared>> -> memref<640xf32, #tpu.memory_space<vmem_shared>>
      tpu.wait_dma2 semaphore(%run_scoped3A_178 : memref<!tpu.dma_semaphore, #tpu.memory_space<semaphore_mem>>) src(%dma_wait3A_184 : memref<640xf32, #tpu.memory_space<vmem_shared>>) dst(%arg6 : memref<640xf32, #tpu.memory_space<vmem>>)
      tpu.yield
    }) : () -> ()
    %scan3A_62 = arith.constant 0 : i32
    %scan3A_63 = arith.constant 0 : i32
    %scan3A_64 = arith.constant 40 : i32
    %scan3A_65 = arith.addi %scan3A_63, %scan3A_64 : i32
    %scan3A_66 = arith.constant 1 : i32
    scf.for %scan3A_178 = %scan3A_63 to %scan3A_65 step %scan3A_66  : i32 {
      %mul3A_179 = arith.constant 16 : i32
      %mul3A_180 = arith.muli %scan3A_178, %mul3A_179 : i32
      %get3A = arith.index_cast %mul3A_180 : i32 to index
      %get3A_181 = tpu.vector_load %arg7[%get3A] {strides = array<i32>} : memref<640xf32, #tpu.memory_space<vmem>>, vector<16xf32>,
      %mul3A_182 = arith.constant 16 : i32
      %mul3A_183 = arith.muli %scan3A_178, %mul3A_182 : i32
      %get3A_184 = arith.index_cast %mul3A_183 : i32 to index
      %get3A_185 = tpu.vector_load %arg6[%get3A_184] {strides = array<i32>} : memref<640xf32, #tpu.memory_space<vmem>>, vector<16xf32>,
      %add3A_186 = arith.addf %get3A_181, %get3A_185 : vector<16xf32>
      %mul3A_187 = arith.constant 16 : i32
      %mul3A_188 = arith.muli %scan3A_178, %mul3A_187 : i32
      %swap3A = arith.index_cast %mul3A_188 : i32 to index
      %swap3A_189 = tpu.vector_load %arg7[%swap3A] {strides = array<i32>} : memref<640xf32, #tpu.memory_space<vmem>>, vector<16xf32>,
      tpu.vector_store %arg7[%swap3A], %add3A_186 {strides = array<i32>} : memref<640xf32, #tpu.memory_space<vmem>>, vector<16xf32>,
    }
    %scan3A_67 = arith.constant 40 : i32
    %mul3A_68 = arith.constant 640 : i32
    %mul3A_69 = arith.muli %arg1, %mul3A_68 : i32
    %run_scoped3A_70 = arith.constant 4 : i32
    "tpu.region"() ({
      %run_scoped3A_178 = tpu.sem_alloc : memref<!tpu.dma_semaphore, #tpu.memory_space<semaphore_mem>>
      %dma_start3A = tpu.memref_slice %arg8[%run_scoped3A_70, %mul3A_69] : memref<16x10240xf32, #tpu.memory_space<vmem_shared>> -> memref<1x640xf32, #tpu.memory_space<vmem_shared>>
      %dma_start3A_179 = tpu.memref_squeeze %dma_start3A : memref<1x640xf32, #tpu.memory_space<vmem_shared>> -> memref<640xf32, #tpu.memory_space<vmem_shared>>
      %dma_start3A_180 = tpu.memref_slice %arg8[%run_scoped3A_70, %mul3A_69] : memref<16x10240xf32, #tpu.memory_space<vmem_shared>> -> memref<1x640xf32, #tpu.memory_space<vmem_shared>>
      %dma_start3A_181 = tpu.memref_squeeze %dma_start3A_180 : memref<1x640xf32, #tpu.memory_space<vmem_shared>> -> memref<640xf32, #tpu.memory_space<vmem_shared>>
      tpu.enqueue_dma source(%dma_start3A_181 : memref<640xf32, #tpu.memory_space<vmem_shared>>) target(%arg6 : memref<640xf32, #tpu.memory_space<vmem>>) target_semaphore(%run_scoped3A_178 : memref<!tpu.dma_semaphore, #tpu.memory_space<semaphore_mem>>)
      %dma_wait3A = tpu.memref_slice %arg8[%run_scoped3A_70, %mul3A_69] : memref<16x10240xf32, #tpu.memory_space<vmem_shared>> -> memref<1x640xf32, #tpu.memory_space<vmem_shared>>
      %dma_wait3A_182 = tpu.memref_squeeze %dma_wait3A : memref<1x640xf32, #tpu.memory_space<vmem_shared>> -> memref<640xf32, #tpu.memory_space<vmem_shared>>
      %dma_wait3A_183 = tpu.memref_slice %arg8[%run_scoped3A_70, %mul3A_69] : memref<16x10240xf32, #tpu.memory_space<vmem_shared>> -> memref<1x640xf32, #tpu.memory_space<vmem_shared>>
      %dma_wait3A_184 = tpu.memref_squeeze %dma_wait3A_183 : memref<1x640xf32, #tpu.memory_space<vmem_shared>> -> memref<640xf32, #tpu.memory_space<vmem_shared>>
      tpu.wait_dma2 semaphore(%run_scoped3A_178 : memref<!tpu.dma_semaphore, #tpu.memory_space<semaphore_mem>>) src(%dma_wait3A_184 : memref<640xf32, #tpu.memory_space<vmem_shared>>) dst(%arg6 : memref<640xf32, #tpu.memory_space<vmem>>)
      tpu.yield
    }) : () -> ()
    %scan3A_71 = arith.constant 0 : i32
    %scan3A_72 = arith.constant 0 : i32
    %scan3A_73 = arith.constant 40 : i32
    %scan3A_74 = arith.addi %scan3A_72, %scan3A_73 : i32
    %scan3A_75 = arith.constant 1 : i32
    scf.for %scan3A_178 = %scan3A_72 to %scan3A_74 step %scan3A_75  : i32 {
      %mul3A_179 = arith.constant 16 : i32
      %mul3A_180 = arith.muli %scan3A_178, %mul3A_179 : i32
      %get3A = arith.index_cast %mul3A_180 : i32 to index
      %get3A_181 = tpu.vector_load %arg7[%get3A] {strides = array<i32>} : memref<640xf32, #tpu.memory_space<vmem>>, vector<16xf32>,
      %mul3A_182 = arith.constant 16 : i32
      %mul3A_183 = arith.muli %scan3A_178, %mul3A_182 : i32
      %get3A_184 = arith.index_cast %mul3A_183 : i32 to index
      %get3A_185 = tpu.vector_load %arg6[%get3A_184] {strides = array<i32>} : memref<640xf32, #tpu.memory_space<vmem>>, vector<16xf32>,
      %add3A_186 = arith.addf %get3A_181, %get3A_185 : vector<16xf32>
      %mul3A_187 = arith.constant 16 : i32
      %mul3A_188 = arith.muli %scan3A_178, %mul3A_187 : i32
      %swap3A = arith.index_cast %mul3A_188 : i32 to index
      %swap3A_189 = tpu.vector_load %arg7[%swap3A] {strides = array<i32>} : memref<640xf32, #tpu.memory_space<vmem>>, vector<16xf32>,
      tpu.vector_store %arg7[%swap3A], %add3A_186 {strides = array<i32>} : memref<640xf32, #tpu.memory_space<vmem>>, vector<16xf32>,
    }
    %scan3A_76 = arith.constant 40 : i32
    %mul3A_77 = arith.constant 640 : i32
    %mul3A_78 = arith.muli %arg1, %mul3A_77 : i32
    %run_scoped3A_79 = arith.constant 5 : i32
    "tpu.region"() ({
      %run_scoped3A_178 = tpu.sem_alloc : memref<!tpu.dma_semaphore, #tpu.memory_space<semaphore_mem>>
      %dma_start3A = tpu.memref_slice %arg8[%run_scoped3A_79, %mul3A_78] : memref<16x10240xf32, #tpu.memory_space<vmem_shared>> -> memref<1x640xf32, #tpu.memory_space<vmem_shared>>
      %dma_start3A_179 = tpu.memref_squeeze %dma_start3A : memref<1x640xf32, #tpu.memory_space<vmem_shared>> -> memref<640xf32, #tpu.memory_space<vmem_shared>>
      %dma_start3A_180 = tpu.memref_slice %arg8[%run_scoped3A_79, %mul3A_78] : memref<16x10240xf32, #tpu.memory_space<vmem_shared>> -> memref<1x640xf32, #tpu.memory_space<vmem_shared>>
      %dma_start3A_181 = tpu.memref_squeeze %dma_start3A_180 : memref<1x640xf32, #tpu.memory_space<vmem_shared>> -> memref<640xf32, #tpu.memory_space<vmem_shared>>
      tpu.enqueue_dma source(%dma_start3A_181 : memref<640xf32, #tpu.memory_space<vmem_shared>>) target(%arg6 : memref<640xf32, #tpu.memory_space<vmem>>) target_semaphore(%run_scoped3A_178 : memref<!tpu.dma_semaphore, #tpu.memory_space<semaphore_mem>>)
      %dma_wait3A = tpu.memref_slice %arg8[%run_scoped3A_79, %mul3A_78] : memref<16x10240xf32, #tpu.memory_space<vmem_shared>> -> memref<1x640xf32, #tpu.memory_space<vmem_shared>>
      %dma_wait3A_182 = tpu.memref_squeeze %dma_wait3A : memref<1x640xf32, #tpu.memory_space<vmem_shared>> -> memref<640xf32, #tpu.memory_space<vmem_shared>>
      %dma_wait3A_183 = tpu.memref_slice %arg8[%run_scoped3A_79, %mul3A_78] : memref<16x10240xf32, #tpu.memory_space<vmem_shared>> -> memref<1x640xf32, #tpu.memory_space<vmem_shared>>
      %dma_wait3A_184 = tpu.memref_squeeze %dma_wait3A_183 : memref<1x640xf32, #tpu.memory_space<vmem_shared>> -> memref<640xf32, #tpu.memory_space<vmem_shared>>
      tpu.wait_dma2 semaphore(%run_scoped3A_178 : memref<!tpu.dma_semaphore, #tpu.memory_space<semaphore_mem>>) src(%dma_wait3A_184 : memref<640xf32, #tpu.memory_space<vmem_shared>>) dst(%arg6 : memref<640xf32, #tpu.memory_space<vmem>>)
      tpu.yield
    }) : () -> ()
    %scan3A_80 = arith.constant 0 : i32
    %scan3A_81 = arith.constant 0 : i32
    %scan3A_82 = arith.constant 40 : i32
    %scan3A_83 = arith.addi %scan3A_81, %scan3A_82 : i32
    %scan3A_84 = arith.constant 1 : i32
    scf.for %scan3A_178 = %scan3A_81 to %scan3A_83 step %scan3A_84  : i32 {
      %mul3A_179 = arith.constant 16 : i32
      %mul3A_180 = arith.muli %scan3A_178, %mul3A_179 : i32
      %get3A = arith.index_cast %mul3A_180 : i32 to index
      %get3A_181 = tpu.vector_load %arg7[%get3A] {strides = array<i32>} : memref<640xf32, #tpu.memory_space<vmem>>, vector<16xf32>,
      %mul3A_182 = arith.constant 16 : i32
      %mul3A_183 = arith.muli %scan3A_178, %mul3A_182 : i32
      %get3A_184 = arith.index_cast %mul3A_183 : i32 to index
      %get3A_185 = tpu.vector_load %arg6[%get3A_184] {strides = array<i32>} : memref<640xf32, #tpu.memory_space<vmem>>, vector<16xf32>,
      %add3A_186 = arith.addf %get3A_181, %get3A_185 : vector<16xf32>
      %mul3A_187 = arith.constant 16 : i32
      %mul3A_188 = arith.muli %scan3A_178, %mul3A_187 : i32
      %swap3A = arith.index_cast %mul3A_188 : i32 to index
      %swap3A_189 = tpu.vector_load %arg7[%swap3A] {strides = array<i32>} : memref<640xf32, #tpu.memory_space<vmem>>, vector<16xf32>,
      tpu.vector_store %arg7[%swap3A], %add3A_186 {strides = array<i32>} : memref<640xf32, #tpu.memory_space<vmem>>, vector<16xf32>,
    }
    %scan3A_85 = arith.constant 40 : i32
    %mul3A_86 = arith.constant 640 : i32
    %mul3A_87 = arith.muli %arg1, %mul3A_86 : i32
    %run_scoped3A_88 = arith.constant 6 : i32
    "tpu.region"() ({
      %run_scoped3A_178 = tpu.sem_alloc : memref<!tpu.dma_semaphore, #tpu.memory_space<semaphore_mem>>
      %dma_start3A = tpu.memref_slice %arg8[%run_scoped3A_88, %mul3A_87] : memref<16x10240xf32, #tpu.memory_space<vmem_shared>> -> memref<1x640xf32, #tpu.memory_space<vmem_shared>>
      %dma_start3A_179 = tpu.memref_squeeze %dma_start3A : memref<1x640xf32, #tpu.memory_space<vmem_shared>> -> memref<640xf32, #tpu.memory_space<vmem_shared>>
      %dma_start3A_180 = tpu.memref_slice %arg8[%run_scoped3A_88, %mul3A_87] : memref<16x10240xf32, #tpu.memory_space<vmem_shared>> -> memref<1x640xf32, #tpu.memory_space<vmem_shared>>
      %dma_start3A_181 = tpu.memref_squeeze %dma_start3A_180 : memref<1x640xf32, #tpu.memory_space<vmem_shared>> -> memref<640xf32, #tpu.memory_space<vmem_shared>>
      tpu.enqueue_dma source(%dma_start3A_181 : memref<640xf32, #tpu.memory_space<vmem_shared>>) target(%arg6 : memref<640xf32, #tpu.memory_space<vmem>>) target_semaphore(%run_scoped3A_178 : memref<!tpu.dma_semaphore, #tpu.memory_space<semaphore_mem>>)
      %dma_wait3A = tpu.memref_slice %arg8[%run_scoped3A_88, %mul3A_87] : memref<16x10240xf32, #tpu.memory_space<vmem_shared>> -> memref<1x640xf32, #tpu.memory_space<vmem_shared>>
      %dma_wait3A_182 = tpu.memref_squeeze %dma_wait3A : memref<1x640xf32, #tpu.memory_space<vmem_shared>> -> memref<640xf32, #tpu.memory_space<vmem_shared>>
      %dma_wait3A_183 = tpu.memref_slice %arg8[%run_scoped3A_88, %mul3A_87] : memref<16x10240xf32, #tpu.memory_space<vmem_shared>> -> memref<1x640xf32, #tpu.memory_space<vmem_shared>>
      %dma_wait3A_184 = tpu.memref_squeeze %dma_wait3A_183 : memref<1x640xf32, #tpu.memory_space<vmem_shared>> -> memref<640xf32, #tpu.memory_space<vmem_shared>>
      tpu.wait_dma2 semaphore(%run_scoped3A_178 : memref<!tpu.dma_semaphore, #tpu.memory_space<semaphore_mem>>) src(%dma_wait3A_184 : memref<640xf32, #tpu.memory_space<vmem_shared>>) dst(%arg6 : memref<640xf32, #tpu.memory_space<vmem>>)
      tpu.yield
    }) : () -> ()
    %scan3A_89 = arith.constant 0 : i32
    %scan3A_90 = arith.constant 0 : i32
    %scan3A_91 = arith.constant 40 : i32
    %scan3A_92 = arith.addi %scan3A_90, %scan3A_91 : i32
    %scan3A_93 = arith.constant 1 : i32
    scf.for %scan3A_178 = %scan3A_90 to %scan3A_92 step %scan3A_93  : i32 {
      %mul3A_179 = arith.constant 16 : i32
      %mul3A_180 = arith.muli %scan3A_178, %mul3A_179 : i32
      %get3A = arith.index_cast %mul3A_180 : i32 to index
      %get3A_181 = tpu.vector_load %arg7[%get3A] {strides = array<i32>} : memref<640xf32, #tpu.memory_space<vmem>>, vector<16xf32>,
      %mul3A_182 = arith.constant 16 : i32
      %mul3A_183 = arith.muli %scan3A_178, %mul3A_182 : i32
      %get3A_184 = arith.index_cast %mul3A_183 : i32 to index
      %get3A_185 = tpu.vector_load %arg6[%get3A_184] {strides = array<i32>} : memref<640xf32, #tpu.memory_space<vmem>>, vector<16xf32>,
      %add3A_186 = arith.addf %get3A_181, %get3A_185 : vector<16xf32>
      %mul3A_187 = arith.constant 16 : i32
      %mul3A_188 = arith.muli %scan3A_178, %mul3A_187 : i32
      %swap3A = arith.index_cast %mul3A_188 : i32 to index
      %swap3A_189 = tpu.vector_load %arg7[%swap3A] {strides = array<i32>} : memref<640xf32, #tpu.memory_space<vmem>>, vector<16xf32>,
      tpu.vector_store %arg7[%swap3A], %add3A_186 {strides = array<i32>} : memref<640xf32, #tpu.memory_space<vmem>>, vector<16xf32>,
    }
    %scan3A_94 = arith.constant 40 : i32
    %mul3A_95 = arith.constant 640 : i32
    %mul3A_96 = arith.muli %arg1, %mul3A_95 : i32
    %run_scoped3A_97 = arith.constant 7 : i32
    "tpu.region"() ({
      %run_scoped3A_178 = tpu.sem_alloc : memref<!tpu.dma_semaphore, #tpu.memory_space<semaphore_mem>>
      %dma_start3A = tpu.memref_slice %arg8[%run_scoped3A_97, %mul3A_96] : memref<16x10240xf32, #tpu.memory_space<vmem_shared>> -> memref<1x640xf32, #tpu.memory_space<vmem_shared>>
      %dma_start3A_179 = tpu.memref_squeeze %dma_start3A : memref<1x640xf32, #tpu.memory_space<vmem_shared>> -> memref<640xf32, #tpu.memory_space<vmem_shared>>
      %dma_start3A_180 = tpu.memref_slice %arg8[%run_scoped3A_97, %mul3A_96] : memref<16x10240xf32, #tpu.memory_space<vmem_shared>> -> memref<1x640xf32, #tpu.memory_space<vmem_shared>>
      %dma_start3A_181 = tpu.memref_squeeze %dma_start3A_180 : memref<1x640xf32, #tpu.memory_space<vmem_shared>> -> memref<640xf32, #tpu.memory_space<vmem_shared>>
      tpu.enqueue_dma source(%dma_start3A_181 : memref<640xf32, #tpu.memory_space<vmem_shared>>) target(%arg6 : memref<640xf32, #tpu.memory_space<vmem>>) target_semaphore(%run_scoped3A_178 : memref<!tpu.dma_semaphore, #tpu.memory_space<semaphore_mem>>)
      %dma_wait3A = tpu.memref_slice %arg8[%run_scoped3A_97, %mul3A_96] : memref<16x10240xf32, #tpu.memory_space<vmem_shared>> -> memref<1x640xf32, #tpu.memory_space<vmem_shared>>
      %dma_wait3A_182 = tpu.memref_squeeze %dma_wait3A : memref<1x640xf32, #tpu.memory_space<vmem_shared>> -> memref<640xf32, #tpu.memory_space<vmem_shared>>
      %dma_wait3A_183 = tpu.memref_slice %arg8[%run_scoped3A_97, %mul3A_96] : memref<16x10240xf32, #tpu.memory_space<vmem_shared>> -> memref<1x640xf32, #tpu.memory_space<vmem_shared>>
      %dma_wait3A_184 = tpu.memref_squeeze %dma_wait3A_183 : memref<1x640xf32, #tpu.memory_space<vmem_shared>> -> memref<640xf32, #tpu.memory_space<vmem_shared>>
      tpu.wait_dma2 semaphore(%run_scoped3A_178 : memref<!tpu.dma_semaphore, #tpu.memory_space<semaphore_mem>>) src(%dma_wait3A_184 : memref<640xf32, #tpu.memory_space<vmem_shared>>) dst(%arg6 : memref<640xf32, #tpu.memory_space<vmem>>)
      tpu.yield
    }) : () -> ()
    %scan3A_98 = arith.constant 0 : i32
    %scan3A_99 = arith.constant 0 : i32
    %scan3A_100 = arith.constant 40 : i32
    %scan3A_101 = arith.addi %scan3A_99, %scan3A_100 : i32
    %scan3A_102 = arith.constant 1 : i32
    scf.for %scan3A_178 = %scan3A_99 to %scan3A_101 step %scan3A_102  : i32 {
      %mul3A_179 = arith.constant 16 : i32
      %mul3A_180 = arith.muli %scan3A_178, %mul3A_179 : i32
      %get3A = arith.index_cast %mul3A_180 : i32 to index
      %get3A_181 = tpu.vector_load %arg7[%get3A] {strides = array<i32>} : memref<640xf32, #tpu.memory_space<vmem>>, vector<16xf32>,
      %mul3A_182 = arith.constant 16 : i32
      %mul3A_183 = arith.muli %scan3A_178, %mul3A_182 : i32
      %get3A_184 = arith.index_cast %mul3A_183 : i32 to index
      %get3A_185 = tpu.vector_load %arg6[%get3A_184] {strides = array<i32>} : memref<640xf32, #tpu.memory_space<vmem>>, vector<16xf32>,
      %add3A_186 = arith.addf %get3A_181, %get3A_185 : vector<16xf32>
      %mul3A_187 = arith.constant 16 : i32
      %mul3A_188 = arith.muli %scan3A_178, %mul3A_187 : i32
      %swap3A = arith.index_cast %mul3A_188 : i32 to index
      %swap3A_189 = tpu.vector_load %arg7[%swap3A] {strides = array<i32>} : memref<640xf32, #tpu.memory_space<vmem>>, vector<16xf32>,
      tpu.vector_store %arg7[%swap3A], %add3A_186 {strides = array<i32>} : memref<640xf32, #tpu.memory_space<vmem>>, vector<16xf32>,
    }
    %scan3A_103 = arith.constant 40 : i32
    %mul3A_104 = arith.constant 640 : i32
    %mul3A_105 = arith.muli %arg1, %mul3A_104 : i32
    %run_scoped3A_106 = arith.constant 8 : i32
    "tpu.region"() ({
      %run_scoped3A_178 = tpu.sem_alloc : memref<!tpu.dma_semaphore, #tpu.memory_space<semaphore_mem>>
      %dma_start3A = tpu.memref_slice %arg8[%run_scoped3A_106, %mul3A_105] : memref<16x10240xf32, #tpu.memory_space<vmem_shared>> -> memref<1x640xf32, #tpu.memory_space<vmem_shared>>
      %dma_start3A_179 = tpu.memref_squeeze %dma_start3A : memref<1x640xf32, #tpu.memory_space<vmem_shared>> -> memref<640xf32, #tpu.memory_space<vmem_shared>>
      %dma_start3A_180 = tpu.memref_slice %arg8[%run_scoped3A_106, %mul3A_105] : memref<16x10240xf32, #tpu.memory_space<vmem_shared>> -> memref<1x640xf32, #tpu.memory_space<vmem_shared>>
      %dma_start3A_181 = tpu.memref_squeeze %dma_start3A_180 : memref<1x640xf32, #tpu.memory_space<vmem_shared>> -> memref<640xf32, #tpu.memory_space<vmem_shared>>
      tpu.enqueue_dma source(%dma_start3A_181 : memref<640xf32, #tpu.memory_space<vmem_shared>>) target(%arg6 : memref<640xf32, #tpu.memory_space<vmem>>) target_semaphore(%run_scoped3A_178 : memref<!tpu.dma_semaphore, #tpu.memory_space<semaphore_mem>>)
      %dma_wait3A = tpu.memref_slice %arg8[%run_scoped3A_106, %mul3A_105] : memref<16x10240xf32, #tpu.memory_space<vmem_shared>> -> memref<1x640xf32, #tpu.memory_space<vmem_shared>>
      %dma_wait3A_182 = tpu.memref_squeeze %dma_wait3A : memref<1x640xf32, #tpu.memory_space<vmem_shared>> -> memref<640xf32, #tpu.memory_space<vmem_shared>>
      %dma_wait3A_183 = tpu.memref_slice %arg8[%run_scoped3A_106, %mul3A_105] : memref<16x10240xf32, #tpu.memory_space<vmem_shared>> -> memref<1x640xf32, #tpu.memory_space<vmem_shared>>
      %dma_wait3A_184 = tpu.memref_squeeze %dma_wait3A_183 : memref<1x640xf32, #tpu.memory_space<vmem_shared>> -> memref<640xf32, #tpu.memory_space<vmem_shared>>
      tpu.wait_dma2 semaphore(%run_scoped3A_178 : memref<!tpu.dma_semaphore, #tpu.memory_space<semaphore_mem>>) src(%dma_wait3A_184 : memref<640xf32, #tpu.memory_space<vmem_shared>>) dst(%arg6 : memref<640xf32, #tpu.memory_space<vmem>>)
      tpu.yield
    }) : () -> ()
    %scan3A_107 = arith.constant 0 : i32
    %scan3A_108 = arith.constant 0 : i32
    %scan3A_109 = arith.constant 40 : i32
    %scan3A_110 = arith.addi %scan3A_108, %scan3A_109 : i32
    %scan3A_111 = arith.constant 1 : i32
    scf.for %scan3A_178 = %scan3A_108 to %scan3A_110 step %scan3A_111  : i32 {
      %mul3A_179 = arith.constant 16 : i32
      %mul3A_180 = arith.muli %scan3A_178, %mul3A_179 : i32
      %get3A = arith.index_cast %mul3A_180 : i32 to index
      %get3A_181 = tpu.vector_load %arg7[%get3A] {strides = array<i32>} : memref<640xf32, #tpu.memory_space<vmem>>, vector<16xf32>,
      %mul3A_182 = arith.constant 16 : i32
      %mul3A_183 = arith.muli %scan3A_178, %mul3A_182 : i32
      %get3A_184 = arith.index_cast %mul3A_183 : i32 to index
      %get3A_185 = tpu.vector_load %arg6[%get3A_184] {strides = array<i32>} : memref<640xf32, #tpu.memory_space<vmem>>, vector<16xf32>,
      %add3A_186 = arith.addf %get3A_181, %get3A_185 : vector<16xf32>
      %mul3A_187 = arith.constant 16 : i32
      %mul3A_188 = arith.muli %scan3A_178, %mul3A_187 : i32
      %swap3A = arith.index_cast %mul3A_188 : i32 to index
      %swap3A_189 = tpu.vector_load %arg7[%swap3A] {strides = array<i32>} : memref<640xf32, #tpu.memory_space<vmem>>, vector<16xf32>,
      tpu.vector_store %arg7[%swap3A], %add3A_186 {strides = array<i32>} : memref<640xf32, #tpu.memory_space<vmem>>, vector<16xf32>,
    }
    %scan3A_112 = arith.constant 40 : i32
    %mul3A_113 = arith.constant 640 : i32
    %mul3A_114 = arith.muli %arg1, %mul3A_113 : i32
    %run_scoped3A_115 = arith.constant 9 : i32
    "tpu.region"() ({
      %run_scoped3A_178 = tpu.sem_alloc : memref<!tpu.dma_semaphore, #tpu.memory_space<semaphore_mem>>
      %dma_start3A = tpu.memref_slice %arg8[%run_scoped3A_115, %mul3A_114] : memref<16x10240xf32, #tpu.memory_space<vmem_shared>> -> memref<1x640xf32, #tpu.memory_space<vmem_shared>>
      %dma_start3A_179 = tpu.memref_squeeze %dma_start3A : memref<1x640xf32, #tpu.memory_space<vmem_shared>> -> memref<640xf32, #tpu.memory_space<vmem_shared>>
      %dma_start3A_180 = tpu.memref_slice %arg8[%run_scoped3A_115, %mul3A_114] : memref<16x10240xf32, #tpu.memory_space<vmem_shared>> -> memref<1x640xf32, #tpu.memory_space<vmem_shared>>
      %dma_start3A_181 = tpu.memref_squeeze %dma_start3A_180 : memref<1x640xf32, #tpu.memory_space<vmem_shared>> -> memref<640xf32, #tpu.memory_space<vmem_shared>>
      tpu.enqueue_dma source(%dma_start3A_181 : memref<640xf32, #tpu.memory_space<vmem_shared>>) target(%arg6 : memref<640xf32, #tpu.memory_space<vmem>>) target_semaphore(%run_scoped3A_178 : memref<!tpu.dma_semaphore, #tpu.memory_space<semaphore_mem>>)
      %dma_wait3A = tpu.memref_slice %arg8[%run_scoped3A_115, %mul3A_114] : memref<16x10240xf32, #tpu.memory_space<vmem_shared>> -> memref<1x640xf32, #tpu.memory_space<vmem_shared>>
      %dma_wait3A_182 = tpu.memref_squeeze %dma_wait3A : memref<1x640xf32, #tpu.memory_space<vmem_shared>> -> memref<640xf32, #tpu.memory_space<vmem_shared>>
      %dma_wait3A_183 = tpu.memref_slice %arg8[%run_scoped3A_115, %mul3A_114] : memref<16x10240xf32, #tpu.memory_space<vmem_shared>> -> memref<1x640xf32, #tpu.memory_space<vmem_shared>>
      %dma_wait3A_184 = tpu.memref_squeeze %dma_wait3A_183 : memref<1x640xf32, #tpu.memory_space<vmem_shared>> -> memref<640xf32, #tpu.memory_space<vmem_shared>>
      tpu.wait_dma2 semaphore(%run_scoped3A_178 : memref<!tpu.dma_semaphore, #tpu.memory_space<semaphore_mem>>) src(%dma_wait3A_184 : memref<640xf32, #tpu.memory_space<vmem_shared>>) dst(%arg6 : memref<640xf32, #tpu.memory_space<vmem>>)
      tpu.yield
    }) : () -> ()
    %scan3A_116 = arith.constant 0 : i32
    %scan3A_117 = arith.constant 0 : i32
    %scan3A_118 = arith.constant 40 : i32
    %scan3A_119 = arith.addi %scan3A_117, %scan3A_118 : i32
    %scan3A_120 = arith.constant 1 : i32
    scf.for %scan3A_178 = %scan3A_117 to %scan3A_119 step %scan3A_120  : i32 {
      %mul3A_179 = arith.constant 16 : i32
      %mul3A_180 = arith.muli %scan3A_178, %mul3A_179 : i32
      %get3A = arith.index_cast %mul3A_180 : i32 to index
      %get3A_181 = tpu.vector_load %arg7[%get3A] {strides = array<i32>} : memref<640xf32, #tpu.memory_space<vmem>>, vector<16xf32>,
      %mul3A_182 = arith.constant 16 : i32
      %mul3A_183 = arith.muli %scan3A_178, %mul3A_182 : i32
      %get3A_184 = arith.index_cast %mul3A_183 : i32 to index
      %get3A_185 = tpu.vector_load %arg6[%get3A_184] {strides = array<i32>} : memref<640xf32, #tpu.memory_space<vmem>>, vector<16xf32>,
      %add3A_186 = arith.addf %get3A_181, %get3A_185 : vector<16xf32>
      %mul3A_187 = arith.constant 16 : i32
      %mul3A_188 = arith.muli %scan3A_178, %mul3A_187 : i32
      %swap3A = arith.index_cast %mul3A_188 : i32 to index
      %swap3A_189 = tpu.vector_load %arg7[%swap3A] {strides = array<i32>} : memref<640xf32, #tpu.memory_space<vmem>>, vector<16xf32>,
      tpu.vector_store %arg7[%swap3A], %add3A_186 {strides = array<i32>} : memref<640xf32, #tpu.memory_space<vmem>>, vector<16xf32>,
    }
    %scan3A_121 = arith.constant 40 : i32
    %mul3A_122 = arith.constant 640 : i32
    %mul3A_123 = arith.muli %arg1, %mul3A_122 : i32
    %run_scoped3A_124 = arith.constant 10 : i32
    "tpu.region"() ({
      %run_scoped3A_178 = tpu.sem_alloc : memref<!tpu.dma_semaphore, #tpu.memory_space<semaphore_mem>>
      %dma_start3A = tpu.memref_slice %arg8[%run_scoped3A_124, %mul3A_123] : memref<16x10240xf32, #tpu.memory_space<vmem_shared>> -> memref<1x640xf32, #tpu.memory_space<vmem_shared>>
      %dma_start3A_179 = tpu.memref_squeeze %dma_start3A : memref<1x640xf32, #tpu.memory_space<vmem_shared>> -> memref<640xf32, #tpu.memory_space<vmem_shared>>
      %dma_start3A_180 = tpu.memref_slice %arg8[%run_scoped3A_124, %mul3A_123] : memref<16x10240xf32, #tpu.memory_space<vmem_shared>> -> memref<1x640xf32, #tpu.memory_space<vmem_shared>>
      %dma_start3A_181 = tpu.memref_squeeze %dma_start3A_180 : memref<1x640xf32, #tpu.memory_space<vmem_shared>> -> memref<640xf32, #tpu.memory_space<vmem_shared>>
      tpu.enqueue_dma source(%dma_start3A_181 : memref<640xf32, #tpu.memory_space<vmem_shared>>) target(%arg6 : memref<640xf32, #tpu.memory_space<vmem>>) target_semaphore(%run_scoped3A_178 : memref<!tpu.dma_semaphore, #tpu.memory_space<semaphore_mem>>)
      %dma_wait3A = tpu.memref_slice %arg8[%run_scoped3A_124, %mul3A_123] : memref<16x10240xf32, #tpu.memory_space<vmem_shared>> -> memref<1x640xf32, #tpu.memory_space<vmem_shared>>
      %dma_wait3A_182 = tpu.memref_squeeze %dma_wait3A : memref<1x640xf32, #tpu.memory_space<vmem_shared>> -> memref<640xf32, #tpu.memory_space<vmem_shared>>
      %dma_wait3A_183 = tpu.memref_slice %arg8[%run_scoped3A_124, %mul3A_123] : memref<16x10240xf32, #tpu.memory_space<vmem_shared>> -> memref<1x640xf32, #tpu.memory_space<vmem_shared>>
      %dma_wait3A_184 = tpu.memref_squeeze %dma_wait3A_183 : memref<1x640xf32, #tpu.memory_space<vmem_shared>> -> memref<640xf32, #tpu.memory_space<vmem_shared>>
      tpu.wait_dma2 semaphore(%run_scoped3A_178 : memref<!tpu.dma_semaphore, #tpu.memory_space<semaphore_mem>>) src(%dma_wait3A_184 : memref<640xf32, #tpu.memory_space<vmem_shared>>) dst(%arg6 : memref<640xf32, #tpu.memory_space<vmem>>)
      tpu.yield
    }) : () -> ()
    %scan3A_125 = arith.constant 0 : i32
    %scan3A_126 = arith.constant 0 : i32
    %scan3A_127 = arith.constant 40 : i32
    %scan3A_128 = arith.addi %scan3A_126, %scan3A_127 : i32
    %scan3A_129 = arith.constant 1 : i32
    scf.for %scan3A_178 = %scan3A_126 to %scan3A_128 step %scan3A_129  : i32 {
      %mul3A_179 = arith.constant 16 : i32
      %mul3A_180 = arith.muli %scan3A_178, %mul3A_179 : i32
      %get3A = arith.index_cast %mul3A_180 : i32 to index
      %get3A_181 = tpu.vector_load %arg7[%get3A] {strides = array<i32>} : memref<640xf32, #tpu.memory_space<vmem>>, vector<16xf32>,
      %mul3A_182 = arith.constant 16 : i32
      %mul3A_183 = arith.muli %scan3A_178, %mul3A_182 : i32
      %get3A_184 = arith.index_cast %mul3A_183 : i32 to index
      %get3A_185 = tpu.vector_load %arg6[%get3A_184] {strides = array<i32>} : memref<640xf32, #tpu.memory_space<vmem>>, vector<16xf32>,
      %add3A_186 = arith.addf %get3A_181, %get3A_185 : vector<16xf32>
      %mul3A_187 = arith.constant 16 : i32
      %mul3A_188 = arith.muli %scan3A_178, %mul3A_187 : i32
      %swap3A = arith.index_cast %mul3A_188 : i32 to index
      %swap3A_189 = tpu.vector_load %arg7[%swap3A] {strides = array<i32>} : memref<640xf32, #tpu.memory_space<vmem>>, vector<16xf32>,
      tpu.vector_store %arg7[%swap3A], %add3A_186 {strides = array<i32>} : memref<640xf32, #tpu.memory_space<vmem>>, vector<16xf32>,
    }
    %scan3A_130 = arith.constant 40 : i32
    %mul3A_131 = arith.constant 640 : i32
    %mul3A_132 = arith.muli %arg1, %mul3A_131 : i32
    %run_scoped3A_133 = arith.constant 11 : i32
    "tpu.region"() ({
      %run_scoped3A_178 = tpu.sem_alloc : memref<!tpu.dma_semaphore, #tpu.memory_space<semaphore_mem>>
      %dma_start3A = tpu.memref_slice %arg8[%run_scoped3A_133, %mul3A_132] : memref<16x10240xf32, #tpu.memory_space<vmem_shared>> -> memref<1x640xf32, #tpu.memory_space<vmem_shared>>
      %dma_start3A_179 = tpu.memref_squeeze %dma_start3A : memref<1x640xf32, #tpu.memory_space<vmem_shared>> -> memref<640xf32, #tpu.memory_space<vmem_shared>>
      %dma_start3A_180 = tpu.memref_slice %arg8[%run_scoped3A_133, %mul3A_132] : memref<16x10240xf32, #tpu.memory_space<vmem_shared>> -> memref<1x640xf32, #tpu.memory_space<vmem_shared>>
      %dma_start3A_181 = tpu.memref_squeeze %dma_start3A_180 : memref<1x640xf32, #tpu.memory_space<vmem_shared>> -> memref<640xf32, #tpu.memory_space<vmem_shared>>
      tpu.enqueue_dma source(%dma_start3A_181 : memref<640xf32, #tpu.memory_space<vmem_shared>>) target(%arg6 : memref<640xf32, #tpu.memory_space<vmem>>) target_semaphore(%run_scoped3A_178 : memref<!tpu.dma_semaphore, #tpu.memory_space<semaphore_mem>>)
      %dma_wait3A = tpu.memref_slice %arg8[%run_scoped3A_133, %mul3A_132] : memref<16x10240xf32, #tpu.memory_space<vmem_shared>> -> memref<1x640xf32, #tpu.memory_space<vmem_shared>>
      %dma_wait3A_182 = tpu.memref_squeeze %dma_wait3A : memref<1x640xf32, #tpu.memory_space<vmem_shared>> -> memref<640xf32, #tpu.memory_space<vmem_shared>>
      %dma_wait3A_183 = tpu.memref_slice %arg8[%run_scoped3A_133, %mul3A_132] : memref<16x10240xf32, #tpu.memory_space<vmem_shared>> -> memref<1x640xf32, #tpu.memory_space<vmem_shared>>
      %dma_wait3A_184 = tpu.memref_squeeze %dma_wait3A_183 : memref<1x640xf32, #tpu.memory_space<vmem_shared>> -> memref<640xf32, #tpu.memory_space<vmem_shared>>
      tpu.wait_dma2 semaphore(%run_scoped3A_178 : memref<!tpu.dma_semaphore, #tpu.memory_space<semaphore_mem>>) src(%dma_wait3A_184 : memref<640xf32, #tpu.memory_space<vmem_shared>>) dst(%arg6 : memref<640xf32, #tpu.memory_space<vmem>>)
      tpu.yield
    }) : () -> ()
    %scan3A_134 = arith.constant 0 : i32
    %scan3A_135 = arith.constant 0 : i32
    %scan3A_136 = arith.constant 40 : i32
    %scan3A_137 = arith.addi %scan3A_135, %scan3A_136 : i32
    %scan3A_138 = arith.constant 1 : i32
    scf.for %scan3A_178 = %scan3A_135 to %scan3A_137 step %scan3A_138  : i32 {
      %mul3A_179 = arith.constant 16 : i32
      %mul3A_180 = arith.muli %scan3A_178, %mul3A_179 : i32
      %get3A = arith.index_cast %mul3A_180 : i32 to index
      %get3A_181 = tpu.vector_load %arg7[%get3A] {strides = array<i32>} : memref<640xf32, #tpu.memory_space<vmem>>, vector<16xf32>,
      %mul3A_182 = arith.constant 16 : i32
      %mul3A_183 = arith.muli %scan3A_178, %mul3A_182 : i32
      %get3A_184 = arith.index_cast %mul3A_183 : i32 to index
      %get3A_185 = tpu.vector_load %arg6[%get3A_184] {strides = array<i32>} : memref<640xf32, #tpu.memory_space<vmem>>, vector<16xf32>,
      %add3A_186 = arith.addf %get3A_181, %get3A_185 : vector<16xf32>
      %mul3A_187 = arith.constant 16 : i32
      %mul3A_188 = arith.muli %scan3A_178, %mul3A_187 : i32
      %swap3A = arith.index_cast %mul3A_188 : i32 to index
      %swap3A_189 = tpu.vector_load %arg7[%swap3A] {strides = array<i32>} : memref<640xf32, #tpu.memory_space<vmem>>, vector<16xf32>,
      tpu.vector_store %arg7[%swap3A], %add3A_186 {strides = array<i32>} : memref<640xf32, #tpu.memory_space<vmem>>, vector<16xf32>,
    }
    %scan3A_139 = arith.constant 40 : i32
    %mul3A_140 = arith.constant 640 : i32
    %mul3A_141 = arith.muli %arg1, %mul3A_140 : i32
    %run_scoped3A_142 = arith.constant 12 : i32
    "tpu.region"() ({
      %run_scoped3A_178 = tpu.sem_alloc : memref<!tpu.dma_semaphore, #tpu.memory_space<semaphore_mem>>
      %dma_start3A = tpu.memref_slice %arg8[%run_scoped3A_142, %mul3A_141] : memref<16x10240xf32, #tpu.memory_space<vmem_shared>> -> memref<1x640xf32, #tpu.memory_space<vmem_shared>>
      %dma_start3A_179 = tpu.memref_squeeze %dma_start3A : memref<1x640xf32, #tpu.memory_space<vmem_shared>> -> memref<640xf32, #tpu.memory_space<vmem_shared>>
      %dma_start3A_180 = tpu.memref_slice %arg8[%run_scoped3A_142, %mul3A_141] : memref<16x10240xf32, #tpu.memory_space<vmem_shared>> -> memref<1x640xf32, #tpu.memory_space<vmem_shared>>
      %dma_start3A_181 = tpu.memref_squeeze %dma_start3A_180 : memref<1x640xf32, #tpu.memory_space<vmem_shared>> -> memref<640xf32, #tpu.memory_space<vmem_shared>>
      tpu.enqueue_dma source(%dma_start3A_181 : memref<640xf32, #tpu.memory_space<vmem_shared>>) target(%arg6 : memref<640xf32, #tpu.memory_space<vmem>>) target_semaphore(%run_scoped3A_178 : memref<!tpu.dma_semaphore, #tpu.memory_space<semaphore_mem>>)
      %dma_wait3A = tpu.memref_slice %arg8[%run_scoped3A_142, %mul3A_141] : memref<16x10240xf32, #tpu.memory_space<vmem_shared>> -> memref<1x640xf32, #tpu.memory_space<vmem_shared>>
      %dma_wait3A_182 = tpu.memref_squeeze %dma_wait3A : memref<1x640xf32, #tpu.memory_space<vmem_shared>> -> memref<640xf32, #tpu.memory_space<vmem_shared>>
      %dma_wait3A_183 = tpu.memref_slice %arg8[%run_scoped3A_142, %mul3A_141] : memref<16x10240xf32, #tpu.memory_space<vmem_shared>> -> memref<1x640xf32, #tpu.memory_space<vmem_shared>>
      %dma_wait3A_184 = tpu.memref_squeeze %dma_wait3A_183 : memref<1x640xf32, #tpu.memory_space<vmem_shared>> -> memref<640xf32, #tpu.memory_space<vmem_shared>>
      tpu.wait_dma2 semaphore(%run_scoped3A_178 : memref<!tpu.dma_semaphore, #tpu.memory_space<semaphore_mem>>) src(%dma_wait3A_184 : memref<640xf32, #tpu.memory_space<vmem_shared>>) dst(%arg6 : memref<640xf32, #tpu.memory_space<vmem>>)
      tpu.yield
    }) : () -> ()
    %scan3A_143 = arith.constant 0 : i32
    %scan3A_144 = arith.constant 0 : i32
    %scan3A_145 = arith.constant 40 : i32
    %scan3A_146 = arith.addi %scan3A_144, %scan3A_145 : i32
    %scan3A_147 = arith.constant 1 : i32
    scf.for %scan3A_178 = %scan3A_144 to %scan3A_146 step %scan3A_147  : i32 {
      %mul3A_179 = arith.constant 16 : i32
      %mul3A_180 = arith.muli %scan3A_178, %mul3A_179 : i32
      %get3A = arith.index_cast %mul3A_180 : i32 to index
      %get3A_181 = tpu.vector_load %arg7[%get3A] {strides = array<i32>} : memref<640xf32, #tpu.memory_space<vmem>>, vector<16xf32>,
      %mul3A_182 = arith.constant 16 : i32
      %mul3A_183 = arith.muli %scan3A_178, %mul3A_182 : i32
      %get3A_184 = arith.index_cast %mul3A_183 : i32 to index
      %get3A_185 = tpu.vector_load %arg6[%get3A_184] {strides = array<i32>} : memref<640xf32, #tpu.memory_space<vmem>>, vector<16xf32>,
      %add3A_186 = arith.addf %get3A_181, %get3A_185 : vector<16xf32>
      %mul3A_187 = arith.constant 16 : i32
      %mul3A_188 = arith.muli %scan3A_178, %mul3A_187 : i32
      %swap3A = arith.index_cast %mul3A_188 : i32 to index
      %swap3A_189 = tpu.vector_load %arg7[%swap3A] {strides = array<i32>} : memref<640xf32, #tpu.memory_space<vmem>>, vector<16xf32>,
      tpu.vector_store %arg7[%swap3A], %add3A_186 {strides = array<i32>} : memref<640xf32, #tpu.memory_space<vmem>>, vector<16xf32>,
    }
    %scan3A_148 = arith.constant 40 : i32
    %mul3A_149 = arith.constant 640 : i32
    %mul3A_150 = arith.muli %arg1, %mul3A_149 : i32
    %run_scoped3A_151 = arith.constant 13 : i32
    "tpu.region"() ({
      %run_scoped3A_178 = tpu.sem_alloc : memref<!tpu.dma_semaphore, #tpu.memory_space<semaphore_mem>>
      %dma_start3A = tpu.memref_slice %arg8[%run_scoped3A_151, %mul3A_150] : memref<16x10240xf32, #tpu.memory_space<vmem_shared>> -> memref<1x640xf32, #tpu.memory_space<vmem_shared>>
      %dma_start3A_179 = tpu.memref_squeeze %dma_start3A : memref<1x640xf32, #tpu.memory_space<vmem_shared>> -> memref<640xf32, #tpu.memory_space<vmem_shared>>
      %dma_start3A_180 = tpu.memref_slice %arg8[%run_scoped3A_151, %mul3A_150] : memref<16x10240xf32, #tpu.memory_space<vmem_shared>> -> memref<1x640xf32, #tpu.memory_space<vmem_shared>>
      %dma_start3A_181 = tpu.memref_squeeze %dma_start3A_180 : memref<1x640xf32, #tpu.memory_space<vmem_shared>> -> memref<640xf32, #tpu.memory_space<vmem_shared>>
      tpu.enqueue_dma source(%dma_start3A_181 : memref<640xf32, #tpu.memory_space<vmem_shared>>) target(%arg6 : memref<640xf32, #tpu.memory_space<vmem>>) target_semaphore(%run_scoped3A_178 : memref<!tpu.dma_semaphore, #tpu.memory_space<semaphore_mem>>)
      %dma_wait3A = tpu.memref_slice %arg8[%run_scoped3A_151, %mul3A_150] : memref<16x10240xf32, #tpu.memory_space<vmem_shared>> -> memref<1x640xf32, #tpu.memory_space<vmem_shared>>
      %dma_wait3A_182 = tpu.memref_squeeze %dma_wait3A : memref<1x640xf32, #tpu.memory_space<vmem_shared>> -> memref<640xf32, #tpu.memory_space<vmem_shared>>
      %dma_wait3A_183 = tpu.memref_slice %arg8[%run_scoped3A_151, %mul3A_150] : memref<16x10240xf32, #tpu.memory_space<vmem_shared>> -> memref<1x640xf32, #tpu.memory_space<vmem_shared>>
      %dma_wait3A_184 = tpu.memref_squeeze %dma_wait3A_183 : memref<1x640xf32, #tpu.memory_space<vmem_shared>> -> memref<640xf32, #tpu.memory_space<vmem_shared>>
      tpu.wait_dma2 semaphore(%run_scoped3A_178 : memref<!tpu.dma_semaphore, #tpu.memory_space<semaphore_mem>>) src(%dma_wait3A_184 : memref<640xf32, #tpu.memory_space<vmem_shared>>) dst(%arg6 : memref<640xf32, #tpu.memory_space<vmem>>)
      tpu.yield
    }) : () -> ()
    %scan3A_152 = arith.constant 0 : i32
    %scan3A_153 = arith.constant 0 : i32
    %scan3A_154 = arith.constant 40 : i32
    %scan3A_155 = arith.addi %scan3A_153, %scan3A_154 : i32
    %scan3A_156 = arith.constant 1 : i32
    scf.for %scan3A_178 = %scan3A_153 to %scan3A_155 step %scan3A_156  : i32 {
      %mul3A_179 = arith.constant 16 : i32
      %mul3A_180 = arith.muli %scan3A_178, %mul3A_179 : i32
      %get3A = arith.index_cast %mul3A_180 : i32 to index
      %get3A_181 = tpu.vector_load %arg7[%get3A] {strides = array<i32>} : memref<640xf32, #tpu.memory_space<vmem>>, vector<16xf32>,
      %mul3A_182 = arith.constant 16 : i32
      %mul3A_183 = arith.muli %scan3A_178, %mul3A_182 : i32
      %get3A_184 = arith.index_cast %mul3A_183 : i32 to index
      %get3A_185 = tpu.vector_load %arg6[%get3A_184] {strides = array<i32>} : memref<640xf32, #tpu.memory_space<vmem>>, vector<16xf32>,
      %add3A_186 = arith.addf %get3A_181, %get3A_185 : vector<16xf32>
      %mul3A_187 = arith.constant 16 : i32
      %mul3A_188 = arith.muli %scan3A_178, %mul3A_187 : i32
      %swap3A = arith.index_cast %mul3A_188 : i32 to index
      %swap3A_189 = tpu.vector_load %arg7[%swap3A] {strides = array<i32>} : memref<640xf32, #tpu.memory_space<vmem>>, vector<16xf32>,
      tpu.vector_store %arg7[%swap3A], %add3A_186 {strides = array<i32>} : memref<640xf32, #tpu.memory_space<vmem>>, vector<16xf32>,
    }
    %scan3A_157 = arith.constant 40 : i32
    %mul3A_158 = arith.constant 640 : i32
    %mul3A_159 = arith.muli %arg1, %mul3A_158 : i32
    %run_scoped3A_160 = arith.constant 14 : i32
    "tpu.region"() ({
      %run_scoped3A_178 = tpu.sem_alloc : memref<!tpu.dma_semaphore, #tpu.memory_space<semaphore_mem>>
      %dma_start3A = tpu.memref_slice %arg8[%run_scoped3A_160, %mul3A_159] : memref<16x10240xf32, #tpu.memory_space<vmem_shared>> -> memref<1x640xf32, #tpu.memory_space<vmem_shared>>
      %dma_start3A_179 = tpu.memref_squeeze %dma_start3A : memref<1x640xf32, #tpu.memory_space<vmem_shared>> -> memref<640xf32, #tpu.memory_space<vmem_shared>>
      %dma_start3A_180 = tpu.memref_slice %arg8[%run_scoped3A_160, %mul3A_159] : memref<16x10240xf32, #tpu.memory_space<vmem_shared>> -> memref<1x640xf32, #tpu.memory_space<vmem_shared>>
      %dma_start3A_181 = tpu.memref_squeeze %dma_start3A_180 : memref<1x640xf32, #tpu.memory_space<vmem_shared>> -> memref<640xf32, #tpu.memory_space<vmem_shared>>
      tpu.enqueue_dma source(%dma_start3A_181 : memref<640xf32, #tpu.memory_space<vmem_shared>>) target(%arg6 : memref<640xf32, #tpu.memory_space<vmem>>) target_semaphore(%run_scoped3A_178 : memref<!tpu.dma_semaphore, #tpu.memory_space<semaphore_mem>>)
      %dma_wait3A = tpu.memref_slice %arg8[%run_scoped3A_160, %mul3A_159] : memref<16x10240xf32, #tpu.memory_space<vmem_shared>> -> memref<1x640xf32, #tpu.memory_space<vmem_shared>>
      %dma_wait3A_182 = tpu.memref_squeeze %dma_wait3A : memref<1x640xf32, #tpu.memory_space<vmem_shared>> -> memref<640xf32, #tpu.memory_space<vmem_shared>>
      %dma_wait3A_183 = tpu.memref_slice %arg8[%run_scoped3A_160, %mul3A_159] : memref<16x10240xf32, #tpu.memory_space<vmem_shared>> -> memref<1x640xf32, #tpu.memory_space<vmem_shared>>
      %dma_wait3A_184 = tpu.memref_squeeze %dma_wait3A_183 : memref<1x640xf32, #tpu.memory_space<vmem_shared>> -> memref<640xf32, #tpu.memory_space<vmem_shared>>
      tpu.wait_dma2 semaphore(%run_scoped3A_178 : memref<!tpu.dma_semaphore, #tpu.memory_space<semaphore_mem>>) src(%dma_wait3A_184 : memref<640xf32, #tpu.memory_space<vmem_shared>>) dst(%arg6 : memref<640xf32, #tpu.memory_space<vmem>>)
      tpu.yield
    }) : () -> ()
    %scan3A_161 = arith.constant 0 : i32
    %scan3A_162 = arith.constant 0 : i32
    %scan3A_163 = arith.constant 40 : i32
    %scan3A_164 = arith.addi %scan3A_162, %scan3A_163 : i32
    %scan3A_165 = arith.constant 1 : i32
    scf.for %scan3A_178 = %scan3A_162 to %scan3A_164 step %scan3A_165  : i32 {
      %mul3A_179 = arith.constant 16 : i32
      %mul3A_180 = arith.muli %scan3A_178, %mul3A_179 : i32
      %get3A = arith.index_cast %mul3A_180 : i32 to index
      %get3A_181 = tpu.vector_load %arg7[%get3A] {strides = array<i32>} : memref<640xf32, #tpu.memory_space<vmem>>, vector<16xf32>,
      %mul3A_182 = arith.constant 16 : i32
      %mul3A_183 = arith.muli %scan3A_178, %mul3A_182 : i32
      %get3A_184 = arith.index_cast %mul3A_183 : i32 to index
      %get3A_185 = tpu.vector_load %arg6[%get3A_184] {strides = array<i32>} : memref<640xf32, #tpu.memory_space<vmem>>, vector<16xf32>,
      %add3A_186 = arith.addf %get3A_181, %get3A_185 : vector<16xf32>
      %mul3A_187 = arith.constant 16 : i32
      %mul3A_188 = arith.muli %scan3A_178, %mul3A_187 : i32
      %swap3A = arith.index_cast %mul3A_188 : i32 to index
      %swap3A_189 = tpu.vector_load %arg7[%swap3A] {strides = array<i32>} : memref<640xf32, #tpu.memory_space<vmem>>, vector<16xf32>,
      tpu.vector_store %arg7[%swap3A], %add3A_186 {strides = array<i32>} : memref<640xf32, #tpu.memory_space<vmem>>, vector<16xf32>,
    }
    %scan3A_166 = arith.constant 40 : i32
    %mul3A_167 = arith.constant 640 : i32
    %mul3A_168 = arith.muli %arg1, %mul3A_167 : i32
    %run_scoped3A_169 = arith.constant 15 : i32
    "tpu.region"() ({
      %run_scoped3A_178 = tpu.sem_alloc : memref<!tpu.dma_semaphore, #tpu.memory_space<semaphore_mem>>
      %dma_start3A = tpu.memref_slice %arg8[%run_scoped3A_169, %mul3A_168] : memref<16x10240xf32, #tpu.memory_space<vmem_shared>> -> memref<1x640xf32, #tpu.memory_space<vmem_shared>>
      %dma_start3A_179 = tpu.memref_squeeze %dma_start3A : memref<1x640xf32, #tpu.memory_space<vmem_shared>> -> memref<640xf32, #tpu.memory_space<vmem_shared>>
      %dma_start3A_180 = tpu.memref_slice %arg8[%run_scoped3A_169, %mul3A_168] : memref<16x10240xf32, #tpu.memory_space<vmem_shared>> -> memref<1x640xf32, #tpu.memory_space<vmem_shared>>
      %dma_start3A_181 = tpu.memref_squeeze %dma_start3A_180 : memref<1x640xf32, #tpu.memory_space<vmem_shared>> -> memref<640xf32, #tpu.memory_space<vmem_shared>>
      tpu.enqueue_dma source(%dma_start3A_181 : memref<640xf32, #tpu.memory_space<vmem_shared>>) target(%arg6 : memref<640xf32, #tpu.memory_space<vmem>>) target_semaphore(%run_scoped3A_178 : memref<!tpu.dma_semaphore, #tpu.memory_space<semaphore_mem>>)
      %dma_wait3A = tpu.memref_slice %arg8[%run_scoped3A_169, %mul3A_168] : memref<16x10240xf32, #tpu.memory_space<vmem_shared>> -> memref<1x640xf32, #tpu.memory_space<vmem_shared>>
      %dma_wait3A_182 = tpu.memref_squeeze %dma_wait3A : memref<1x640xf32, #tpu.memory_space<vmem_shared>> -> memref<640xf32, #tpu.memory_space<vmem_shared>>
      %dma_wait3A_183 = tpu.memref_slice %arg8[%run_scoped3A_169, %mul3A_168] : memref<16x10240xf32, #tpu.memory_space<vmem_shared>> -> memref<1x640xf32, #tpu.memory_space<vmem_shared>>
      %dma_wait3A_184 = tpu.memref_squeeze %dma_wait3A_183 : memref<1x640xf32, #tpu.memory_space<vmem_shared>> -> memref<640xf32, #tpu.memory_space<vmem_shared>>
      tpu.wait_dma2 semaphore(%run_scoped3A_178 : memref<!tpu.dma_semaphore, #tpu.memory_space<semaphore_mem>>) src(%dma_wait3A_184 : memref<640xf32, #tpu.memory_space<vmem_shared>>) dst(%arg6 : memref<640xf32, #tpu.memory_space<vmem>>)
      tpu.yield
    }) : () -> ()
    %scan3A_170 = arith.constant 0 : i32
    %scan3A_171 = arith.constant 0 : i32
    %scan3A_172 = arith.constant 40 : i32
    %scan3A_173 = arith.addi %scan3A_171, %scan3A_172 : i32
    %scan3A_174 = arith.constant 1 : i32
    scf.for %scan3A_178 = %scan3A_171 to %scan3A_173 step %scan3A_174  : i32 {
      %mul3A_179 = arith.constant 16 : i32
      %mul3A_180 = arith.muli %scan3A_178, %mul3A_179 : i32
      %get3A = arith.index_cast %mul3A_180 : i32 to index
      %get3A_181 = tpu.vector_load %arg7[%get3A] {strides = array<i32>} : memref<640xf32, #tpu.memory_space<vmem>>, vector<16xf32>,
      %mul3A_182 = arith.constant 16 : i32
      %mul3A_183 = arith.muli %scan3A_178, %mul3A_182 : i32
      %get3A_184 = arith.index_cast %mul3A_183 : i32 to index
      %get3A_185 = tpu.vector_load %arg6[%get3A_184] {strides = array<i32>} : memref<640xf32, #tpu.memory_space<vmem>>, vector<16xf32>,
      %add3A_186 = arith.addf %get3A_181, %get3A_185 : vector<16xf32>
      %mul3A_187 = arith.constant 16 : i32
      %mul3A_188 = arith.muli %scan3A_178, %mul3A_187 : i32
      %swap3A = arith.index_cast %mul3A_188 : i32 to index
      %swap3A_189 = tpu.vector_load %arg7[%swap3A] {strides = array<i32>} : memref<640xf32, #tpu.memory_space<vmem>>, vector<16xf32>,
      tpu.vector_store %arg7[%swap3A], %add3A_186 {strides = array<i32>} : memref<640xf32, #tpu.memory_space<vmem>>, vector<16xf32>,
    }
    %scan3A_175 = arith.constant 40 : i32
    %mul3A_176 = arith.constant 640 : i32
    %mul3A_177 = arith.muli %arg1, %mul3A_176 : i32
    "tpu.region"() ({
      %run_scoped3A_178 = tpu.sem_alloc : memref<!tpu.dma_semaphore, #tpu.memory_space<semaphore_mem>>
      %dma_start3A = tpu.memref_slice %arg3[%arg0, %mul3A_177] : memref<2x10240xf32, #tpu.memory_space<hbm>> -> memref<1x640xf32, #tpu.memory_space<hbm>>
      %dma_start3A_179 = tpu.memref_squeeze %dma_start3A : memref<1x640xf32, #tpu.memory_space<hbm>> -> memref<640xf32, #tpu.memory_space<hbm>>
      %dma_start3A_180 = tpu.memref_slice %arg3[%arg0, %mul3A_177] : memref<2x10240xf32, #tpu.memory_space<hbm>> -> memref<1x640xf32, #tpu.memory_space<hbm>>
      %dma_start3A_181 = tpu.memref_squeeze %dma_start3A_180 : memref<1x640xf32, #tpu.memory_space<hbm>> -> memref<640xf32, #tpu.memory_space<hbm>>
      tpu.enqueue_dma source(%arg7 : memref<640xf32, #tpu.memory_space<vmem>>) target(%dma_start3A_181 : memref<640xf32, #tpu.memory_space<hbm>>) target_semaphore(%run_scoped3A_178 : memref<!tpu.dma_semaphore, #tpu.memory_space<semaphore_mem>>)
      %dma_wait3A = tpu.memref_slice %arg3[%arg0, %mul3A_177] : memref<2x10240xf32, #tpu.memory_space<hbm>> -> memref<1x640xf32, #tpu.memory_space<hbm>>
      %dma_wait3A_182 = tpu.memref_squeeze %dma_wait3A : memref<1x640xf32, #tpu.memory_space<hbm>> -> memref<640xf32, #tpu.memory_space<hbm>>
      %dma_wait3A_183 = tpu.memref_slice %arg3[%arg0, %mul3A_177] : memref<2x10240xf32, #tpu.memory_space<hbm>> -> memref<1x640xf32, #tpu.memory_space<hbm>>
      %dma_wait3A_184 = tpu.memref_squeeze %dma_wait3A_183 : memref<1x640xf32, #tpu.memory_space<hbm>> -> memref<640xf32, #tpu.memory_space<hbm>>
      tpu.wait_dma2 semaphore(%run_scoped3A_178 : memref<!tpu.dma_semaphore, #tpu.memory_space<semaphore_mem>>) src(%arg7 : memref<640xf32, #tpu.memory_space<vmem>>) dst(%dma_wait3A_184 : memref<640xf32, #tpu.memory_space<hbm>>)
      tpu.yield
    }) : () -> ()
    return
  }
}

#map = affine_map<(d0, d1) -> (0, 0, 0)>
#map1 = affine_map<(d0, d1) -> (0, 0)>
module attributes {stable_mosaic.version = 14 : i64} {
  func.func @_scatter_body(%arg0: i32, %arg1: i32, %arg2: memref<2x2500x128xi32, #tpu.memory_space<hbm>>, %arg3: memref<2x8x128xi32, #tpu.memory_space<hbm>>, %arg4: memref<56x128xi32, #tpu.memory_space<hbm>>, %arg5: memref<56x128xi32, #tpu.memory_space<hbm>>, %arg6: memref<10240x128xf32, #tpu.memory_space<hbm>>, %arg7: memref<2x10240x128xf32, #tpu.memory_space<hbm>>, %arg8: memref<8x128xi32, #tpu.memory_space<vmem>>, %arg9: memref<8x128xi32, #tpu.memory_space<vmem>>, %arg10: memref<8x128xi32, #tpu.memory_space<vmem>>, %arg11: memref<8x128xi32, #tpu.memory_space<vmem>>, %arg12: memref<128x128xf32, #tpu.memory_space<vmem>>, %arg13: memref<128x128xf32, #tpu.memory_space<vmem>>, %arg14: memref<10240x128xf32, #tpu.memory_space<vmem_shared>>, %arg15: memref<!tpu.dma_semaphore, #tpu.memory_space<semaphore_mem>>, %arg16: memref<!tpu.dma_semaphore, #tpu.memory_space<semaphore_mem>>, %arg17: memref<!tpu.dma_semaphore, #tpu.memory_space<semaphore_mem>>, %arg18: memref<!tpu.dma_semaphore, #tpu.memory_space<semaphore_mem>>, %arg19: memref<!tpu.dma_semaphore, #tpu.memory_space<semaphore_mem>>, %arg20: memref<!tpu.dma_semaphore, #tpu.memory_space<semaphore_mem>>) attributes {dimension_semantics = [#tpu.dimension_semantics<core_parallel>, #tpu.dimension_semantics<subcore_parallel>], iteration_bounds = array<i64: 2, 16>, scalar_prefetch = 0 : i64, scratch_operands = 13 : i64, tpu.core_type = #tpu.core_type<sc_vector_subcore>, window_params = [{transform_indices = #map}, {transform_indices = #map}, {transform_indices = #map1}, {transform_indices = #map1}, {transform_indices = #map1}, {transform_indices = #map}]} {
    %mul3A = arith.constant 16 : i32
    %mul3A_0 = arith.muli %arg0, %mul3A : i32
    %add3A = arith.addi %mul3A_0, %arg1 : i32
    %mul3A_1 = arith.constant 640 : i32
    %mul3A_2 = arith.muli %arg1, %mul3A_1 : i32
    %broadcast_in_dim3A = arith.constant 0.000000e+00 : f32
    %broadcast_in_dim3A_3 = vector.broadcast %broadcast_in_dim3A : f32 to vector<16xf32>
    %eq3A = arith.constant 0 : i32
    %eq3A_4 = arith.cmpi eq, %arg0, %eq3A : i32
    %convert_element_type3A = arith.extui %eq3A_4 : i1 to i32
    %cond3A = arith.constant 0 : i32
    %cond3A_5 = arith.cmpi ne, %convert_element_type3A, %cond3A : i32
    scf.if %cond3A_5 {
      "tpu.region"() ({
        %run_scoped3A = tpu.sem_alloc : memref<!tpu.dma_semaphore, #tpu.memory_space<semaphore_mem>>
        %dma_start3A_66 = arith.constant 0 : i32
        %dma_start3A_67 = tpu.memref_slice %arg14[%mul3A_2, %dma_start3A_66] : memref<10240x128xf32, #tpu.memory_space<vmem_shared>> -> memref<640x128xf32, #tpu.memory_space<vmem_shared>>
        %dma_start3A_68 = arith.constant 0 : i32
        %dma_start3A_69 = tpu.memref_slice %arg6[%mul3A_2, %dma_start3A_68] : memref<10240x128xf32, #tpu.memory_space<hbm>> -> memref<640x128xf32, #tpu.memory_space<hbm>>
        tpu.enqueue_dma source(%dma_start3A_69 : memref<640x128xf32, #tpu.memory_space<hbm>>) target(%dma_start3A_67 : memref<640x128xf32, #tpu.memory_space<vmem_shared>>) target_semaphore(%run_scoped3A : memref<!tpu.dma_semaphore, #tpu.memory_space<semaphore_mem>>)
        %dma_wait3A_70 = arith.constant 0 : i32
        %dma_wait3A_71 = tpu.memref_slice %arg14[%mul3A_2, %dma_wait3A_70] : memref<10240x128xf32, #tpu.memory_space<vmem_shared>> -> memref<640x128xf32, #tpu.memory_space<vmem_shared>>
        %dma_wait3A_72 = arith.constant 0 : i32
        %dma_wait3A_73 = tpu.memref_slice %arg6[%mul3A_2, %dma_wait3A_72] : memref<10240x128xf32, #tpu.memory_space<hbm>> -> memref<640x128xf32, #tpu.memory_space<hbm>>
        tpu.wait_dma2 semaphore(%run_scoped3A : memref<!tpu.dma_semaphore, #tpu.memory_space<semaphore_mem>>) src(%dma_wait3A_73 : memref<640x128xf32, #tpu.memory_space<hbm>>) dst(%dma_wait3A_71 : memref<640x128xf32, #tpu.memory_space<vmem_shared>>)
        tpu.yield
      }) : () -> ()
    } else {
    }
    %eq3A_6 = arith.constant 1 : i32
    %eq3A_7 = arith.cmpi eq, %arg0, %eq3A_6 : i32
    %convert_element_type3A_8 = arith.extui %eq3A_7 : i1 to i32
    %cond3A_9 = arith.constant 0 : i32
    %cond3A_10 = arith.cmpi ne, %convert_element_type3A_8, %cond3A_9 : i32
    scf.if %cond3A_10 {
      %scan3A_66 = arith.constant 0 : i32
      %scan3A_67 = arith.constant 0 : i32
      %scan3A_68 = arith.constant 128 : i32
      %scan3A_69 = arith.addi %scan3A_67, %scan3A_68 : i32
      %scan3A_70 = arith.constant 1 : i32
      scf.for %scan3A_82 = %scan3A_67 to %scan3A_69 step %scan3A_70  : i32 {
        %swap3A = arith.index_cast %scan3A_82 : i32 to index
        %swap3A_83 = arith.constant 0 : index
        %swap3A_84 = tpu.vector_load %arg12[%swap3A, %swap3A_83] {strides = array<i32>} : memref<128x128xf32, #tpu.memory_space<vmem>>, vector<16xf32>,
        tpu.vector_store %arg12[%swap3A, %swap3A_83], %broadcast_in_dim3A_3 {strides = array<i32>} : memref<128x128xf32, #tpu.memory_space<vmem>>, vector<16xf32>,
        %swap3A_85 = arith.index_cast %scan3A_82 : i32 to index
        %swap3A_86 = arith.constant 16 : index
        %swap3A_87 = tpu.vector_load %arg12[%swap3A_85, %swap3A_86] {strides = array<i32>} : memref<128x128xf32, #tpu.memory_space<vmem>>, vector<16xf32>,
        tpu.vector_store %arg12[%swap3A_85, %swap3A_86], %broadcast_in_dim3A_3 {strides = array<i32>} : memref<128x128xf32, #tpu.memory_space<vmem>>, vector<16xf32>,
        %swap3A_88 = arith.index_cast %scan3A_82 : i32 to index
        %swap3A_89 = arith.constant 32 : index
        %swap3A_90 = tpu.vector_load %arg12[%swap3A_88, %swap3A_89] {strides = array<i32>} : memref<128x128xf32, #tpu.memory_space<vmem>>, vector<16xf32>,
        tpu.vector_store %arg12[%swap3A_88, %swap3A_89], %broadcast_in_dim3A_3 {strides = array<i32>} : memref<128x128xf32, #tpu.memory_space<vmem>>, vector<16xf32>,
        %swap3A_91 = arith.index_cast %scan3A_82 : i32 to index
        %swap3A_92 = arith.constant 48 : index
        %swap3A_93 = tpu.vector_load %arg12[%swap3A_91, %swap3A_92] {strides = array<i32>} : memref<128x128xf32, #tpu.memory_space<vmem>>, vector<16xf32>,
        tpu.vector_store %arg12[%swap3A_91, %swap3A_92], %broadcast_in_dim3A_3 {strides = array<i32>} : memref<128x128xf32, #tpu.memory_space<vmem>>, vector<16xf32>,
        %swap3A_94 = arith.index_cast %scan3A_82 : i32 to index
        %swap3A_95 = arith.constant 64 : index
        %swap3A_96 = tpu.vector_load %arg12[%swap3A_94, %swap3A_95] {strides = array<i32>} : memref<128x128xf32, #tpu.memory_space<vmem>>, vector<16xf32>,
        tpu.vector_store %arg12[%swap3A_94, %swap3A_95], %broadcast_in_dim3A_3 {strides = array<i32>} : memref<128x128xf32, #tpu.memory_space<vmem>>, vector<16xf32>,
        %swap3A_97 = arith.index_cast %scan3A_82 : i32 to index
        %swap3A_98 = arith.constant 80 : index
        %swap3A_99 = tpu.vector_load %arg12[%swap3A_97, %swap3A_98] {strides = array<i32>} : memref<128x128xf32, #tpu.memory_space<vmem>>, vector<16xf32>,
        tpu.vector_store %arg12[%swap3A_97, %swap3A_98], %broadcast_in_dim3A_3 {strides = array<i32>} : memref<128x128xf32, #tpu.memory_space<vmem>>, vector<16xf32>,
        %swap3A_100 = arith.index_cast %scan3A_82 : i32 to index
        %swap3A_101 = arith.constant 96 : index
        %swap3A_102 = tpu.vector_load %arg12[%swap3A_100, %swap3A_101] {strides = array<i32>} : memref<128x128xf32, #tpu.memory_space<vmem>>, vector<16xf32>,
        tpu.vector_store %arg12[%swap3A_100, %swap3A_101], %broadcast_in_dim3A_3 {strides = array<i32>} : memref<128x128xf32, #tpu.memory_space<vmem>>, vector<16xf32>,
        %swap3A_103 = arith.index_cast %scan3A_82 : i32 to index
        %swap3A_104 = arith.constant 112 : index
        %swap3A_105 = tpu.vector_load %arg12[%swap3A_103, %swap3A_104] {strides = array<i32>} : memref<128x128xf32, #tpu.memory_space<vmem>>, vector<16xf32>,
        tpu.vector_store %arg12[%swap3A_103, %swap3A_104], %broadcast_in_dim3A_3 {strides = array<i32>} : memref<128x128xf32, #tpu.memory_space<vmem>>, vector<16xf32>,
      }
      %scan3A_71 = arith.constant 128 : i32
      %add3A_72 = arith.constant 0 : i32
      %add3A_73 = arith.addi %mul3A_2, %add3A_72 : i32
      "tpu.region"() ({
        %run_scoped3A = tpu.sem_alloc : memref<!tpu.dma_semaphore, #tpu.memory_space<semaphore_mem>>
        %dma_start3A_82 = arith.constant 0 : i32
        %dma_start3A_83 = tpu.memref_slice %arg14[%add3A_73, %dma_start3A_82] : memref<10240x128xf32, #tpu.memory_space<vmem_shared>> -> memref<128x128xf32, #tpu.memory_space<vmem_shared>>
        %dma_start3A_84 = arith.constant 0 : i32
        %dma_start3A_85 = tpu.memref_slice %arg14[%add3A_73, %dma_start3A_84] : memref<10240x128xf32, #tpu.memory_space<vmem_shared>> -> memref<128x128xf32, #tpu.memory_space<vmem_shared>>
        tpu.enqueue_dma source(%arg12 : memref<128x128xf32, #tpu.memory_space<vmem>>) target(%dma_start3A_85 : memref<128x128xf32, #tpu.memory_space<vmem_shared>>) target_semaphore(%run_scoped3A : memref<!tpu.dma_semaphore, #tpu.memory_space<semaphore_mem>>)
        %dma_wait3A_86 = arith.constant 0 : i32
        %dma_wait3A_87 = tpu.memref_slice %arg14[%add3A_73, %dma_wait3A_86] : memref<10240x128xf32, #tpu.memory_space<vmem_shared>> -> memref<128x128xf32, #tpu.memory_space<vmem_shared>>
        %dma_wait3A_88 = arith.constant 0 : i32
        %dma_wait3A_89 = tpu.memref_slice %arg14[%add3A_73, %dma_wait3A_88] : memref<10240x128xf32, #tpu.memory_space<vmem_shared>> -> memref<128x128xf32, #tpu.memory_space<vmem_shared>>
        tpu.wait_dma2 semaphore(%run_scoped3A : memref<!tpu.dma_semaphore, #tpu.memory_space<semaphore_mem>>) src(%arg12 : memref<128x128xf32, #tpu.memory_space<vmem>>) dst(%dma_wait3A_89 : memref<128x128xf32, #tpu.memory_space<vmem_shared>>)
        tpu.yield
      }) : () -> ()
      %add3A_74 = arith.constant 128 : i32
      %add3A_75 = arith.addi %mul3A_2, %add3A_74 : i32
      "tpu.region"() ({
        %run_scoped3A = tpu.sem_alloc : memref<!tpu.dma_semaphore, #tpu.memory_space<semaphore_mem>>
        %dma_start3A_82 = arith.constant 0 : i32
        %dma_start3A_83 = tpu.memref_slice %arg14[%add3A_75, %dma_start3A_82] : memref<10240x128xf32, #tpu.memory_space<vmem_shared>> -> memref<128x128xf32, #tpu.memory_space<vmem_shared>>
        %dma_start3A_84 = arith.constant 0 : i32
        %dma_start3A_85 = tpu.memref_slice %arg14[%add3A_75, %dma_start3A_84] : memref<10240x128xf32, #tpu.memory_space<vmem_shared>> -> memref<128x128xf32, #tpu.memory_space<vmem_shared>>
        tpu.enqueue_dma source(%arg12 : memref<128x128xf32, #tpu.memory_space<vmem>>) target(%dma_start3A_85 : memref<128x128xf32, #tpu.memory_space<vmem_shared>>) target_semaphore(%run_scoped3A : memref<!tpu.dma_semaphore, #tpu.memory_space<semaphore_mem>>)
        %dma_wait3A_86 = arith.constant 0 : i32
        %dma_wait3A_87 = tpu.memref_slice %arg14[%add3A_75, %dma_wait3A_86] : memref<10240x128xf32, #tpu.memory_space<vmem_shared>> -> memref<128x128xf32, #tpu.memory_space<vmem_shared>>
        %dma_wait3A_88 = arith.constant 0 : i32
        %dma_wait3A_89 = tpu.memref_slice %arg14[%add3A_75, %dma_wait3A_88] : memref<10240x128xf32, #tpu.memory_space<vmem_shared>> -> memref<128x128xf32, #tpu.memory_space<vmem_shared>>
        tpu.wait_dma2 semaphore(%run_scoped3A : memref<!tpu.dma_semaphore, #tpu.memory_space<semaphore_mem>>) src(%arg12 : memref<128x128xf32, #tpu.memory_space<vmem>>) dst(%dma_wait3A_89 : memref<128x128xf32, #tpu.memory_space<vmem_shared>>)
        tpu.yield
      }) : () -> ()
      %add3A_76 = arith.constant 256 : i32
      %add3A_77 = arith.addi %mul3A_2, %add3A_76 : i32
      "tpu.region"() ({
        %run_scoped3A = tpu.sem_alloc : memref<!tpu.dma_semaphore, #tpu.memory_space<semaphore_mem>>
        %dma_start3A_82 = arith.constant 0 : i32
        %dma_start3A_83 = tpu.memref_slice %arg14[%add3A_77, %dma_start3A_82] : memref<10240x128xf32, #tpu.memory_space<vmem_shared>> -> memref<128x128xf32, #tpu.memory_space<vmem_shared>>
        %dma_start3A_84 = arith.constant 0 : i32
        %dma_start3A_85 = tpu.memref_slice %arg14[%add3A_77, %dma_start3A_84] : memref<10240x128xf32, #tpu.memory_space<vmem_shared>> -> memref<128x128xf32, #tpu.memory_space<vmem_shared>>
        tpu.enqueue_dma source(%arg12 : memref<128x128xf32, #tpu.memory_space<vmem>>) target(%dma_start3A_85 : memref<128x128xf32, #tpu.memory_space<vmem_shared>>) target_semaphore(%run_scoped3A : memref<!tpu.dma_semaphore, #tpu.memory_space<semaphore_mem>>)
        %dma_wait3A_86 = arith.constant 0 : i32
        %dma_wait3A_87 = tpu.memref_slice %arg14[%add3A_77, %dma_wait3A_86] : memref<10240x128xf32, #tpu.memory_space<vmem_shared>> -> memref<128x128xf32, #tpu.memory_space<vmem_shared>>
        %dma_wait3A_88 = arith.constant 0 : i32
        %dma_wait3A_89 = tpu.memref_slice %arg14[%add3A_77, %dma_wait3A_88] : memref<10240x128xf32, #tpu.memory_space<vmem_shared>> -> memref<128x128xf32, #tpu.memory_space<vmem_shared>>
        tpu.wait_dma2 semaphore(%run_scoped3A : memref<!tpu.dma_semaphore, #tpu.memory_space<semaphore_mem>>) src(%arg12 : memref<128x128xf32, #tpu.memory_space<vmem>>) dst(%dma_wait3A_89 : memref<128x128xf32, #tpu.memory_space<vmem_shared>>)
        tpu.yield
      }) : () -> ()
      %add3A_78 = arith.constant 384 : i32
      %add3A_79 = arith.addi %mul3A_2, %add3A_78 : i32
      "tpu.region"() ({
        %run_scoped3A = tpu.sem_alloc : memref<!tpu.dma_semaphore, #tpu.memory_space<semaphore_mem>>
        %dma_start3A_82 = arith.constant 0 : i32
        %dma_start3A_83 = tpu.memref_slice %arg14[%add3A_79, %dma_start3A_82] : memref<10240x128xf32, #tpu.memory_space<vmem_shared>> -> memref<128x128xf32, #tpu.memory_space<vmem_shared>>
        %dma_start3A_84 = arith.constant 0 : i32
        %dma_start3A_85 = tpu.memref_slice %arg14[%add3A_79, %dma_start3A_84] : memref<10240x128xf32, #tpu.memory_space<vmem_shared>> -> memref<128x128xf32, #tpu.memory_space<vmem_shared>>
        tpu.enqueue_dma source(%arg12 : memref<128x128xf32, #tpu.memory_space<vmem>>) target(%dma_start3A_85 : memref<128x128xf32, #tpu.memory_space<vmem_shared>>) target_semaphore(%run_scoped3A : memref<!tpu.dma_semaphore, #tpu.memory_space<semaphore_mem>>)
        %dma_wait3A_86 = arith.constant 0 : i32
        %dma_wait3A_87 = tpu.memref_slice %arg14[%add3A_79, %dma_wait3A_86] : memref<10240x128xf32, #tpu.memory_space<vmem_shared>> -> memref<128x128xf32, #tpu.memory_space<vmem_shared>>
        %dma_wait3A_88 = arith.constant 0 : i32
        %dma_wait3A_89 = tpu.memref_slice %arg14[%add3A_79, %dma_wait3A_88] : memref<10240x128xf32, #tpu.memory_space<vmem_shared>> -> memref<128x128xf32, #tpu.memory_space<vmem_shared>>
        tpu.wait_dma2 semaphore(%run_scoped3A : memref<!tpu.dma_semaphore, #tpu.memory_space<semaphore_mem>>) src(%arg12 : memref<128x128xf32, #tpu.memory_space<vmem>>) dst(%dma_wait3A_89 : memref<128x128xf32, #tpu.memory_space<vmem_shared>>)
        tpu.yield
      }) : () -> ()
      %add3A_80 = arith.constant 512 : i32
      %add3A_81 = arith.addi %mul3A_2, %add3A_80 : i32
      "tpu.region"() ({
        %run_scoped3A = tpu.sem_alloc : memref<!tpu.dma_semaphore, #tpu.memory_space<semaphore_mem>>
        %dma_start3A_82 = arith.constant 0 : i32
        %dma_start3A_83 = tpu.memref_slice %arg14[%add3A_81, %dma_start3A_82] : memref<10240x128xf32, #tpu.memory_space<vmem_shared>> -> memref<128x128xf32, #tpu.memory_space<vmem_shared>>
        %dma_start3A_84 = arith.constant 0 : i32
        %dma_start3A_85 = tpu.memref_slice %arg14[%add3A_81, %dma_start3A_84] : memref<10240x128xf32, #tpu.memory_space<vmem_shared>> -> memref<128x128xf32, #tpu.memory_space<vmem_shared>>
        tpu.enqueue_dma source(%arg12 : memref<128x128xf32, #tpu.memory_space<vmem>>) target(%dma_start3A_85 : memref<128x128xf32, #tpu.memory_space<vmem_shared>>) target_semaphore(%run_scoped3A : memref<!tpu.dma_semaphore, #tpu.memory_space<semaphore_mem>>)
        %dma_wait3A_86 = arith.constant 0 : i32
        %dma_wait3A_87 = tpu.memref_slice %arg14[%add3A_81, %dma_wait3A_86] : memref<10240x128xf32, #tpu.memory_space<vmem_shared>> -> memref<128x128xf32, #tpu.memory_space<vmem_shared>>
        %dma_wait3A_88 = arith.constant 0 : i32
        %dma_wait3A_89 = tpu.memref_slice %arg14[%add3A_81, %dma_wait3A_88] : memref<10240x128xf32, #tpu.memory_space<vmem_shared>> -> memref<128x128xf32, #tpu.memory_space<vmem_shared>>
        tpu.wait_dma2 semaphore(%run_scoped3A : memref<!tpu.dma_semaphore, #tpu.memory_space<semaphore_mem>>) src(%arg12 : memref<128x128xf32, #tpu.memory_space<vmem>>) dst(%dma_wait3A_89 : memref<128x128xf32, #tpu.memory_space<vmem_shared>>)
        tpu.yield
      }) : () -> ()
    } else {
    }
    %barrier3A = arith.constant 0 : index
    tpu.barrier barrier_id(%barrier3A)
    %mul3A_11 = arith.constant 80 : i32
    %mul3A_12 = arith.muli %add3A, %mul3A_11 : i32
    %mul3A_13 = arith.constant 0 : i32
    %mul3A_14 = arith.constant 8 : i32
    %mul3A_15 = arith.muli %mul3A_13, %mul3A_14 : i32
    %add3A_16 = arith.addi %mul3A_12, %mul3A_15 : i32
    %lt3A = arith.constant 2496 : i32
    %lt3A_17 = arith.cmpi slt, %add3A_16, %lt3A : i32
    %convert_element_type3A_18 = arith.extui %lt3A_17 : i1 to i32
    %cond3A_19 = arith.constant 0 : i32
    %cond3A_20 = arith.cmpi ne, %convert_element_type3A_18, %cond3A_19 : i32
    scf.if %cond3A_20 {
      %dma_start3A_66 = arith.constant 0 : i32
      %dma_start3A_67 = arith.constant 0 : i32
      %dma_start3A_68 = tpu.memref_slice %arg2[%dma_start3A_66, %add3A_16, %dma_start3A_67] : memref<2x2500x128xi32, #tpu.memory_space<hbm>> -> memref<1x8x128xi32, #tpu.memory_space<hbm>>
      %dma_start3A_69 = tpu.memref_squeeze %dma_start3A_68 : memref<1x8x128xi32, #tpu.memory_space<hbm>> -> memref<8x128xi32, #tpu.memory_space<hbm>>
      %dma_start3A_70 = arith.constant 0 : i32
      %dma_start3A_71 = tpu.memref_slice %arg2[%dma_start3A_66, %add3A_16, %dma_start3A_70] : memref<2x2500x128xi32, #tpu.memory_space<hbm>> -> memref<1x8x128xi32, #tpu.memory_space<hbm>>
      %dma_start3A_72 = tpu.memref_squeeze %dma_start3A_71 : memref<1x8x128xi32, #tpu.memory_space<hbm>> -> memref<8x128xi32, #tpu.memory_space<hbm>>
      tpu.enqueue_dma source(%dma_start3A_72 : memref<8x128xi32, #tpu.memory_space<hbm>>) target(%arg8 : memref<8x128xi32, #tpu.memory_space<vmem>>) target_semaphore(%arg15 : memref<!tpu.dma_semaphore, #tpu.memory_space<semaphore_mem>>)
      %dma_start3A_73 = arith.constant 1 : i32
      %dma_start3A_74 = arith.constant 0 : i32
      %dma_start3A_75 = tpu.memref_slice %arg2[%dma_start3A_73, %add3A_16, %dma_start3A_74] : memref<2x2500x128xi32, #tpu.memory_space<hbm>> -> memref<1x8x128xi32, #tpu.memory_space<hbm>>
      %dma_start3A_76 = tpu.memref_squeeze %dma_start3A_75 : memref<1x8x128xi32, #tpu.memory_space<hbm>> -> memref<8x128xi32, #tpu.memory_space<hbm>>
      %dma_start3A_77 = arith.constant 0 : i32
      %dma_start3A_78 = tpu.memref_slice %arg2[%dma_start3A_73, %add3A_16, %dma_start3A_77] : memref<2x2500x128xi32, #tpu.memory_space<hbm>> -> memref<1x8x128xi32, #tpu.memory_space<hbm>>
      %dma_start3A_79 = tpu.memref_squeeze %dma_start3A_78 : memref<1x8x128xi32, #tpu.memory_space<hbm>> -> memref<8x128xi32, #tpu.memory_space<hbm>>
      tpu.enqueue_dma source(%dma_start3A_79 : memref<8x128xi32, #tpu.memory_space<hbm>>) target(%arg9 : memref<8x128xi32, #tpu.memory_space<vmem>>) target_semaphore(%arg15 : memref<!tpu.dma_semaphore, #tpu.memory_space<semaphore_mem>>)
    } else {
    }
    %eq3A_21 = arith.constant 2496 : i32
    %eq3A_22 = arith.cmpi eq, %add3A_16, %eq3A_21 : i32
    %convert_element_type3A_23 = arith.extui %eq3A_22 : i1 to i32
    %cond3A_24 = arith.constant 0 : i32
    %cond3A_25 = arith.cmpi ne, %convert_element_type3A_23, %cond3A_24 : i32
    scf.if %cond3A_25 {
      %dma_start3A_66 = arith.constant 0 : i32
      %dma_start3A_67 = arith.constant 0 : i32
      %dma_start3A_68 = arith.constant 0 : i32
      %dma_start3A_69 = tpu.memref_slice %arg3[%dma_start3A_66, %dma_start3A_67, %dma_start3A_68] : memref<2x8x128xi32, #tpu.memory_space<hbm>> -> memref<1x8x128xi32, #tpu.memory_space<hbm>>
      %dma_start3A_70 = tpu.memref_squeeze %dma_start3A_69 : memref<1x8x128xi32, #tpu.memory_space<hbm>> -> memref<8x128xi32, #tpu.memory_space<hbm>>
      %dma_start3A_71 = arith.constant 0 : i32
      %dma_start3A_72 = arith.constant 0 : i32
      %dma_start3A_73 = tpu.memref_slice %arg3[%dma_start3A_66, %dma_start3A_71, %dma_start3A_72] : memref<2x8x128xi32, #tpu.memory_space<hbm>> -> memref<1x8x128xi32, #tpu.memory_space<hbm>>
      %dma_start3A_74 = tpu.memref_squeeze %dma_start3A_73 : memref<1x8x128xi32, #tpu.memory_space<hbm>> -> memref<8x128xi32, #tpu.memory_space<hbm>>
      tpu.enqueue_dma source(%dma_start3A_74 : memref<8x128xi32, #tpu.memory_space<hbm>>) target(%arg8 : memref<8x128xi32, #tpu.memory_space<vmem>>) target_semaphore(%arg15 : memref<!tpu.dma_semaphore, #tpu.memory_space<semaphore_mem>>)
      %dma_start3A_75 = arith.constant 1 : i32
      %dma_start3A_76 = arith.constant 0 : i32
      %dma_start3A_77 = arith.constant 0 : i32
      %dma_start3A_78 = tpu.memref_slice %arg3[%dma_start3A_75, %dma_start3A_76, %dma_start3A_77] : memref<2x8x128xi32, #tpu.memory_space<hbm>> -> memref<1x8x128xi32, #tpu.memory_space<hbm>>
      %dma_start3A_79 = tpu.memref_squeeze %dma_start3A_78 : memref<1x8x128xi32, #tpu.memory_space<hbm>> -> memref<8x128xi32, #tpu.memory_space<hbm>>
      %dma_start3A_80 = arith.constant 0 : i32
      %dma_start3A_81 = arith.constant 0 : i32
      %dma_start3A_82 = tpu.memref_slice %arg3[%dma_start3A_75, %dma_start3A_80, %dma_start3A_81] : memref<2x8x128xi32, #tpu.memory_space<hbm>> -> memref<1x8x128xi32, #tpu.memory_space<hbm>>
      %dma_start3A_83 = tpu.memref_squeeze %dma_start3A_82 : memref<1x8x128xi32, #tpu.memory_space<hbm>> -> memref<8x128xi32, #tpu.memory_space<hbm>>
      tpu.enqueue_dma source(%dma_start3A_83 : memref<8x128xi32, #tpu.memory_space<hbm>>) target(%arg9 : memref<8x128xi32, #tpu.memory_space<vmem>>) target_semaphore(%arg15 : memref<!tpu.dma_semaphore, #tpu.memory_space<semaphore_mem>>)
    } else {
    }
    %gt3A = arith.constant 2496 : i32
    %gt3A_26 = arith.cmpi sgt, %add3A_16, %gt3A : i32
    %convert_element_type3A_27 = arith.extui %gt3A_26 : i1 to i32
    %cond3A_28 = arith.constant 0 : i32
    %cond3A_29 = arith.cmpi ne, %convert_element_type3A_27, %cond3A_28 : i32
    scf.if %cond3A_29 {
      %sub3A = arith.constant 2496 : i32
      %sub3A_66 = arith.subi %add3A_16, %sub3A : i32
      %sub3A_67 = arith.constant 8 : i32
      %sub3A_68 = arith.subi %sub3A_66, %sub3A_67 : i32
      %dma_start3A_69 = arith.constant 0 : i32
      %dma_start3A_70 = tpu.memref_slice %arg4[%sub3A_68, %dma_start3A_69] : memref<56x128xi32, #tpu.memory_space<hbm>> -> memref<8x128xi32, #tpu.memory_space<hbm>>
      %dma_start3A_71 = arith.constant 0 : i32
      %dma_start3A_72 = tpu.memref_slice %arg4[%sub3A_68, %dma_start3A_71] : memref<56x128xi32, #tpu.memory_space<hbm>> -> memref<8x128xi32, #tpu.memory_space<hbm>>
      tpu.enqueue_dma source(%dma_start3A_72 : memref<8x128xi32, #tpu.memory_space<hbm>>) target(%arg8 : memref<8x128xi32, #tpu.memory_space<vmem>>) target_semaphore(%arg15 : memref<!tpu.dma_semaphore, #tpu.memory_space<semaphore_mem>>)
      %sub3A_73 = arith.constant 2496 : i32
      %sub3A_74 = arith.subi %add3A_16, %sub3A_73 : i32
      %sub3A_75 = arith.constant 8 : i32
      %sub3A_76 = arith.subi %sub3A_74, %sub3A_75 : i32
      %dma_start3A_77 = arith.constant 0 : i32
      %dma_start3A_78 = tpu.memref_slice %arg5[%sub3A_76, %dma_start3A_77] : memref<56x128xi32, #tpu.memory_space<hbm>> -> memref<8x128xi32, #tpu.memory_space<hbm>>
      %dma_start3A_79 = arith.constant 0 : i32
      %dma_start3A_80 = tpu.memref_slice %arg5[%sub3A_76, %dma_start3A_79] : memref<56x128xi32, #tpu.memory_space<hbm>> -> memref<8x128xi32, #tpu.memory_space<hbm>>
      tpu.enqueue_dma source(%dma_start3A_80 : memref<8x128xi32, #tpu.memory_space<hbm>>) target(%arg9 : memref<8x128xi32, #tpu.memory_space<vmem>>) target_semaphore(%arg15 : memref<!tpu.dma_semaphore, #tpu.memory_space<semaphore_mem>>)
    } else {
    }
    %dma_wait3A = arith.constant 0 : i32
    %dma_wait3A_30 = arith.constant 0 : i32
    %dma_wait3A_31 = arith.constant 0 : i32
    %dma_wait3A_32 = tpu.memref_slice %arg2[%dma_wait3A, %dma_wait3A_30, %dma_wait3A_31] : memref<2x2500x128xi32, #tpu.memory_space<hbm>> -> memref<1x8x128xi32, #tpu.memory_space<hbm>>
    %dma_wait3A_33 = tpu.memref_squeeze %dma_wait3A_32 : memref<1x8x128xi32, #tpu.memory_space<hbm>> -> memref<8x128xi32, #tpu.memory_space<hbm>>
    %dma_wait3A_34 = arith.constant 0 : i32
    %dma_wait3A_35 = arith.constant 0 : i32
    %dma_wait3A_36 = tpu.memref_slice %arg2[%dma_wait3A, %dma_wait3A_34, %dma_wait3A_35] : memref<2x2500x128xi32, #tpu.memory_space<hbm>> -> memref<1x8x128xi32, #tpu.memory_space<hbm>>
    %dma_wait3A_37 = tpu.memref_squeeze %dma_wait3A_36 : memref<1x8x128xi32, #tpu.memory_space<hbm>> -> memref<8x128xi32, #tpu.memory_space<hbm>>
    tpu.wait_dma2 semaphore(%arg15 : memref<!tpu.dma_semaphore, #tpu.memory_space<semaphore_mem>>) src(%dma_wait3A_37 : memref<8x128xi32, #tpu.memory_space<hbm>>) dst(%arg8 : memref<8x128xi32, #tpu.memory_space<vmem>>)
    %dma_wait3A_38 = arith.constant 1 : i32
    %dma_wait3A_39 = arith.constant 0 : i32
    %dma_wait3A_40 = arith.constant 0 : i32
    %dma_wait3A_41 = tpu.memref_slice %arg2[%dma_wait3A_38, %dma_wait3A_39, %dma_wait3A_40] : memref<2x2500x128xi32, #tpu.memory_space<hbm>> -> memref<1x8x128xi32, #tpu.memory_space<hbm>>
    %dma_wait3A_42 = tpu.memref_squeeze %dma_wait3A_41 : memref<1x8x128xi32, #tpu.memory_space<hbm>> -> memref<8x128xi32, #tpu.memory_space<hbm>>
    %dma_wait3A_43 = arith.constant 0 : i32
    %dma_wait3A_44 = arith.constant 0 : i32
    %dma_wait3A_45 = tpu.memref_slice %arg2[%dma_wait3A_38, %dma_wait3A_43, %dma_wait3A_44] : memref<2x2500x128xi32, #tpu.memory_space<hbm>> -> memref<1x8x128xi32, #tpu.memory_space<hbm>>
    %dma_wait3A_46 = tpu.memref_squeeze %dma_wait3A_45 : memref<1x8x128xi32, #tpu.memory_space<hbm>> -> memref<8x128xi32, #tpu.memory_space<hbm>>
    tpu.wait_dma2 semaphore(%arg15 : memref<!tpu.dma_semaphore, #tpu.memory_space<semaphore_mem>>) src(%dma_wait3A_46 : memref<8x128xi32, #tpu.memory_space<hbm>>) dst(%arg9 : memref<8x128xi32, #tpu.memory_space<vmem>>)
    %dma_start3A = arith.constant 0 : i32
    %dma_start3A_47 = arith.constant 0 : i32
    %dma_start3A_48 = tpu.memref_slice %arg8[%dma_start3A, %dma_start3A_47] : memref<8x128xi32, #tpu.memory_space<vmem>> -> memref<1x128xi32, #tpu.memory_space<vmem>>
    %dma_start3A_49 = tpu.memref_squeeze %dma_start3A_48 : memref<1x128xi32, #tpu.memory_space<vmem>> -> memref<128xi32, #tpu.memory_space<vmem>>
    %dma_start3A_50 = arith.constant 0 : i32
    %dma_start3A_51 = arith.constant 0 : i32
    %dma_start3A_52 = tpu.memref_slice %arg6[%dma_start3A_50, %dma_start3A_51] : memref<10240x128xf32, #tpu.memory_space<hbm>> -> memref<10240x128xf32, #tpu.memory_space<hbm>>
    tpu.enqueue_indirect_dma source(%dma_start3A_52 : memref<10240x128xf32, #tpu.memory_space<hbm>>) target(%arg12 : memref<128x128xf32, #tpu.memory_space<vmem>>) offsets(%dma_start3A_49 : memref<128xi32, #tpu.memory_space<vmem>>) semaphore(%arg17 : memref<!tpu.dma_semaphore, #tpu.memory_space<semaphore_mem>>)
    %scan3A = arith.constant 0 : i32
    %scan3A_53 = arith.constant 0 : i32
    %scan3A_54 = arith.constant 5 : i32
    %scan3A_55 = arith.addi %scan3A_53, %scan3A_54 : i32
    %scan3A_56 = arith.constant 1 : i32
    scf.for %scan3A_66 = %scan3A_53 to %scan3A_55 step %scan3A_56  : i32 {
      %mul3A_67 = arith.constant 2 : i32
      %mul3A_68 = arith.muli %mul3A_67, %scan3A_66 : i32
      %mul3A_69 = arith.constant 8 : i32
      %mul3A_70 = arith.muli %mul3A_68, %mul3A_69 : i32
      %dma_wait3A_71 = arith.constant 0 : i32
      %dma_wait3A_72 = arith.constant 0 : i32
      %dma_wait3A_73 = tpu.memref_slice %arg8[%dma_wait3A_71, %dma_wait3A_72] : memref<8x128xi32, #tpu.memory_space<vmem>> -> memref<1x128xi32, #tpu.memory_space<vmem>>
      %dma_wait3A_74 = tpu.memref_squeeze %dma_wait3A_73 : memref<1x128xi32, #tpu.memory_space<vmem>> -> memref<128xi32, #tpu.memory_space<vmem>>
      %dma_wait3A_75 = arith.constant 0 : i32
      %dma_wait3A_76 = arith.constant 0 : i32
      %dma_wait3A_77 = tpu.memref_slice %arg6[%dma_wait3A_75, %dma_wait3A_76] : memref<10240x128xf32, #tpu.memory_space<hbm>> -> memref<10240x128xf32, #tpu.memory_space<hbm>>
      tpu.wait_indirect_dma semaphore(%arg17 : memref<!tpu.dma_semaphore, #tpu.memory_space<semaphore_mem>>) src(%dma_wait3A_77 : memref<10240x128xf32, #tpu.memory_space<hbm>>) dst(%arg12 : memref<128x128xf32, #tpu.memory_space<vmem>>)
      %dma_start3A_78 = arith.constant 0 : i32
      %dma_start3A_79 = arith.constant 0 : i32
      %dma_start3A_80 = tpu.memref_slice %arg9[%dma_start3A_78, %dma_start3A_79] : memref<8x128xi32, #tpu.memory_space<vmem>> -> memref<1x128xi32, #tpu.memory_space<vmem>>
      %dma_start3A_81 = tpu.memref_squeeze %dma_start3A_80 : memref<1x128xi32, #tpu.memory_space<vmem>> -> memref<128xi32, #tpu.memory_space<vmem>>
      %dma_start3A_82 = arith.constant 0 : i32
      %dma_start3A_83 = arith.constant 0 : i32
      %dma_start3A_84 = tpu.memref_slice %arg14[%dma_start3A_82, %dma_start3A_83] : memref<10240x128xf32, #tpu.memory_space<vmem_shared>> -> memref<10240x128xf32, #tpu.memory_space<vmem_shared>>
      tpu.enqueue_indirect_dma source(%arg12 : memref<128x128xf32, #tpu.memory_space<vmem>>) target(%dma_start3A_84 : memref<10240x128xf32, #tpu.memory_space<vmem_shared>>) offsets(%dma_start3A_81 : memref<128xi32, #tpu.memory_space<vmem>>) semaphore(%arg19 : memref<!tpu.dma_semaphore, #tpu.memory_space<semaphore_mem>>) {add = true}
      %gt3A_85 = arith.constant 0 : i32
      %gt3A_86 = arith.cmpi sgt, %mul3A_70, %gt3A_85 : i32
      %convert_element_type3A_87 = arith.extui %gt3A_86 : i1 to i32
      %cond3A_88 = arith.constant 0 : i32
      %cond3A_89 = arith.cmpi ne, %convert_element_type3A_87, %cond3A_88 : i32
      scf.if %cond3A_89 {
        %dma_wait3A_564 = arith.constant 7 : i32
        %dma_wait3A_565 = arith.constant 0 : i32
        %dma_wait3A_566 = tpu.memref_slice %arg11[%dma_wait3A_564, %dma_wait3A_565] : memref<8x128xi32, #tpu.memory_space<vmem>> -> memref<1x128xi32, #tpu.memory_space<vmem>>
        %dma_wait3A_567 = tpu.memref_squeeze %dma_wait3A_566 : memref<1x128xi32, #tpu.memory_space<vmem>> -> memref<128xi32, #tpu.memory_space<vmem>>
        %dma_wait3A_568 = arith.constant 0 : i32
        %dma_wait3A_569 = arith.constant 0 : i32
        %dma_wait3A_570 = tpu.memref_slice %arg14[%dma_wait3A_568, %dma_wait3A_569] : memref<10240x128xf32, #tpu.memory_space<vmem_shared>> -> memref<10240x128xf32, #tpu.memory_space<vmem_shared>>
        tpu.wait_indirect_dma semaphore(%arg20 : memref<!tpu.dma_semaphore, #tpu.memory_space<semaphore_mem>>) src(%arg13 : memref<128x128xf32, #tpu.memory_space<vmem>>) dst(%dma_wait3A_570 : memref<10240x128xf32, #tpu.memory_space<vmem_shared>>)
      } else {
      }
      %add3A_90 = arith.constant 1 : i32
      %add3A_91 = arith.addi %mul3A_68, %add3A_90 : i32
      %mul3A_92 = arith.constant 8 : i32
      %mul3A_93 = arith.muli %add3A_91, %mul3A_92 : i32
      %add3A_94 = arith.addi %mul3A_12, %mul3A_93 : i32
      %lt3A_95 = arith.constant 2496 : i32
      %lt3A_96 = arith.cmpi slt, %add3A_94, %lt3A_95 : i32
      %convert_element_type3A_97 = arith.extui %lt3A_96 : i1 to i32
      %cond3A_98 = arith.constant 0 : i32
      %cond3A_99 = arith.cmpi ne, %convert_element_type3A_97, %cond3A_98 : i32
      scf.if %cond3A_99 {
        %dma_start3A_564 = arith.constant 0 : i32
        %dma_start3A_565 = arith.constant 0 : i32
        %dma_start3A_566 = tpu.memref_slice %arg2[%dma_start3A_564, %add3A_94, %dma_start3A_565] : memref<2x2500x128xi32, #tpu.memory_space<hbm>> -> memref<1x8x128xi32, #tpu.memory_space<hbm>>
        %dma_start3A_567 = tpu.memref_squeeze %dma_start3A_566 : memref<1x8x128xi32, #tpu.memory_space<hbm>> -> memref<8x128xi32, #tpu.memory_space<hbm>>
        %dma_start3A_568 = arith.constant 0 : i32
        %dma_start3A_569 = tpu.memref_slice %arg2[%dma_start3A_564, %add3A_94, %dma_start3A_568] : memref<2x2500x128xi32, #tpu.memory_space<hbm>> -> memref<1x8x128xi32, #tpu.memory_space<hbm>>
        %dma_start3A_570 = tpu.memref_squeeze %dma_start3A_569 : memref<1x8x128xi32, #tpu.memory_space<hbm>> -> memref<8x128xi32, #tpu.memory_space<hbm>>
        tpu.enqueue_dma source(%dma_start3A_570 : memref<8x128xi32, #tpu.memory_space<hbm>>) target(%arg10 : memref<8x128xi32, #tpu.memory_space<vmem>>) target_semaphore(%arg16 : memref<!tpu.dma_semaphore, #tpu.memory_space<semaphore_mem>>)
        %dma_start3A_571 = arith.constant 1 : i32
        %dma_start3A_572 = arith.constant 0 : i32
        %dma_start3A_573 = tpu.memref_slice %arg2[%dma_start3A_571, %add3A_94, %dma_start3A_572] : memref<2x2500x128xi32, #tpu.memory_space<hbm>> -> memref<1x8x128xi32, #tpu.memory_space<hbm>>
        %dma_start3A_574 = tpu.memref_squeeze %dma_start3A_573 : memref<1x8x128xi32, #tpu.memory_space<hbm>> -> memref<8x128xi32, #tpu.memory_space<hbm>>
        %dma_start3A_575 = arith.constant 0 : i32
        %dma_start3A_576 = tpu.memref_slice %arg2[%dma_start3A_571, %add3A_94, %dma_start3A_575] : memref<2x2500x128xi32, #tpu.memory_space<hbm>> -> memref<1x8x128xi32, #tpu.memory_space<hbm>>
        %dma_start3A_577 = tpu.memref_squeeze %dma_start3A_576 : memref<1x8x128xi32, #tpu.memory_space<hbm>> -> memref<8x128xi32, #tpu.memory_space<hbm>>
        tpu.enqueue_dma source(%dma_start3A_577 : memref<8x128xi32, #tpu.memory_space<hbm>>) target(%arg11 : memref<8x128xi32, #tpu.memory_space<vmem>>) target_semaphore(%arg16 : memref<!tpu.dma_semaphore, #tpu.memory_space<semaphore_mem>>)
      } else {
      }
      %eq3A_100 = arith.constant 2496 : i32
      %eq3A_101 = arith.cmpi eq, %add3A_94, %eq3A_100 : i32
      %convert_element_type3A_102 = arith.extui %eq3A_101 : i1 to i32
      %cond3A_103 = arith.constant 0 : i32
      %cond3A_104 = arith.cmpi ne, %convert_element_type3A_102, %cond3A_103 : i32
      scf.if %cond3A_104 {
        %dma_start3A_564 = arith.constant 0 : i32
        %dma_start3A_565 = arith.constant 0 : i32
        %dma_start3A_566 = arith.constant 0 : i32
        %dma_start3A_567 = tpu.memref_slice %arg3[%dma_start3A_564, %dma_start3A_565, %dma_start3A_566] : memref<2x8x128xi32, #tpu.memory_space<hbm>> -> memref<1x8x128xi32, #tpu.memory_space<hbm>>
        %dma_start3A_568 = tpu.memref_squeeze %dma_start3A_567 : memref<1x8x128xi32, #tpu.memory_space<hbm>> -> memref<8x128xi32, #tpu.memory_space<hbm>>
        %dma_start3A_569 = arith.constant 0 : i32
        %dma_start3A_570 = arith.constant 0 : i32
        %dma_start3A_571 = tpu.memref_slice %arg3[%dma_start3A_564, %dma_start3A_569, %dma_start3A_570] : memref<2x8x128xi32, #tpu.memory_space<hbm>> -> memref<1x8x128xi32, #tpu.memory_space<hbm>>
        %dma_start3A_572 = tpu.memref_squeeze %dma_start3A_571 : memref<1x8x128xi32, #tpu.memory_space<hbm>> -> memref<8x128xi32, #tpu.memory_space<hbm>>
        tpu.enqueue_dma source(%dma_start3A_572 : memref<8x128xi32, #tpu.memory_space<hbm>>) target(%arg10 : memref<8x128xi32, #tpu.memory_space<vmem>>) target_semaphore(%arg16 : memref<!tpu.dma_semaphore, #tpu.memory_space<semaphore_mem>>)
        %dma_start3A_573 = arith.constant 1 : i32
        %dma_start3A_574 = arith.constant 0 : i32
        %dma_start3A_575 = arith.constant 0 : i32
        %dma_start3A_576 = tpu.memref_slice %arg3[%dma_start3A_573, %dma_start3A_574, %dma_start3A_575] : memref<2x8x128xi32, #tpu.memory_space<hbm>> -> memref<1x8x128xi32, #tpu.memory_space<hbm>>
        %dma_start3A_577 = tpu.memref_squeeze %dma_start3A_576 : memref<1x8x128xi32, #tpu.memory_space<hbm>> -> memref<8x128xi32, #tpu.memory_space<hbm>>
        %dma_start3A_578 = arith.constant 0 : i32
        %dma_start3A_579 = arith.constant 0 : i32
        %dma_start3A_580 = tpu.memref_slice %arg3[%dma_start3A_573, %dma_start3A_578, %dma_start3A_579] : memref<2x8x128xi32, #tpu.memory_space<hbm>> -> memref<1x8x128xi32, #tpu.memory_space<hbm>>
        %dma_start3A_581 = tpu.memref_squeeze %dma_start3A_580 : memref<1x8x128xi32, #tpu.memory_space<hbm>> -> memref<8x128xi32, #tpu.memory_space<hbm>>
        tpu.enqueue_dma source(%dma_start3A_581 : memref<8x128xi32, #tpu.memory_space<hbm>>) target(%arg11 : memref<8x128xi32, #tpu.memory_space<vmem>>) target_semaphore(%arg16 : memref<!tpu.dma_semaphore, #tpu.memory_space<semaphore_mem>>)
      } else {
      }
      %gt3A_105 = arith.constant 2496 : i32
      %gt3A_106 = arith.cmpi sgt, %add3A_94, %gt3A_105 : i32
      %convert_element_type3A_107 = arith.extui %gt3A_106 : i1 to i32
      %cond3A_108 = arith.constant 0 : i32
      %cond3A_109 = arith.cmpi ne, %convert_element_type3A_107, %cond3A_108 : i32
      scf.if %cond3A_109 {
        %sub3A = arith.constant 2496 : i32
        %sub3A_564 = arith.subi %add3A_94, %sub3A : i32
        %sub3A_565 = arith.constant 8 : i32
        %sub3A_566 = arith.subi %sub3A_564, %sub3A_565 : i32
        %dma_start3A_567 = arith.constant 0 : i32
        %dma_start3A_568 = tpu.memref_slice %arg4[%sub3A_566, %dma_start3A_567] : memref<56x128xi32, #tpu.memory_space<hbm>> -> memref<8x128xi32, #tpu.memory_space<hbm>>
        %dma_start3A_569 = arith.constant 0 : i32
        %dma_start3A_570 = tpu.memref_slice %arg4[%sub3A_566, %dma_start3A_569] : memref<56x128xi32, #tpu.memory_space<hbm>> -> memref<8x128xi32, #tpu.memory_space<hbm>>
        tpu.enqueue_dma source(%dma_start3A_570 : memref<8x128xi32, #tpu.memory_space<hbm>>) target(%arg10 : memref<8x128xi32, #tpu.memory_space<vmem>>) target_semaphore(%arg16 : memref<!tpu.dma_semaphore, #tpu.memory_space<semaphore_mem>>)
        %sub3A_571 = arith.constant 2496 : i32
        %sub3A_572 = arith.subi %add3A_94, %sub3A_571 : i32
        %sub3A_573 = arith.constant 8 : i32
        %sub3A_574 = arith.subi %sub3A_572, %sub3A_573 : i32
        %dma_start3A_575 = arith.constant 0 : i32
        %dma_start3A_576 = tpu.memref_slice %arg5[%sub3A_574, %dma_start3A_575] : memref<56x128xi32, #tpu.memory_space<hbm>> -> memref<8x128xi32, #tpu.memory_space<hbm>>
        %dma_start3A_577 = arith.constant 0 : i32
        %dma_start3A_578 = tpu.memref_slice %arg5[%sub3A_574, %dma_start3A_577] : memref<56x128xi32, #tpu.memory_space<hbm>> -> memref<8x128xi32, #tpu.memory_space<hbm>>
        tpu.enqueue_dma source(%dma_start3A_578 : memref<8x128xi32, #tpu.memory_space<hbm>>) target(%arg11 : memref<8x128xi32, #tpu.memory_space<vmem>>) target_semaphore(%arg16 : memref<!tpu.dma_semaphore, #tpu.memory_space<semaphore_mem>>)
      } else {
      }
      %dma_start3A_110 = arith.constant 1 : i32
      %dma_start3A_111 = arith.constant 0 : i32
      %dma_start3A_112 = tpu.memref_slice %arg8[%dma_start3A_110, %dma_start3A_111] : memref<8x128xi32, #tpu.memory_space<vmem>> -> memref<1x128xi32, #tpu.memory_space<vmem>>
      %dma_start3A_113 = tpu.memref_squeeze %dma_start3A_112 : memref<1x128xi32, #tpu.memory_space<vmem>> -> memref<128xi32, #tpu.memory_space<vmem>>
      %dma_start3A_114 = arith.constant 0 : i32
      %dma_start3A_115 = arith.constant 0 : i32
      %dma_start3A_116 = tpu.memref_slice %arg6[%dma_start3A_114, %dma_start3A_115] : memref<10240x128xf32, #tpu.memory_space<hbm>> -> memref<10240x128xf32, #tpu.memory_space<hbm>>
      tpu.enqueue_indirect_dma source(%dma_start3A_116 : memref<10240x128xf32, #tpu.memory_space<hbm>>) target(%arg13 : memref<128x128xf32, #tpu.memory_space<vmem>>) offsets(%dma_start3A_113 : memref<128xi32, #tpu.memory_space<vmem>>) semaphore(%arg18 : memref<!tpu.dma_semaphore, #tpu.memory_space<semaphore_mem>>)
      %dma_wait3A_117 = arith.constant 1 : i32
      %dma_wait3A_118 = arith.constant 0 : i32
      %dma_wait3A_119 = tpu.memref_slice %arg8[%dma_wait3A_117, %dma_wait3A_118] : memref<8x128xi32, #tpu.memory_space<vmem>> -> memref<1x128xi32, #tpu.memory_space<vmem>>
      %dma_wait3A_120 = tpu.memref_squeeze %dma_wait3A_119 : memref<1x128xi32, #tpu.memory_space<vmem>> -> memref<128xi32, #tpu.memory_space<vmem>>
      %dma_wait3A_121 = arith.constant 0 : i32
      %dma_wait3A_122 = arith.constant 0 : i32
      %dma_wait3A_123 = tpu.memref_slice %arg6[%dma_wait3A_121, %dma_wait3A_122] : memref<10240x128xf32, #tpu.memory_space<hbm>> -> memref<10240x128xf32, #tpu.memory_space<hbm>>
      tpu.wait_indirect_dma semaphore(%arg18 : memref<!tpu.dma_semaphore, #tpu.memory_space<semaphore_mem>>) src(%dma_wait3A_123 : memref<10240x128xf32, #tpu.memory_space<hbm>>) dst(%arg13 : memref<128x128xf32, #tpu.memory_space<vmem>>)
      %dma_start3A_124 = arith.constant 1 : i32
      %dma_start3A_125 = arith.constant 0 : i32
      %dma_start3A_126 = tpu.memref_slice %arg9[%dma_start3A_124, %dma_start3A_125] : memref<8x128xi32, #tpu.memory_space<vmem>> -> memref<1x128xi32, #tpu.memory_space<vmem>>
      %dma_start3A_127 = tpu.memref_squeeze %dma_start3A_126 : memref<1x128xi32, #tpu.memory_space<vmem>> -> memref<128xi32, #tpu.memory_space<vmem>>
      %dma_start3A_128 = arith.constant 0 : i32
      %dma_start3A_129 = arith.constant 0 : i32
      %dma_start3A_130 = tpu.memref_slice %arg14[%dma_start3A_128, %dma_start3A_129] : memref<10240x128xf32, #tpu.memory_space<vmem_shared>> -> memref<10240x128xf32, #tpu.memory_space<vmem_shared>>
      tpu.enqueue_indirect_dma source(%arg13 : memref<128x128xf32, #tpu.memory_space<vmem>>) target(%dma_start3A_130 : memref<10240x128xf32, #tpu.memory_space<vmem_shared>>) offsets(%dma_start3A_127 : memref<128xi32, #tpu.memory_space<vmem>>) semaphore(%arg20 : memref<!tpu.dma_semaphore, #tpu.memory_space<semaphore_mem>>) {add = true}
      %dma_wait3A_131 = arith.constant 0 : i32
      %dma_wait3A_132 = arith.constant 0 : i32
      %dma_wait3A_133 = tpu.memref_slice %arg9[%dma_wait3A_131, %dma_wait3A_132] : memref<8x128xi32, #tpu.memory_space<vmem>> -> memref<1x128xi32, #tpu.memory_space<vmem>>
      %dma_wait3A_134 = tpu.memref_squeeze %dma_wait3A_133 : memref<1x128xi32, #tpu.memory_space<vmem>> -> memref<128xi32, #tpu.memory_space<vmem>>
      %dma_wait3A_135 = arith.constant 0 : i32
      %dma_wait3A_136 = arith.constant 0 : i32
      %dma_wait3A_137 = tpu.memref_slice %arg14[%dma_wait3A_135, %dma_wait3A_136] : memref<10240x128xf32, #tpu.memory_space<vmem_shared>> -> memref<10240x128xf32, #tpu.memory_space<vmem_shared>>
      tpu.wait_indirect_dma semaphore(%arg19 : memref<!tpu.dma_semaphore, #tpu.memory_space<semaphore_mem>>) src(%arg12 : memref<128x128xf32, #tpu.memory_space<vmem>>) dst(%dma_wait3A_137 : memref<10240x128xf32, #tpu.memory_space<vmem_shared>>)
      %dma_start3A_138 = arith.constant 2 : i32
      %dma_start3A_139 = arith.constant 0 : i32
      %dma_start3A_140 = tpu.memref_slice %arg8[%dma_start3A_138, %dma_start3A_139] : memref<8x128xi32, #tpu.memory_space<vmem>> -> memref<1x128xi32, #tpu.memory_space<vmem>>
      %dma_start3A_141 = tpu.memref_squeeze %dma_start3A_140 : memref<1x128xi32, #tpu.memory_space<vmem>> -> memref<128xi32, #tpu.memory_space<vmem>>
      %dma_start3A_142 = arith.constant 0 : i32
      %dma_start3A_143 = arith.constant 0 : i32
      %dma_start3A_144 = tpu.memref_slice %arg6[%dma_start3A_142, %dma_start3A_143] : memref<10240x128xf32, #tpu.memory_space<hbm>> -> memref<10240x128xf32, #tpu.memory_space<hbm>>
      tpu.enqueue_indirect_dma source(%dma_start3A_144 : memref<10240x128xf32, #tpu.memory_space<hbm>>) target(%arg12 : memref<128x128xf32, #tpu.memory_space<vmem>>) offsets(%dma_start3A_141 : memref<128xi32, #tpu.memory_space<vmem>>) semaphore(%arg17 : memref<!tpu.dma_semaphore, #tpu.memory_space<semaphore_mem>>)
      %dma_wait3A_145 = arith.constant 2 : i32
      %dma_wait3A_146 = arith.constant 0 : i32
      %dma_wait3A_147 = tpu.memref_slice %arg8[%dma_wait3A_145, %dma_wait3A_146] : memref<8x128xi32, #tpu.memory_space<vmem>> -> memref<1x128xi32, #tpu.memory_space<vmem>>
      %dma_wait3A_148 = tpu.memref_squeeze %dma_wait3A_147 : memref<1x128xi32, #tpu.memory_space<vmem>> -> memref<128xi32, #tpu.memory_space<vmem>>
      %dma_wait3A_149 = arith.constant 0 : i32
      %dma_wait3A_150 = arith.constant 0 : i32
      %dma_wait3A_151 = tpu.memref_slice %arg6[%dma_wait3A_149, %dma_wait3A_150] : memref<10240x128xf32, #tpu.memory_space<hbm>> -> memref<10240x128xf32, #tpu.memory_space<hbm>>
      tpu.wait_indirect_dma semaphore(%arg17 : memref<!tpu.dma_semaphore, #tpu.memory_space<semaphore_mem>>) src(%dma_wait3A_151 : memref<10240x128xf32, #tpu.memory_space<hbm>>) dst(%arg12 : memref<128x128xf32, #tpu.memory_space<vmem>>)
      %dma_start3A_152 = arith.constant 2 : i32
      %dma_start3A_153 = arith.constant 0 : i32
      %dma_start3A_154 = tpu.memref_slice %arg9[%dma_start3A_152, %dma_start3A_153] : memref<8x128xi32, #tpu.memory_space<vmem>> -> memref<1x128xi32, #tpu.memory_space<vmem>>
      %dma_start3A_155 = tpu.memref_squeeze %dma_start3A_154 : memref<1x128xi32, #tpu.memory_space<vmem>> -> memref<128xi32, #tpu.memory_space<vmem>>
      %dma_start3A_156 = arith.constant 0 : i32
      %dma_start3A_157 = arith.constant 0 : i32
      %dma_start3A_158 = tpu.memref_slice %arg14[%dma_start3A_156, %dma_start3A_157] : memref<10240x128xf32, #tpu.memory_space<vmem_shared>> -> memref<10240x128xf32, #tpu.memory_space<vmem_shared>>
      tpu.enqueue_indirect_dma source(%arg12 : memref<128x128xf32, #tpu.memory_space<vmem>>) target(%dma_start3A_158 : memref<10240x128xf32, #tpu.memory_space<vmem_shared>>) offsets(%dma_start3A_155 : memref<128xi32, #tpu.memory_space<vmem>>) semaphore(%arg19 : memref<!tpu.dma_semaphore, #tpu.memory_space<semaphore_mem>>) {add = true}
      %dma_wait3A_159 = arith.constant 1 : i32
      %dma_wait3A_160 = arith.constant 0 : i32
      %dma_wait3A_161 = tpu.memref_slice %arg9[%dma_wait3A_159, %dma_wait3A_160] : memref<8x128xi32, #tpu.memory_space<vmem>> -> memref<1x128xi32, #tpu.memory_space<vmem>>
      %dma_wait3A_162 = tpu.memref_squeeze %dma_wait3A_161 : memref<1x128xi32, #tpu.memory_space<vmem>> -> memref<128xi32, #tpu.memory_space<vmem>>
      %dma_wait3A_163 = arith.constant 0 : i32
      %dma_wait3A_164 = arith.constant 0 : i32
      %dma_wait3A_165 = tpu.memref_slice %arg14[%dma_wait3A_163, %dma_wait3A_164] : memref<10240x128xf32, #tpu.memory_space<vmem_shared>> -> memref<10240x128xf32, #tpu.memory_space<vmem_shared>>
      tpu.wait_indirect_dma semaphore(%arg20 : memref<!tpu.dma_semaphore, #tpu.memory_space<semaphore_mem>>) src(%arg13 : memref<128x128xf32, #tpu.memory_space<vmem>>) dst(%dma_wait3A_165 : memref<10240x128xf32, #tpu.memory_space<vmem_shared>>)
      %dma_start3A_166 = arith.constant 3 : i32
      %dma_start3A_167 = arith.constant 0 : i32
      %dma_start3A_168 = tpu.memref_slice %arg8[%dma_start3A_166, %dma_start3A_167] : memref<8x128xi32, #tpu.memory_space<vmem>> -> memref<1x128xi32, #tpu.memory_space<vmem>>
      %dma_start3A_169 = tpu.memref_squeeze %dma_start3A_168 : memref<1x128xi32, #tpu.memory_space<vmem>> -> memref<128xi32, #tpu.memory_space<vmem>>
      %dma_start3A_170 = arith.constant 0 : i32
      %dma_start3A_171 = arith.constant 0 : i32
      %dma_start3A_172 = tpu.memref_slice %arg6[%dma_start3A_170, %dma_start3A_171] : memref<10240x128xf32, #tpu.memory_space<hbm>> -> memref<10240x128xf32, #tpu.memory_space<hbm>>
      tpu.enqueue_indirect_dma source(%dma_start3A_172 : memref<10240x128xf32, #tpu.memory_space<hbm>>) target(%arg13 : memref<128x128xf32, #tpu.memory_space<vmem>>) offsets(%dma_start3A_169 : memref<128xi32, #tpu.memory_space<vmem>>) semaphore(%arg18 : memref<!tpu.dma_semaphore, #tpu.memory_space<semaphore_mem>>)
      %dma_wait3A_173 = arith.constant 3 : i32
      %dma_wait3A_174 = arith.constant 0 : i32
      %dma_wait3A_175 = tpu.memref_slice %arg8[%dma_wait3A_173, %dma_wait3A_174] : memref<8x128xi32, #tpu.memory_space<vmem>> -> memref<1x128xi32, #tpu.memory_space<vmem>>
      %dma_wait3A_176 = tpu.memref_squeeze %dma_wait3A_175 : memref<1x128xi32, #tpu.memory_space<vmem>> -> memref<128xi32, #tpu.memory_space<vmem>>
      %dma_wait3A_177 = arith.constant 0 : i32
      %dma_wait3A_178 = arith.constant 0 : i32
      %dma_wait3A_179 = tpu.memref_slice %arg6[%dma_wait3A_177, %dma_wait3A_178] : memref<10240x128xf32, #tpu.memory_space<hbm>> -> memref<10240x128xf32, #tpu.memory_space<hbm>>
      tpu.wait_indirect_dma semaphore(%arg18 : memref<!tpu.dma_semaphore, #tpu.memory_space<semaphore_mem>>) src(%dma_wait3A_179 : memref<10240x128xf32, #tpu.memory_space<hbm>>) dst(%arg13 : memref<128x128xf32, #tpu.memory_space<vmem>>)
      %dma_start3A_180 = arith.constant 3 : i32
      %dma_start3A_181 = arith.constant 0 : i32
      %dma_start3A_182 = tpu.memref_slice %arg9[%dma_start3A_180, %dma_start3A_181] : memref<8x128xi32, #tpu.memory_space<vmem>> -> memref<1x128xi32, #tpu.memory_space<vmem>>
      %dma_start3A_183 = tpu.memref_squeeze %dma_start3A_182 : memref<1x128xi32, #tpu.memory_space<vmem>> -> memref<128xi32, #tpu.memory_space<vmem>>
      %dma_start3A_184 = arith.constant 0 : i32
      %dma_start3A_185 = arith.constant 0 : i32
      %dma_start3A_186 = tpu.memref_slice %arg14[%dma_start3A_184, %dma_start3A_185] : memref<10240x128xf32, #tpu.memory_space<vmem_shared>> -> memref<10240x128xf32, #tpu.memory_space<vmem_shared>>
      tpu.enqueue_indirect_dma source(%arg13 : memref<128x128xf32, #tpu.memory_space<vmem>>) target(%dma_start3A_186 : memref<10240x128xf32, #tpu.memory_space<vmem_shared>>) offsets(%dma_start3A_183 : memref<128xi32, #tpu.memory_space<vmem>>) semaphore(%arg20 : memref<!tpu.dma_semaphore, #tpu.memory_space<semaphore_mem>>) {add = true}
      %dma_wait3A_187 = arith.constant 2 : i32
      %dma_wait3A_188 = arith.constant 0 : i32
      %dma_wait3A_189 = tpu.memref_slice %arg9[%dma_wait3A_187, %dma_wait3A_188] : memref<8x128xi32, #tpu.memory_space<vmem>> -> memref<1x128xi32, #tpu.memory_space<vmem>>
      %dma_wait3A_190 = tpu.memref_squeeze %dma_wait3A_189 : memref<1x128xi32, #tpu.memory_space<vmem>> -> memref<128xi32, #tpu.memory_space<vmem>>
      %dma_wait3A_191 = arith.constant 0 : i32
      %dma_wait3A_192 = arith.constant 0 : i32
      %dma_wait3A_193 = tpu.memref_slice %arg14[%dma_wait3A_191, %dma_wait3A_192] : memref<10240x128xf32, #tpu.memory_space<vmem_shared>> -> memref<10240x128xf32, #tpu.memory_space<vmem_shared>>
      tpu.wait_indirect_dma semaphore(%arg19 : memref<!tpu.dma_semaphore, #tpu.memory_space<semaphore_mem>>) src(%arg12 : memref<128x128xf32, #tpu.memory_space<vmem>>) dst(%dma_wait3A_193 : memref<10240x128xf32, #tpu.memory_space<vmem_shared>>)
      %dma_start3A_194 = arith.constant 4 : i32
      %dma_start3A_195 = arith.constant 0 : i32
      %dma_start3A_196 = tpu.memref_slice %arg8[%dma_start3A_194, %dma_start3A_195] : memref<8x128xi32, #tpu.memory_space<vmem>> -> memref<1x128xi32, #tpu.memory_space<vmem>>
      %dma_start3A_197 = tpu.memref_squeeze %dma_start3A_196 : memref<1x128xi32, #tpu.memory_space<vmem>> -> memref<128xi32, #tpu.memory_space<vmem>>
      %dma_start3A_198 = arith.constant 0 : i32
      %dma_start3A_199 = arith.constant 0 : i32
      %dma_start3A_200 = tpu.memref_slice %arg6[%dma_start3A_198, %dma_start3A_199] : memref<10240x128xf32, #tpu.memory_space<hbm>> -> memref<10240x128xf32, #tpu.memory_space<hbm>>
      tpu.enqueue_indirect_dma source(%dma_start3A_200 : memref<10240x128xf32, #tpu.memory_space<hbm>>) target(%arg12 : memref<128x128xf32, #tpu.memory_space<vmem>>) offsets(%dma_start3A_197 : memref<128xi32, #tpu.memory_space<vmem>>) semaphore(%arg17 : memref<!tpu.dma_semaphore, #tpu.memory_space<semaphore_mem>>)
      %dma_wait3A_201 = arith.constant 4 : i32
      %dma_wait3A_202 = arith.constant 0 : i32
      %dma_wait3A_203 = tpu.memref_slice %arg8[%dma_wait3A_201, %dma_wait3A_202] : memref<8x128xi32, #tpu.memory_space<vmem>> -> memref<1x128xi32, #tpu.memory_space<vmem>>
      %dma_wait3A_204 = tpu.memref_squeeze %dma_wait3A_203 : memref<1x128xi32, #tpu.memory_space<vmem>> -> memref<128xi32, #tpu.memory_space<vmem>>
      %dma_wait3A_205 = arith.constant 0 : i32
      %dma_wait3A_206 = arith.constant 0 : i32
      %dma_wait3A_207 = tpu.memref_slice %arg6[%dma_wait3A_205, %dma_wait3A_206] : memref<10240x128xf32, #tpu.memory_space<hbm>> -> memref<10240x128xf32, #tpu.memory_space<hbm>>
      tpu.wait_indirect_dma semaphore(%arg17 : memref<!tpu.dma_semaphore, #tpu.memory_space<semaphore_mem>>) src(%dma_wait3A_207 : memref<10240x128xf32, #tpu.memory_space<hbm>>) dst(%arg12 : memref<128x128xf32, #tpu.memory_space<vmem>>)
      %dma_start3A_208 = arith.constant 4 : i32
      %dma_start3A_209 = arith.constant 0 : i32
      %dma_start3A_210 = tpu.memref_slice %arg9[%dma_start3A_208, %dma_start3A_209] : memref<8x128xi32, #tpu.memory_space<vmem>> -> memref<1x128xi32, #tpu.memory_space<vmem>>
      %dma_start3A_211 = tpu.memref_squeeze %dma_start3A_210 : memref<1x128xi32, #tpu.memory_space<vmem>> -> memref<128xi32, #tpu.memory_space<vmem>>
      %dma_start3A_212 = arith.constant 0 : i32
      %dma_start3A_213 = arith.constant 0 : i32
      %dma_start3A_214 = tpu.memref_slice %arg14[%dma_start3A_212, %dma_start3A_213] : memref<10240x128xf32, #tpu.memory_space<vmem_shared>> -> memref<10240x128xf32, #tpu.memory_space<vmem_shared>>
      tpu.enqueue_indirect_dma source(%arg12 : memref<128x128xf32, #tpu.memory_space<vmem>>) target(%dma_start3A_214 : memref<10240x128xf32, #tpu.memory_space<vmem_shared>>) offsets(%dma_start3A_211 : memref<128xi32, #tpu.memory_space<vmem>>) semaphore(%arg19 : memref<!tpu.dma_semaphore, #tpu.memory_space<semaphore_mem>>) {add = true}
      %dma_wait3A_215 = arith.constant 3 : i32
      %dma_wait3A_216 = arith.constant 0 : i32
      %dma_wait3A_217 = tpu.memref_slice %arg9[%dma_wait3A_215, %dma_wait3A_216] : memref<8x128xi32, #tpu.memory_space<vmem>> -> memref<1x128xi32, #tpu.memory_space<vmem>>
      %dma_wait3A_218 = tpu.memref_squeeze %dma_wait3A_217 : memref<1x128xi32, #tpu.memory_space<vmem>> -> memref<128xi32, #tpu.memory_space<vmem>>
      %dma_wait3A_219 = arith.constant 0 : i32
      %dma_wait3A_220 = arith.constant 0 : i32
      %dma_wait3A_221 = tpu.memref_slice %arg14[%dma_wait3A_219, %dma_wait3A_220] : memref<10240x128xf32, #tpu.memory_space<vmem_shared>> -> memref<10240x128xf32, #tpu.memory_space<vmem_shared>>
      tpu.wait_indirect_dma semaphore(%arg20 : memref<!tpu.dma_semaphore, #tpu.memory_space<semaphore_mem>>) src(%arg13 : memref<128x128xf32, #tpu.memory_space<vmem>>) dst(%dma_wait3A_221 : memref<10240x128xf32, #tpu.memory_space<vmem_shared>>)
      %dma_start3A_222 = arith.constant 5 : i32
      %dma_start3A_223 = arith.constant 0 : i32
      %dma_start3A_224 = tpu.memref_slice %arg8[%dma_start3A_222, %dma_start3A_223] : memref<8x128xi32, #tpu.memory_space<vmem>> -> memref<1x128xi32, #tpu.memory_space<vmem>>
      %dma_start3A_225 = tpu.memref_squeeze %dma_start3A_224 : memref<1x128xi32, #tpu.memory_space<vmem>> -> memref<128xi32, #tpu.memory_space<vmem>>
      %dma_start3A_226 = arith.constant 0 : i32
      %dma_start3A_227 = arith.constant 0 : i32
      %dma_start3A_228 = tpu.memref_slice %arg6[%dma_start3A_226, %dma_start3A_227] : memref<10240x128xf32, #tpu.memory_space<hbm>> -> memref<10240x128xf32, #tpu.memory_space<hbm>>
      tpu.enqueue_indirect_dma source(%dma_start3A_228 : memref<10240x128xf32, #tpu.memory_space<hbm>>) target(%arg13 : memref<128x128xf32, #tpu.memory_space<vmem>>) offsets(%dma_start3A_225 : memref<128xi32, #tpu.memory_space<vmem>>) semaphore(%arg18 : memref<!tpu.dma_semaphore, #tpu.memory_space<semaphore_mem>>)
      %dma_wait3A_229 = arith.constant 5 : i32
      %dma_wait3A_230 = arith.constant 0 : i32
      %dma_wait3A_231 = tpu.memref_slice %arg8[%dma_wait3A_229, %dma_wait3A_230] : memref<8x128xi32, #tpu.memory_space<vmem>> -> memref<1x128xi32, #tpu.memory_space<vmem>>
      %dma_wait3A_232 = tpu.memref_squeeze %dma_wait3A_231 : memref<1x128xi32, #tpu.memory_space<vmem>> -> memref<128xi32, #tpu.memory_space<vmem>>
      %dma_wait3A_233 = arith.constant 0 : i32
      %dma_wait3A_234 = arith.constant 0 : i32
      %dma_wait3A_235 = tpu.memref_slice %arg6[%dma_wait3A_233, %dma_wait3A_234] : memref<10240x128xf32, #tpu.memory_space<hbm>> -> memref<10240x128xf32, #tpu.memory_space<hbm>>
      tpu.wait_indirect_dma semaphore(%arg18 : memref<!tpu.dma_semaphore, #tpu.memory_space<semaphore_mem>>) src(%dma_wait3A_235 : memref<10240x128xf32, #tpu.memory_space<hbm>>) dst(%arg13 : memref<128x128xf32, #tpu.memory_space<vmem>>)
      %dma_start3A_236 = arith.constant 5 : i32
      %dma_start3A_237 = arith.constant 0 : i32
      %dma_start3A_238 = tpu.memref_slice %arg9[%dma_start3A_236, %dma_start3A_237] : memref<8x128xi32, #tpu.memory_space<vmem>> -> memref<1x128xi32, #tpu.memory_space<vmem>>
      %dma_start3A_239 = tpu.memref_squeeze %dma_start3A_238 : memref<1x128xi32, #tpu.memory_space<vmem>> -> memref<128xi32, #tpu.memory_space<vmem>>
      %dma_start3A_240 = arith.constant 0 : i32
      %dma_start3A_241 = arith.constant 0 : i32
      %dma_start3A_242 = tpu.memref_slice %arg14[%dma_start3A_240, %dma_start3A_241] : memref<10240x128xf32, #tpu.memory_space<vmem_shared>> -> memref<10240x128xf32, #tpu.memory_space<vmem_shared>>
      tpu.enqueue_indirect_dma source(%arg13 : memref<128x128xf32, #tpu.memory_space<vmem>>) target(%dma_start3A_242 : memref<10240x128xf32, #tpu.memory_space<vmem_shared>>) offsets(%dma_start3A_239 : memref<128xi32, #tpu.memory_space<vmem>>) semaphore(%arg20 : memref<!tpu.dma_semaphore, #tpu.memory_space<semaphore_mem>>) {add = true}
      %dma_wait3A_243 = arith.constant 4 : i32
      %dma_wait3A_244 = arith.constant 0 : i32
      %dma_wait3A_245 = tpu.memref_slice %arg9[%dma_wait3A_243, %dma_wait3A_244] : memref<8x128xi32, #tpu.memory_space<vmem>> -> memref<1x128xi32, #tpu.memory_space<vmem>>
      %dma_wait3A_246 = tpu.memref_squeeze %dma_wait3A_245 : memref<1x128xi32, #tpu.memory_space<vmem>> -> memref<128xi32, #tpu.memory_space<vmem>>
      %dma_wait3A_247 = arith.constant 0 : i32
      %dma_wait3A_248 = arith.constant 0 : i32
      %dma_wait3A_249 = tpu.memref_slice %arg14[%dma_wait3A_247, %dma_wait3A_248] : memref<10240x128xf32, #tpu.memory_space<vmem_shared>> -> memref<10240x128xf32, #tpu.memory_space<vmem_shared>>
      tpu.wait_indirect_dma semaphore(%arg19 : memref<!tpu.dma_semaphore, #tpu.memory_space<semaphore_mem>>) src(%arg12 : memref<128x128xf32, #tpu.memory_space<vmem>>) dst(%dma_wait3A_249 : memref<10240x128xf32, #tpu.memory_space<vmem_shared>>)
      %dma_start3A_250 = arith.constant 6 : i32
      %dma_start3A_251 = arith.constant 0 : i32
      %dma_start3A_252 = tpu.memref_slice %arg8[%dma_start3A_250, %dma_start3A_251] : memref<8x128xi32, #tpu.memory_space<vmem>> -> memref<1x128xi32, #tpu.memory_space<vmem>>
      %dma_start3A_253 = tpu.memref_squeeze %dma_start3A_252 : memref<1x128xi32, #tpu.memory_space<vmem>> -> memref<128xi32, #tpu.memory_space<vmem>>
      %dma_start3A_254 = arith.constant 0 : i32
      %dma_start3A_255 = arith.constant 0 : i32
      %dma_start3A_256 = tpu.memref_slice %arg6[%dma_start3A_254, %dma_start3A_255] : memref<10240x128xf32, #tpu.memory_space<hbm>> -> memref<10240x128xf32, #tpu.memory_space<hbm>>
      tpu.enqueue_indirect_dma source(%dma_start3A_256 : memref<10240x128xf32, #tpu.memory_space<hbm>>) target(%arg12 : memref<128x128xf32, #tpu.memory_space<vmem>>) offsets(%dma_start3A_253 : memref<128xi32, #tpu.memory_space<vmem>>) semaphore(%arg17 : memref<!tpu.dma_semaphore, #tpu.memory_space<semaphore_mem>>)
      %dma_wait3A_257 = arith.constant 6 : i32
      %dma_wait3A_258 = arith.constant 0 : i32
      %dma_wait3A_259 = tpu.memref_slice %arg8[%dma_wait3A_257, %dma_wait3A_258] : memref<8x128xi32, #tpu.memory_space<vmem>> -> memref<1x128xi32, #tpu.memory_space<vmem>>
      %dma_wait3A_260 = tpu.memref_squeeze %dma_wait3A_259 : memref<1x128xi32, #tpu.memory_space<vmem>> -> memref<128xi32, #tpu.memory_space<vmem>>
      %dma_wait3A_261 = arith.constant 0 : i32
      %dma_wait3A_262 = arith.constant 0 : i32
      %dma_wait3A_263 = tpu.memref_slice %arg6[%dma_wait3A_261, %dma_wait3A_262] : memref<10240x128xf32, #tpu.memory_space<hbm>> -> memref<10240x128xf32, #tpu.memory_space<hbm>>
      tpu.wait_indirect_dma semaphore(%arg17 : memref<!tpu.dma_semaphore, #tpu.memory_space<semaphore_mem>>) src(%dma_wait3A_263 : memref<10240x128xf32, #tpu.memory_space<hbm>>) dst(%arg12 : memref<128x128xf32, #tpu.memory_space<vmem>>)
      %dma_start3A_264 = arith.constant 6 : i32
      %dma_start3A_265 = arith.constant 0 : i32
      %dma_start3A_266 = tpu.memref_slice %arg9[%dma_start3A_264, %dma_start3A_265] : memref<8x128xi32, #tpu.memory_space<vmem>> -> memref<1x128xi32, #tpu.memory_space<vmem>>
      %dma_start3A_267 = tpu.memref_squeeze %dma_start3A_266 : memref<1x128xi32, #tpu.memory_space<vmem>> -> memref<128xi32, #tpu.memory_space<vmem>>
      %dma_start3A_268 = arith.constant 0 : i32
      %dma_start3A_269 = arith.constant 0 : i32
      %dma_start3A_270 = tpu.memref_slice %arg14[%dma_start3A_268, %dma_start3A_269] : memref<10240x128xf32, #tpu.memory_space<vmem_shared>> -> memref<10240x128xf32, #tpu.memory_space<vmem_shared>>
      tpu.enqueue_indirect_dma source(%arg12 : memref<128x128xf32, #tpu.memory_space<vmem>>) target(%dma_start3A_270 : memref<10240x128xf32, #tpu.memory_space<vmem_shared>>) offsets(%dma_start3A_267 : memref<128xi32, #tpu.memory_space<vmem>>) semaphore(%arg19 : memref<!tpu.dma_semaphore, #tpu.memory_space<semaphore_mem>>) {add = true}
      %dma_wait3A_271 = arith.constant 5 : i32
      %dma_wait3A_272 = arith.constant 0 : i32
      %dma_wait3A_273 = tpu.memref_slice %arg9[%dma_wait3A_271, %dma_wait3A_272] : memref<8x128xi32, #tpu.memory_space<vmem>> -> memref<1x128xi32, #tpu.memory_space<vmem>>
      %dma_wait3A_274 = tpu.memref_squeeze %dma_wait3A_273 : memref<1x128xi32, #tpu.memory_space<vmem>> -> memref<128xi32, #tpu.memory_space<vmem>>
      %dma_wait3A_275 = arith.constant 0 : i32
      %dma_wait3A_276 = arith.constant 0 : i32
      %dma_wait3A_277 = tpu.memref_slice %arg14[%dma_wait3A_275, %dma_wait3A_276] : memref<10240x128xf32, #tpu.memory_space<vmem_shared>> -> memref<10240x128xf32, #tpu.memory_space<vmem_shared>>
      tpu.wait_indirect_dma semaphore(%arg20 : memref<!tpu.dma_semaphore, #tpu.memory_space<semaphore_mem>>) src(%arg13 : memref<128x128xf32, #tpu.memory_space<vmem>>) dst(%dma_wait3A_277 : memref<10240x128xf32, #tpu.memory_space<vmem_shared>>)
      %dma_start3A_278 = arith.constant 7 : i32
      %dma_start3A_279 = arith.constant 0 : i32
      %dma_start3A_280 = tpu.memref_slice %arg8[%dma_start3A_278, %dma_start3A_279] : memref<8x128xi32, #tpu.memory_space<vmem>> -> memref<1x128xi32, #tpu.memory_space<vmem>>
      %dma_start3A_281 = tpu.memref_squeeze %dma_start3A_280 : memref<1x128xi32, #tpu.memory_space<vmem>> -> memref<128xi32, #tpu.memory_space<vmem>>
      %dma_start3A_282 = arith.constant 0 : i32
      %dma_start3A_283 = arith.constant 0 : i32
      %dma_start3A_284 = tpu.memref_slice %arg6[%dma_start3A_282, %dma_start3A_283] : memref<10240x128xf32, #tpu.memory_space<hbm>> -> memref<10240x128xf32, #tpu.memory_space<hbm>>
      tpu.enqueue_indirect_dma source(%dma_start3A_284 : memref<10240x128xf32, #tpu.memory_space<hbm>>) target(%arg13 : memref<128x128xf32, #tpu.memory_space<vmem>>) offsets(%dma_start3A_281 : memref<128xi32, #tpu.memory_space<vmem>>) semaphore(%arg18 : memref<!tpu.dma_semaphore, #tpu.memory_space<semaphore_mem>>)
      %dma_wait3A_285 = arith.constant 7 : i32
      %dma_wait3A_286 = arith.constant 0 : i32
      %dma_wait3A_287 = tpu.memref_slice %arg8[%dma_wait3A_285, %dma_wait3A_286] : memref<8x128xi32, #tpu.memory_space<vmem>> -> memref<1x128xi32, #tpu.memory_space<vmem>>
      %dma_wait3A_288 = tpu.memref_squeeze %dma_wait3A_287 : memref<1x128xi32, #tpu.memory_space<vmem>> -> memref<128xi32, #tpu.memory_space<vmem>>
      %dma_wait3A_289 = arith.constant 0 : i32
      %dma_wait3A_290 = arith.constant 0 : i32
      %dma_wait3A_291 = tpu.memref_slice %arg6[%dma_wait3A_289, %dma_wait3A_290] : memref<10240x128xf32, #tpu.memory_space<hbm>> -> memref<10240x128xf32, #tpu.memory_space<hbm>>
      tpu.wait_indirect_dma semaphore(%arg18 : memref<!tpu.dma_semaphore, #tpu.memory_space<semaphore_mem>>) src(%dma_wait3A_291 : memref<10240x128xf32, #tpu.memory_space<hbm>>) dst(%arg13 : memref<128x128xf32, #tpu.memory_space<vmem>>)
      %dma_start3A_292 = arith.constant 7 : i32
      %dma_start3A_293 = arith.constant 0 : i32
      %dma_start3A_294 = tpu.memref_slice %arg9[%dma_start3A_292, %dma_start3A_293] : memref<8x128xi32, #tpu.memory_space<vmem>> -> memref<1x128xi32, #tpu.memory_space<vmem>>
      %dma_start3A_295 = tpu.memref_squeeze %dma_start3A_294 : memref<1x128xi32, #tpu.memory_space<vmem>> -> memref<128xi32, #tpu.memory_space<vmem>>
      %dma_start3A_296 = arith.constant 0 : i32
      %dma_start3A_297 = arith.constant 0 : i32
      %dma_start3A_298 = tpu.memref_slice %arg14[%dma_start3A_296, %dma_start3A_297] : memref<10240x128xf32, #tpu.memory_space<vmem_shared>> -> memref<10240x128xf32, #tpu.memory_space<vmem_shared>>
      tpu.enqueue_indirect_dma source(%arg13 : memref<128x128xf32, #tpu.memory_space<vmem>>) target(%dma_start3A_298 : memref<10240x128xf32, #tpu.memory_space<vmem_shared>>) offsets(%dma_start3A_295 : memref<128xi32, #tpu.memory_space<vmem>>) semaphore(%arg20 : memref<!tpu.dma_semaphore, #tpu.memory_space<semaphore_mem>>) {add = true}
      %dma_wait3A_299 = arith.constant 6 : i32
      %dma_wait3A_300 = arith.constant 0 : i32
      %dma_wait3A_301 = tpu.memref_slice %arg9[%dma_wait3A_299, %dma_wait3A_300] : memref<8x128xi32, #tpu.memory_space<vmem>> -> memref<1x128xi32, #tpu.memory_space<vmem>>
      %dma_wait3A_302 = tpu.memref_squeeze %dma_wait3A_301 : memref<1x128xi32, #tpu.memory_space<vmem>> -> memref<128xi32, #tpu.memory_space<vmem>>
      %dma_wait3A_303 = arith.constant 0 : i32
      %dma_wait3A_304 = arith.constant 0 : i32
      %dma_wait3A_305 = tpu.memref_slice %arg14[%dma_wait3A_303, %dma_wait3A_304] : memref<10240x128xf32, #tpu.memory_space<vmem_shared>> -> memref<10240x128xf32, #tpu.memory_space<vmem_shared>>
      tpu.wait_indirect_dma semaphore(%arg19 : memref<!tpu.dma_semaphore, #tpu.memory_space<semaphore_mem>>) src(%arg12 : memref<128x128xf32, #tpu.memory_space<vmem>>) dst(%dma_wait3A_305 : memref<10240x128xf32, #tpu.memory_space<vmem_shared>>)
      %add3A_306 = arith.constant 1 : i32
      %add3A_307 = arith.addi %mul3A_68, %add3A_306 : i32
      %dma_wait3A_308 = arith.constant 0 : i32
      %dma_wait3A_309 = arith.constant 0 : i32
      %dma_wait3A_310 = arith.constant 0 : i32
      %dma_wait3A_311 = tpu.memref_slice %arg2[%dma_wait3A_308, %dma_wait3A_309, %dma_wait3A_310] : memref<2x2500x128xi32, #tpu.memory_space<hbm>> -> memref<1x8x128xi32, #tpu.memory_space<hbm>>
      %dma_wait3A_312 = tpu.memref_squeeze %dma_wait3A_311 : memref<1x8x128xi32, #tpu.memory_space<hbm>> -> memref<8x128xi32, #tpu.memory_space<hbm>>
      %dma_wait3A_313 = arith.constant 0 : i32
      %dma_wait3A_314 = arith.constant 0 : i32
      %dma_wait3A_315 = tpu.memref_slice %arg2[%dma_wait3A_308, %dma_wait3A_313, %dma_wait3A_314] : memref<2x2500x128xi32, #tpu.memory_space<hbm>> -> memref<1x8x128xi32, #tpu.memory_space<hbm>>
      %dma_wait3A_316 = tpu.memref_squeeze %dma_wait3A_315 : memref<1x8x128xi32, #tpu.memory_space<hbm>> -> memref<8x128xi32, #tpu.memory_space<hbm>>
      tpu.wait_dma2 semaphore(%arg16 : memref<!tpu.dma_semaphore, #tpu.memory_space<semaphore_mem>>) src(%dma_wait3A_316 : memref<8x128xi32, #tpu.memory_space<hbm>>) dst(%arg10 : memref<8x128xi32, #tpu.memory_space<vmem>>)
      %dma_wait3A_317 = arith.constant 1 : i32
      %dma_wait3A_318 = arith.constant 0 : i32
      %dma_wait3A_319 = arith.constant 0 : i32
      %dma_wait3A_320 = tpu.memref_slice %arg2[%dma_wait3A_317, %dma_wait3A_318, %dma_wait3A_319] : memref<2x2500x128xi32, #tpu.memory_space<hbm>> -> memref<1x8x128xi32, #tpu.memory_space<hbm>>
      %dma_wait3A_321 = tpu.memref_squeeze %dma_wait3A_320 : memref<1x8x128xi32, #tpu.memory_space<hbm>> -> memref<8x128xi32, #tpu.memory_space<hbm>>
      %dma_wait3A_322 = arith.constant 0 : i32
      %dma_wait3A_323 = arith.constant 0 : i32
      %dma_wait3A_324 = tpu.memref_slice %arg2[%dma_wait3A_317, %dma_wait3A_322, %dma_wait3A_323] : memref<2x2500x128xi32, #tpu.memory_space<hbm>> -> memref<1x8x128xi32, #tpu.memory_space<hbm>>
      %dma_wait3A_325 = tpu.memref_squeeze %dma_wait3A_324 : memref<1x8x128xi32, #tpu.memory_space<hbm>> -> memref<8x128xi32, #tpu.memory_space<hbm>>
      tpu.wait_dma2 semaphore(%arg16 : memref<!tpu.dma_semaphore, #tpu.memory_space<semaphore_mem>>) src(%dma_wait3A_325 : memref<8x128xi32, #tpu.memory_space<hbm>>) dst(%arg11 : memref<8x128xi32, #tpu.memory_space<vmem>>)
      %dma_start3A_326 = arith.constant 0 : i32
      %dma_start3A_327 = arith.constant 0 : i32
      %dma_start3A_328 = tpu.memref_slice %arg10[%dma_start3A_326, %dma_start3A_327] : memref<8x128xi32, #tpu.memory_space<vmem>> -> memref<1x128xi32, #tpu.memory_space<vmem>>
      %dma_start3A_329 = tpu.memref_squeeze %dma_start3A_328 : memref<1x128xi32, #tpu.memory_space<vmem>> -> memref<128xi32, #tpu.memory_space<vmem>>
      %dma_start3A_330 = arith.constant 0 : i32
      %dma_start3A_331 = arith.constant 0 : i32
      %dma_start3A_332 = tpu.memref_slice %arg6[%dma_start3A_330, %dma_start3A_331] : memref<10240x128xf32, #tpu.memory_space<hbm>> -> memref<10240x128xf32, #tpu.memory_space<hbm>>
      tpu.enqueue_indirect_dma source(%dma_start3A_332 : memref<10240x128xf32, #tpu.memory_space<hbm>>) target(%arg12 : memref<128x128xf32, #tpu.memory_space<vmem>>) offsets(%dma_start3A_329 : memref<128xi32, #tpu.memory_space<vmem>>) semaphore(%arg17 : memref<!tpu.dma_semaphore, #tpu.memory_space<semaphore_mem>>)
      %dma_wait3A_333 = arith.constant 0 : i32
      %dma_wait3A_334 = arith.constant 0 : i32
      %dma_wait3A_335 = tpu.memref_slice %arg10[%dma_wait3A_333, %dma_wait3A_334] : memref<8x128xi32, #tpu.memory_space<vmem>> -> memref<1x128xi32, #tpu.memory_space<vmem>>
      %dma_wait3A_336 = tpu.memref_squeeze %dma_wait3A_335 : memref<1x128xi32, #tpu.memory_space<vmem>> -> memref<128xi32, #tpu.memory_space<vmem>>
      %dma_wait3A_337 = arith.constant 0 : i32
      %dma_wait3A_338 = arith.constant 0 : i32
      %dma_wait3A_339 = tpu.memref_slice %arg6[%dma_wait3A_337, %dma_wait3A_338] : memref<10240x128xf32, #tpu.memory_space<hbm>> -> memref<10240x128xf32, #tpu.memory_space<hbm>>
      tpu.wait_indirect_dma semaphore(%arg17 : memref<!tpu.dma_semaphore, #tpu.memory_space<semaphore_mem>>) src(%dma_wait3A_339 : memref<10240x128xf32, #tpu.memory_space<hbm>>) dst(%arg12 : memref<128x128xf32, #tpu.memory_space<vmem>>)
      %dma_start3A_340 = arith.constant 0 : i32
      %dma_start3A_341 = arith.constant 0 : i32
      %dma_start3A_342 = tpu.memref_slice %arg11[%dma_start3A_340, %dma_start3A_341] : memref<8x128xi32, #tpu.memory_space<vmem>> -> memref<1x128xi32, #tpu.memory_space<vmem>>
      %dma_start3A_343 = tpu.memref_squeeze %dma_start3A_342 : memref<1x128xi32, #tpu.memory_space<vmem>> -> memref<128xi32, #tpu.memory_space<vmem>>
      %dma_start3A_344 = arith.constant 0 : i32
      %dma_start3A_345 = arith.constant 0 : i32
      %dma_start3A_346 = tpu.memref_slice %arg14[%dma_start3A_344, %dma_start3A_345] : memref<10240x128xf32, #tpu.memory_space<vmem_shared>> -> memref<10240x128xf32, #tpu.memory_space<vmem_shared>>
      tpu.enqueue_indirect_dma source(%arg12 : memref<128x128xf32, #tpu.memory_space<vmem>>) target(%dma_start3A_346 : memref<10240x128xf32, #tpu.memory_space<vmem_shared>>) offsets(%dma_start3A_343 : memref<128xi32, #tpu.memory_space<vmem>>) semaphore(%arg19 : memref<!tpu.dma_semaphore, #tpu.memory_space<semaphore_mem>>) {add = true}
      %dma_wait3A_347 = arith.constant 7 : i32
      %dma_wait3A_348 = arith.constant 0 : i32
      %dma_wait3A_349 = tpu.memref_slice %arg9[%dma_wait3A_347, %dma_wait3A_348] : memref<8x128xi32, #tpu.memory_space<vmem>> -> memref<1x128xi32, #tpu.memory_space<vmem>>
      %dma_wait3A_350 = tpu.memref_squeeze %dma_wait3A_349 : memref<1x128xi32, #tpu.memory_space<vmem>> -> memref<128xi32, #tpu.memory_space<vmem>>
      %dma_wait3A_351 = arith.constant 0 : i32
      %dma_wait3A_352 = arith.constant 0 : i32
      %dma_wait3A_353 = tpu.memref_slice %arg14[%dma_wait3A_351, %dma_wait3A_352] : memref<10240x128xf32, #tpu.memory_space<vmem_shared>> -> memref<10240x128xf32, #tpu.memory_space<vmem_shared>>
      tpu.wait_indirect_dma semaphore(%arg20 : memref<!tpu.dma_semaphore, #tpu.memory_space<semaphore_mem>>) src(%arg13 : memref<128x128xf32, #tpu.memory_space<vmem>>) dst(%dma_wait3A_353 : memref<10240x128xf32, #tpu.memory_space<vmem_shared>>)
      %add3A_354 = arith.constant 2 : i32
      %add3A_355 = arith.addi %mul3A_68, %add3A_354 : i32
      %lt3A_356 = arith.constant 10 : i32
      %lt3A_357 = arith.cmpi slt, %add3A_355, %lt3A_356 : i32
      %convert_element_type3A_358 = arith.extui %lt3A_357 : i1 to i32
      %cond3A_359 = arith.constant 0 : i32
      %cond3A_360 = arith.cmpi ne, %convert_element_type3A_358, %cond3A_359 : i32
      scf.if %cond3A_360 {
        %add3A_564 = arith.constant 2 : i32
        %add3A_565 = arith.addi %mul3A_68, %add3A_564 : i32
        %mul3A_566 = arith.constant 8 : i32
        %mul3A_567 = arith.muli %add3A_565, %mul3A_566 : i32
        %add3A_568 = arith.addi %mul3A_12, %mul3A_567 : i32
        %lt3A_569 = arith.constant 2496 : i32
        %lt3A_570 = arith.cmpi slt, %add3A_568, %lt3A_569 : i32
        %convert_element_type3A_571 = arith.extui %lt3A_570 : i1 to i32
        %cond3A_572 = arith.constant 0 : i32
        %cond3A_573 = arith.cmpi ne, %convert_element_type3A_571, %cond3A_572 : i32
        scf.if %cond3A_573 {
          %dma_start3A_584 = arith.constant 0 : i32
          %dma_start3A_585 = arith.constant 0 : i32
          %dma_start3A_586 = tpu.memref_slice %arg2[%dma_start3A_584, %add3A_568, %dma_start3A_585] : memref<2x2500x128xi32, #tpu.memory_space<hbm>> -> memref<1x8x128xi32, #tpu.memory_space<hbm>>
          %dma_start3A_587 = tpu.memref_squeeze %dma_start3A_586 : memref<1x8x128xi32, #tpu.memory_space<hbm>> -> memref<8x128xi32, #tpu.memory_space<hbm>>
          %dma_start3A_588 = arith.constant 0 : i32
          %dma_start3A_589 = tpu.memref_slice %arg2[%dma_start3A_584, %add3A_568, %dma_start3A_588] : memref<2x2500x128xi32, #tpu.memory_space<hbm>> -> memref<1x8x128xi32, #tpu.memory_space<hbm>>
          %dma_start3A_590 = tpu.memref_squeeze %dma_start3A_589 : memref<1x8x128xi32, #tpu.memory_space<hbm>> -> memref<8x128xi32, #tpu.memory_space<hbm>>
          tpu.enqueue_dma source(%dma_start3A_590 : memref<8x128xi32, #tpu.memory_space<hbm>>) target(%arg8 : memref<8x128xi32, #tpu.memory_space<vmem>>) target_semaphore(%arg15 : memref<!tpu.dma_semaphore, #tpu.memory_space<semaphore_mem>>)
          %dma_start3A_591 = arith.constant 1 : i32
          %dma_start3A_592 = arith.constant 0 : i32
          %dma_start3A_593 = tpu.memref_slice %arg2[%dma_start3A_591, %add3A_568, %dma_start3A_592] : memref<2x2500x128xi32, #tpu.memory_space<hbm>> -> memref<1x8x128xi32, #tpu.memory_space<hbm>>
          %dma_start3A_594 = tpu.memref_squeeze %dma_start3A_593 : memref<1x8x128xi32, #tpu.memory_space<hbm>> -> memref<8x128xi32, #tpu.memory_space<hbm>>
          %dma_start3A_595 = arith.constant 0 : i32
          %dma_start3A_596 = tpu.memref_slice %arg2[%dma_start3A_591, %add3A_568, %dma_start3A_595] : memref<2x2500x128xi32, #tpu.memory_space<hbm>> -> memref<1x8x128xi32, #tpu.memory_space<hbm>>
          %dma_start3A_597 = tpu.memref_squeeze %dma_start3A_596 : memref<1x8x128xi32, #tpu.memory_space<hbm>> -> memref<8x128xi32, #tpu.memory_space<hbm>>
          tpu.enqueue_dma source(%dma_start3A_597 : memref<8x128xi32, #tpu.memory_space<hbm>>) target(%arg9 : memref<8x128xi32, #tpu.memory_space<vmem>>) target_semaphore(%arg15 : memref<!tpu.dma_semaphore, #tpu.memory_space<semaphore_mem>>)
        } else {
        }
        %eq3A_574 = arith.constant 2496 : i32
        %eq3A_575 = arith.cmpi eq, %add3A_568, %eq3A_574 : i32
        %convert_element_type3A_576 = arith.extui %eq3A_575 : i1 to i32
        %cond3A_577 = arith.constant 0 : i32
        %cond3A_578 = arith.cmpi ne, %convert_element_type3A_576, %cond3A_577 : i32
        scf.if %cond3A_578 {
          %dma_start3A_584 = arith.constant 0 : i32
          %dma_start3A_585 = arith.constant 0 : i32
          %dma_start3A_586 = arith.constant 0 : i32
          %dma_start3A_587 = tpu.memref_slice %arg3[%dma_start3A_584, %dma_start3A_585, %dma_start3A_586] : memref<2x8x128xi32, #tpu.memory_space<hbm>> -> memref<1x8x128xi32, #tpu.memory_space<hbm>>
          %dma_start3A_588 = tpu.memref_squeeze %dma_start3A_587 : memref<1x8x128xi32, #tpu.memory_space<hbm>> -> memref<8x128xi32, #tpu.memory_space<hbm>>
          %dma_start3A_589 = arith.constant 0 : i32
          %dma_start3A_590 = arith.constant 0 : i32
          %dma_start3A_591 = tpu.memref_slice %arg3[%dma_start3A_584, %dma_start3A_589, %dma_start3A_590] : memref<2x8x128xi32, #tpu.memory_space<hbm>> -> memref<1x8x128xi32, #tpu.memory_space<hbm>>
          %dma_start3A_592 = tpu.memref_squeeze %dma_start3A_591 : memref<1x8x128xi32, #tpu.memory_space<hbm>> -> memref<8x128xi32, #tpu.memory_space<hbm>>
          tpu.enqueue_dma source(%dma_start3A_592 : memref<8x128xi32, #tpu.memory_space<hbm>>) target(%arg8 : memref<8x128xi32, #tpu.memory_space<vmem>>) target_semaphore(%arg15 : memref<!tpu.dma_semaphore, #tpu.memory_space<semaphore_mem>>)
          %dma_start3A_593 = arith.constant 1 : i32
          %dma_start3A_594 = arith.constant 0 : i32
          %dma_start3A_595 = arith.constant 0 : i32
          %dma_start3A_596 = tpu.memref_slice %arg3[%dma_start3A_593, %dma_start3A_594, %dma_start3A_595] : memref<2x8x128xi32, #tpu.memory_space<hbm>> -> memref<1x8x128xi32, #tpu.memory_space<hbm>>
          %dma_start3A_597 = tpu.memref_squeeze %dma_start3A_596 : memref<1x8x128xi32, #tpu.memory_space<hbm>> -> memref<8x128xi32, #tpu.memory_space<hbm>>
          %dma_start3A_598 = arith.constant 0 : i32
          %dma_start3A_599 = arith.constant 0 : i32
          %dma_start3A_600 = tpu.memref_slice %arg3[%dma_start3A_593, %dma_start3A_598, %dma_start3A_599] : memref<2x8x128xi32, #tpu.memory_space<hbm>> -> memref<1x8x128xi32, #tpu.memory_space<hbm>>
          %dma_start3A_601 = tpu.memref_squeeze %dma_start3A_600 : memref<1x8x128xi32, #tpu.memory_space<hbm>> -> memref<8x128xi32, #tpu.memory_space<hbm>>
          tpu.enqueue_dma source(%dma_start3A_601 : memref<8x128xi32, #tpu.memory_space<hbm>>) target(%arg9 : memref<8x128xi32, #tpu.memory_space<vmem>>) target_semaphore(%arg15 : memref<!tpu.dma_semaphore, #tpu.memory_space<semaphore_mem>>)
        } else {
        }
        %gt3A_579 = arith.constant 2496 : i32
        %gt3A_580 = arith.cmpi sgt, %add3A_568, %gt3A_579 : i32
        %convert_element_type3A_581 = arith.extui %gt3A_580 : i1 to i32
        %cond3A_582 = arith.constant 0 : i32
        %cond3A_583 = arith.cmpi ne, %convert_element_type3A_581, %cond3A_582 : i32
        scf.if %cond3A_583 {
          %sub3A = arith.constant 2496 : i32
          %sub3A_584 = arith.subi %add3A_568, %sub3A : i32
          %sub3A_585 = arith.constant 8 : i32
          %sub3A_586 = arith.subi %sub3A_584, %sub3A_585 : i32
          %dma_start3A_587 = arith.constant 0 : i32
          %dma_start3A_588 = tpu.memref_slice %arg4[%sub3A_586, %dma_start3A_587] : memref<56x128xi32, #tpu.memory_space<hbm>> -> memref<8x128xi32, #tpu.memory_space<hbm>>
          %dma_start3A_589 = arith.constant 0 : i32
          %dma_start3A_590 = tpu.memref_slice %arg4[%sub3A_586, %dma_start3A_589] : memref<56x128xi32, #tpu.memory_space<hbm>> -> memref<8x128xi32, #tpu.memory_space<hbm>>
          tpu.enqueue_dma source(%dma_start3A_590 : memref<8x128xi32, #tpu.memory_space<hbm>>) target(%arg8 : memref<8x128xi32, #tpu.memory_space<vmem>>) target_semaphore(%arg15 : memref<!tpu.dma_semaphore, #tpu.memory_space<semaphore_mem>>)
          %sub3A_591 = arith.constant 2496 : i32
          %sub3A_592 = arith.subi %add3A_568, %sub3A_591 : i32
          %sub3A_593 = arith.constant 8 : i32
          %sub3A_594 = arith.subi %sub3A_592, %sub3A_593 : i32
          %dma_start3A_595 = arith.constant 0 : i32
          %dma_start3A_596 = tpu.memref_slice %arg5[%sub3A_594, %dma_start3A_595] : memref<56x128xi32, #tpu.memory_space<hbm>> -> memref<8x128xi32, #tpu.memory_space<hbm>>
          %dma_start3A_597 = arith.constant 0 : i32
          %dma_start3A_598 = tpu.memref_slice %arg5[%sub3A_594, %dma_start3A_597] : memref<56x128xi32, #tpu.memory_space<hbm>> -> memref<8x128xi32, #tpu.memory_space<hbm>>
          tpu.enqueue_dma source(%dma_start3A_598 : memref<8x128xi32, #tpu.memory_space<hbm>>) target(%arg9 : memref<8x128xi32, #tpu.memory_space<vmem>>) target_semaphore(%arg15 : memref<!tpu.dma_semaphore, #tpu.memory_space<semaphore_mem>>)
        } else {
        }
      } else {
      }
      %dma_start3A_361 = arith.constant 1 : i32
      %dma_start3A_362 = arith.constant 0 : i32
      %dma_start3A_363 = tpu.memref_slice %arg10[%dma_start3A_361, %dma_start3A_362] : memref<8x128xi32, #tpu.memory_space<vmem>> -> memref<1x128xi32, #tpu.memory_space<vmem>>
      %dma_start3A_364 = tpu.memref_squeeze %dma_start3A_363 : memref<1x128xi32, #tpu.memory_space<vmem>> -> memref<128xi32, #tpu.memory_space<vmem>>
      %dma_start3A_365 = arith.constant 0 : i32
      %dma_start3A_366 = arith.constant 0 : i32
      %dma_start3A_367 = tpu.memref_slice %arg6[%dma_start3A_365, %dma_start3A_366] : memref<10240x128xf32, #tpu.memory_space<hbm>> -> memref<10240x128xf32, #tpu.memory_space<hbm>>
      tpu.enqueue_indirect_dma source(%dma_start3A_367 : memref<10240x128xf32, #tpu.memory_space<hbm>>) target(%arg13 : memref<128x128xf32, #tpu.memory_space<vmem>>) offsets(%dma_start3A_364 : memref<128xi32, #tpu.memory_space<vmem>>) semaphore(%arg18 : memref<!tpu.dma_semaphore, #tpu.memory_space<semaphore_mem>>)
      %dma_wait3A_368 = arith.constant 1 : i32
      %dma_wait3A_369 = arith.constant 0 : i32
      %dma_wait3A_370 = tpu.memref_slice %arg10[%dma_wait3A_368, %dma_wait3A_369] : memref<8x128xi32, #tpu.memory_space<vmem>> -> memref<1x128xi32, #tpu.memory_space<vmem>>
      %dma_wait3A_371 = tpu.memref_squeeze %dma_wait3A_370 : memref<1x128xi32, #tpu.memory_space<vmem>> -> memref<128xi32, #tpu.memory_space<vmem>>
      %dma_wait3A_372 = arith.constant 0 : i32
      %dma_wait3A_373 = arith.constant 0 : i32
      %dma_wait3A_374 = tpu.memref_slice %arg6[%dma_wait3A_372, %dma_wait3A_373] : memref<10240x128xf32, #tpu.memory_space<hbm>> -> memref<10240x128xf32, #tpu.memory_space<hbm>>
      tpu.wait_indirect_dma semaphore(%arg18 : memref<!tpu.dma_semaphore, #tpu.memory_space<semaphore_mem>>) src(%dma_wait3A_374 : memref<10240x128xf32, #tpu.memory_space<hbm>>) dst(%arg13 : memref<128x128xf32, #tpu.memory_space<vmem>>)
      %dma_start3A_375 = arith.constant 1 : i32
      %dma_start3A_376 = arith.constant 0 : i32
      %dma_start3A_377 = tpu.memref_slice %arg11[%dma_start3A_375, %dma_start3A_376] : memref<8x128xi32, #tpu.memory_space<vmem>> -> memref<1x128xi32, #tpu.memory_space<vmem>>
      %dma_start3A_378 = tpu.memref_squeeze %dma_start3A_377 : memref<1x128xi32, #tpu.memory_space<vmem>> -> memref<128xi32, #tpu.memory_space<vmem>>
      %dma_start3A_379 = arith.constant 0 : i32
      %dma_start3A_380 = arith.constant 0 : i32
      %dma_start3A_381 = tpu.memref_slice %arg14[%dma_start3A_379, %dma_start3A_380] : memref<10240x128xf32, #tpu.memory_space<vmem_shared>> -> memref<10240x128xf32, #tpu.memory_space<vmem_shared>>
      tpu.enqueue_indirect_dma source(%arg13 : memref<128x128xf32, #tpu.memory_space<vmem>>) target(%dma_start3A_381 : memref<10240x128xf32, #tpu.memory_space<vmem_shared>>) offsets(%dma_start3A_378 : memref<128xi32, #tpu.memory_space<vmem>>) semaphore(%arg20 : memref<!tpu.dma_semaphore, #tpu.memory_space<semaphore_mem>>) {add = true}
      %dma_wait3A_382 = arith.constant 0 : i32
      %dma_wait3A_383 = arith.constant 0 : i32
      %dma_wait3A_384 = tpu.memref_slice %arg11[%dma_wait3A_382, %dma_wait3A_383] : memref<8x128xi32, #tpu.memory_space<vmem>> -> memref<1x128xi32, #tpu.memory_space<vmem>>
      %dma_wait3A_385 = tpu.memref_squeeze %dma_wait3A_384 : memref<1x128xi32, #tpu.memory_space<vmem>> -> memref<128xi32, #tpu.memory_space<vmem>>
      %dma_wait3A_386 = arith.constant 0 : i32
      %dma_wait3A_387 = arith.constant 0 : i32
      %dma_wait3A_388 = tpu.memref_slice %arg14[%dma_wait3A_386, %dma_wait3A_387] : memref<10240x128xf32, #tpu.memory_space<vmem_shared>> -> memref<10240x128xf32, #tpu.memory_space<vmem_shared>>
      tpu.wait_indirect_dma semaphore(%arg19 : memref<!tpu.dma_semaphore, #tpu.memory_space<semaphore_mem>>) src(%arg12 : memref<128x128xf32, #tpu.memory_space<vmem>>) dst(%dma_wait3A_388 : memref<10240x128xf32, #tpu.memory_space<vmem_shared>>)
      %dma_start3A_389 = arith.constant 2 : i32
      %dma_start3A_390 = arith.constant 0 : i32
      %dma_start3A_391 = tpu.memref_slice %arg10[%dma_start3A_389, %dma_start3A_390] : memref<8x128xi32, #tpu.memory_space<vmem>> -> memref<1x128xi32, #tpu.memory_space<vmem>>
      %dma_start3A_392 = tpu.memref_squeeze %dma_start3A_391 : memref<1x128xi32, #tpu.memory_space<vmem>> -> memref<128xi32, #tpu.memory_space<vmem>>
      %dma_start3A_393 = arith.constant 0 : i32
      %dma_start3A_394 = arith.constant 0 : i32
      %dma_start3A_395 = tpu.memref_slice %arg6[%dma_start3A_393, %dma_start3A_394] : memref<10240x128xf32, #tpu.memory_space<hbm>> -> memref<10240x128xf32, #tpu.memory_space<hbm>>
      tpu.enqueue_indirect_dma source(%dma_start3A_395 : memref<10240x128xf32, #tpu.memory_space<hbm>>) target(%arg12 : memref<128x128xf32, #tpu.memory_space<vmem>>) offsets(%dma_start3A_392 : memref<128xi32, #tpu.memory_space<vmem>>) semaphore(%arg17 : memref<!tpu.dma_semaphore, #tpu.memory_space<semaphore_mem>>)
      %dma_wait3A_396 = arith.constant 2 : i32
      %dma_wait3A_397 = arith.constant 0 : i32
      %dma_wait3A_398 = tpu.memref_slice %arg10[%dma_wait3A_396, %dma_wait3A_397] : memref<8x128xi32, #tpu.memory_space<vmem>> -> memref<1x128xi32, #tpu.memory_space<vmem>>
      %dma_wait3A_399 = tpu.memref_squeeze %dma_wait3A_398 : memref<1x128xi32, #tpu.memory_space<vmem>> -> memref<128xi32, #tpu.memory_space<vmem>>
      %dma_wait3A_400 = arith.constant 0 : i32
      %dma_wait3A_401 = arith.constant 0 : i32
      %dma_wait3A_402 = tpu.memref_slice %arg6[%dma_wait3A_400, %dma_wait3A_401] : memref<10240x128xf32, #tpu.memory_space<hbm>> -> memref<10240x128xf32, #tpu.memory_space<hbm>>
      tpu.wait_indirect_dma semaphore(%arg17 : memref<!tpu.dma_semaphore, #tpu.memory_space<semaphore_mem>>) src(%dma_wait3A_402 : memref<10240x128xf32, #tpu.memory_space<hbm>>) dst(%arg12 : memref<128x128xf32, #tpu.memory_space<vmem>>)
      %dma_start3A_403 = arith.constant 2 : i32
      %dma_start3A_404 = arith.constant 0 : i32
      %dma_start3A_405 = tpu.memref_slice %arg11[%dma_start3A_403, %dma_start3A_404] : memref<8x128xi32, #tpu.memory_space<vmem>> -> memref<1x128xi32, #tpu.memory_space<vmem>>
      %dma_start3A_406 = tpu.memref_squeeze %dma_start3A_405 : memref<1x128xi32, #tpu.memory_space<vmem>> -> memref<128xi32, #tpu.memory_space<vmem>>
      %dma_start3A_407 = arith.constant 0 : i32
      %dma_start3A_408 = arith.constant 0 : i32
      %dma_start3A_409 = tpu.memref_slice %arg14[%dma_start3A_407, %dma_start3A_408] : memref<10240x128xf32, #tpu.memory_space<vmem_shared>> -> memref<10240x128xf32, #tpu.memory_space<vmem_shared>>
      tpu.enqueue_indirect_dma source(%arg12 : memref<128x128xf32, #tpu.memory_space<vmem>>) target(%dma_start3A_409 : memref<10240x128xf32, #tpu.memory_space<vmem_shared>>) offsets(%dma_start3A_406 : memref<128xi32, #tpu.memory_space<vmem>>) semaphore(%arg19 : memref<!tpu.dma_semaphore, #tpu.memory_space<semaphore_mem>>) {add = true}
      %dma_wait3A_410 = arith.constant 1 : i32
      %dma_wait3A_411 = arith.constant 0 : i32
      %dma_wait3A_412 = tpu.memref_slice %arg11[%dma_wait3A_410, %dma_wait3A_411] : memref<8x128xi32, #tpu.memory_space<vmem>> -> memref<1x128xi32, #tpu.memory_space<vmem>>
      %dma_wait3A_413 = tpu.memref_squeeze %dma_wait3A_412 : memref<1x128xi32, #tpu.memory_space<vmem>> -> memref<128xi32, #tpu.memory_space<vmem>>
      %dma_wait3A_414 = arith.constant 0 : i32
      %dma_wait3A_415 = arith.constant 0 : i32
      %dma_wait3A_416 = tpu.memref_slice %arg14[%dma_wait3A_414, %dma_wait3A_415] : memref<10240x128xf32, #tpu.memory_space<vmem_shared>> -> memref<10240x128xf32, #tpu.memory_space<vmem_shared>>
      tpu.wait_indirect_dma semaphore(%arg20 : memref<!tpu.dma_semaphore, #tpu.memory_space<semaphore_mem>>) src(%arg13 : memref<128x128xf32, #tpu.memory_space<vmem>>) dst(%dma_wait3A_416 : memref<10240x128xf32, #tpu.memory_space<vmem_shared>>)
      %dma_start3A_417 = arith.constant 3 : i32
      %dma_start3A_418 = arith.constant 0 : i32
      %dma_start3A_419 = tpu.memref_slice %arg10[%dma_start3A_417, %dma_start3A_418] : memref<8x128xi32, #tpu.memory_space<vmem>> -> memref<1x128xi32, #tpu.memory_space<vmem>>
      %dma_start3A_420 = tpu.memref_squeeze %dma_start3A_419 : memref<1x128xi32, #tpu.memory_space<vmem>> -> memref<128xi32, #tpu.memory_space<vmem>>
      %dma_start3A_421 = arith.constant 0 : i32
      %dma_start3A_422 = arith.constant 0 : i32
      %dma_start3A_423 = tpu.memref_slice %arg6[%dma_start3A_421, %dma_start3A_422] : memref<10240x128xf32, #tpu.memory_space<hbm>> -> memref<10240x128xf32, #tpu.memory_space<hbm>>
      tpu.enqueue_indirect_dma source(%dma_start3A_423 : memref<10240x128xf32, #tpu.memory_space<hbm>>) target(%arg13 : memref<128x128xf32, #tpu.memory_space<vmem>>) offsets(%dma_start3A_420 : memref<128xi32, #tpu.memory_space<vmem>>) semaphore(%arg18 : memref<!tpu.dma_semaphore, #tpu.memory_space<semaphore_mem>>)
      %dma_wait3A_424 = arith.constant 3 : i32
      %dma_wait3A_425 = arith.constant 0 : i32
      %dma_wait3A_426 = tpu.memref_slice %arg10[%dma_wait3A_424, %dma_wait3A_425] : memref<8x128xi32, #tpu.memory_space<vmem>> -> memref<1x128xi32, #tpu.memory_space<vmem>>
      %dma_wait3A_427 = tpu.memref_squeeze %dma_wait3A_426 : memref<1x128xi32, #tpu.memory_space<vmem>> -> memref<128xi32, #tpu.memory_space<vmem>>
      %dma_wait3A_428 = arith.constant 0 : i32
      %dma_wait3A_429 = arith.constant 0 : i32
      %dma_wait3A_430 = tpu.memref_slice %arg6[%dma_wait3A_428, %dma_wait3A_429] : memref<10240x128xf32, #tpu.memory_space<hbm>> -> memref<10240x128xf32, #tpu.memory_space<hbm>>
      tpu.wait_indirect_dma semaphore(%arg18 : memref<!tpu.dma_semaphore, #tpu.memory_space<semaphore_mem>>) src(%dma_wait3A_430 : memref<10240x128xf32, #tpu.memory_space<hbm>>) dst(%arg13 : memref<128x128xf32, #tpu.memory_space<vmem>>)
      %dma_start3A_431 = arith.constant 3 : i32
      %dma_start3A_432 = arith.constant 0 : i32
      %dma_start3A_433 = tpu.memref_slice %arg11[%dma_start3A_431, %dma_start3A_432] : memref<8x128xi32, #tpu.memory_space<vmem>> -> memref<1x128xi32, #tpu.memory_space<vmem>>
      %dma_start3A_434 = tpu.memref_squeeze %dma_start3A_433 : memref<1x128xi32, #tpu.memory_space<vmem>> -> memref<128xi32, #tpu.memory_space<vmem>>
      %dma_start3A_435 = arith.constant 0 : i32
      %dma_start3A_436 = arith.constant 0 : i32
      %dma_start3A_437 = tpu.memref_slice %arg14[%dma_start3A_435, %dma_start3A_436] : memref<10240x128xf32, #tpu.memory_space<vmem_shared>> -> memref<10240x128xf32, #tpu.memory_space<vmem_shared>>
      tpu.enqueue_indirect_dma source(%arg13 : memref<128x128xf32, #tpu.memory_space<vmem>>) target(%dma_start3A_437 : memref<10240x128xf32, #tpu.memory_space<vmem_shared>>) offsets(%dma_start3A_434 : memref<128xi32, #tpu.memory_space<vmem>>) semaphore(%arg20 : memref<!tpu.dma_semaphore, #tpu.memory_space<semaphore_mem>>) {add = true}
      %dma_wait3A_438 = arith.constant 2 : i32
      %dma_wait3A_439 = arith.constant 0 : i32
      %dma_wait3A_440 = tpu.memref_slice %arg11[%dma_wait3A_438, %dma_wait3A_439] : memref<8x128xi32, #tpu.memory_space<vmem>> -> memref<1x128xi32, #tpu.memory_space<vmem>>
      %dma_wait3A_441 = tpu.memref_squeeze %dma_wait3A_440 : memref<1x128xi32, #tpu.memory_space<vmem>> -> memref<128xi32, #tpu.memory_space<vmem>>
      %dma_wait3A_442 = arith.constant 0 : i32
      %dma_wait3A_443 = arith.constant 0 : i32
      %dma_wait3A_444 = tpu.memref_slice %arg14[%dma_wait3A_442, %dma_wait3A_443] : memref<10240x128xf32, #tpu.memory_space<vmem_shared>> -> memref<10240x128xf32, #tpu.memory_space<vmem_shared>>
      tpu.wait_indirect_dma semaphore(%arg19 : memref<!tpu.dma_semaphore, #tpu.memory_space<semaphore_mem>>) src(%arg12 : memref<128x128xf32, #tpu.memory_space<vmem>>) dst(%dma_wait3A_444 : memref<10240x128xf32, #tpu.memory_space<vmem_shared>>)
      %dma_start3A_445 = arith.constant 4 : i32
      %dma_start3A_446 = arith.constant 0 : i32
      %dma_start3A_447 = tpu.memref_slice %arg10[%dma_start3A_445, %dma_start3A_446] : memref<8x128xi32, #tpu.memory_space<vmem>> -> memref<1x128xi32, #tpu.memory_space<vmem>>
      %dma_start3A_448 = tpu.memref_squeeze %dma_start3A_447 : memref<1x128xi32, #tpu.memory_space<vmem>> -> memref<128xi32, #tpu.memory_space<vmem>>
      %dma_start3A_449 = arith.constant 0 : i32
      %dma_start3A_450 = arith.constant 0 : i32
      %dma_start3A_451 = tpu.memref_slice %arg6[%dma_start3A_449, %dma_start3A_450] : memref<10240x128xf32, #tpu.memory_space<hbm>> -> memref<10240x128xf32, #tpu.memory_space<hbm>>
      tpu.enqueue_indirect_dma source(%dma_start3A_451 : memref<10240x128xf32, #tpu.memory_space<hbm>>) target(%arg12 : memref<128x128xf32, #tpu.memory_space<vmem>>) offsets(%dma_start3A_448 : memref<128xi32, #tpu.memory_space<vmem>>) semaphore(%arg17 : memref<!tpu.dma_semaphore, #tpu.memory_space<semaphore_mem>>)
      %dma_wait3A_452 = arith.constant 4 : i32
      %dma_wait3A_453 = arith.constant 0 : i32
      %dma_wait3A_454 = tpu.memref_slice %arg10[%dma_wait3A_452, %dma_wait3A_453] : memref<8x128xi32, #tpu.memory_space<vmem>> -> memref<1x128xi32, #tpu.memory_space<vmem>>
      %dma_wait3A_455 = tpu.memref_squeeze %dma_wait3A_454 : memref<1x128xi32, #tpu.memory_space<vmem>> -> memref<128xi32, #tpu.memory_space<vmem>>
      %dma_wait3A_456 = arith.constant 0 : i32
      %dma_wait3A_457 = arith.constant 0 : i32
      %dma_wait3A_458 = tpu.memref_slice %arg6[%dma_wait3A_456, %dma_wait3A_457] : memref<10240x128xf32, #tpu.memory_space<hbm>> -> memref<10240x128xf32, #tpu.memory_space<hbm>>
      tpu.wait_indirect_dma semaphore(%arg17 : memref<!tpu.dma_semaphore, #tpu.memory_space<semaphore_mem>>) src(%dma_wait3A_458 : memref<10240x128xf32, #tpu.memory_space<hbm>>) dst(%arg12 : memref<128x128xf32, #tpu.memory_space<vmem>>)
      %dma_start3A_459 = arith.constant 4 : i32
      %dma_start3A_460 = arith.constant 0 : i32
      %dma_start3A_461 = tpu.memref_slice %arg11[%dma_start3A_459, %dma_start3A_460] : memref<8x128xi32, #tpu.memory_space<vmem>> -> memref<1x128xi32, #tpu.memory_space<vmem>>
      %dma_start3A_462 = tpu.memref_squeeze %dma_start3A_461 : memref<1x128xi32, #tpu.memory_space<vmem>> -> memref<128xi32, #tpu.memory_space<vmem>>
      %dma_start3A_463 = arith.constant 0 : i32
      %dma_start3A_464 = arith.constant 0 : i32
      %dma_start3A_465 = tpu.memref_slice %arg14[%dma_start3A_463, %dma_start3A_464] : memref<10240x128xf32, #tpu.memory_space<vmem_shared>> -> memref<10240x128xf32, #tpu.memory_space<vmem_shared>>
      tpu.enqueue_indirect_dma source(%arg12 : memref<128x128xf32, #tpu.memory_space<vmem>>) target(%dma_start3A_465 : memref<10240x128xf32, #tpu.memory_space<vmem_shared>>) offsets(%dma_start3A_462 : memref<128xi32, #tpu.memory_space<vmem>>) semaphore(%arg19 : memref<!tpu.dma_semaphore, #tpu.memory_space<semaphore_mem>>) {add = true}
      %dma_wait3A_466 = arith.constant 3 : i32
      %dma_wait3A_467 = arith.constant 0 : i32
      %dma_wait3A_468 = tpu.memref_slice %arg11[%dma_wait3A_466, %dma_wait3A_467] : memref<8x128xi32, #tpu.memory_space<vmem>> -> memref<1x128xi32, #tpu.memory_space<vmem>>
      %dma_wait3A_469 = tpu.memref_squeeze %dma_wait3A_468 : memref<1x128xi32, #tpu.memory_space<vmem>> -> memref<128xi32, #tpu.memory_space<vmem>>
      %dma_wait3A_470 = arith.constant 0 : i32
      %dma_wait3A_471 = arith.constant 0 : i32
      %dma_wait3A_472 = tpu.memref_slice %arg14[%dma_wait3A_470, %dma_wait3A_471] : memref<10240x128xf32, #tpu.memory_space<vmem_shared>> -> memref<10240x128xf32, #tpu.memory_space<vmem_shared>>
      tpu.wait_indirect_dma semaphore(%arg20 : memref<!tpu.dma_semaphore, #tpu.memory_space<semaphore_mem>>) src(%arg13 : memref<128x128xf32, #tpu.memory_space<vmem>>) dst(%dma_wait3A_472 : memref<10240x128xf32, #tpu.memory_space<vmem_shared>>)
      %dma_start3A_473 = arith.constant 5 : i32
      %dma_start3A_474 = arith.constant 0 : i32
      %dma_start3A_475 = tpu.memref_slice %arg10[%dma_start3A_473, %dma_start3A_474] : memref<8x128xi32, #tpu.memory_space<vmem>> -> memref<1x128xi32, #tpu.memory_space<vmem>>
      %dma_start3A_476 = tpu.memref_squeeze %dma_start3A_475 : memref<1x128xi32, #tpu.memory_space<vmem>> -> memref<128xi32, #tpu.memory_space<vmem>>
      %dma_start3A_477 = arith.constant 0 : i32
      %dma_start3A_478 = arith.constant 0 : i32
      %dma_start3A_479 = tpu.memref_slice %arg6[%dma_start3A_477, %dma_start3A_478] : memref<10240x128xf32, #tpu.memory_space<hbm>> -> memref<10240x128xf32, #tpu.memory_space<hbm>>
      tpu.enqueue_indirect_dma source(%dma_start3A_479 : memref<10240x128xf32, #tpu.memory_space<hbm>>) target(%arg13 : memref<128x128xf32, #tpu.memory_space<vmem>>) offsets(%dma_start3A_476 : memref<128xi32, #tpu.memory_space<vmem>>) semaphore(%arg18 : memref<!tpu.dma_semaphore, #tpu.memory_space<semaphore_mem>>)
      %dma_wait3A_480 = arith.constant 5 : i32
      %dma_wait3A_481 = arith.constant 0 : i32
      %dma_wait3A_482 = tpu.memref_slice %arg10[%dma_wait3A_480, %dma_wait3A_481] : memref<8x128xi32, #tpu.memory_space<vmem>> -> memref<1x128xi32, #tpu.memory_space<vmem>>
      %dma_wait3A_483 = tpu.memref_squeeze %dma_wait3A_482 : memref<1x128xi32, #tpu.memory_space<vmem>> -> memref<128xi32, #tpu.memory_space<vmem>>
      %dma_wait3A_484 = arith.constant 0 : i32
      %dma_wait3A_485 = arith.constant 0 : i32
      %dma_wait3A_486 = tpu.memref_slice %arg6[%dma_wait3A_484, %dma_wait3A_485] : memref<10240x128xf32, #tpu.memory_space<hbm>> -> memref<10240x128xf32, #tpu.memory_space<hbm>>
      tpu.wait_indirect_dma semaphore(%arg18 : memref<!tpu.dma_semaphore, #tpu.memory_space<semaphore_mem>>) src(%dma_wait3A_486 : memref<10240x128xf32, #tpu.memory_space<hbm>>) dst(%arg13 : memref<128x128xf32, #tpu.memory_space<vmem>>)
      %dma_start3A_487 = arith.constant 5 : i32
      %dma_start3A_488 = arith.constant 0 : i32
      %dma_start3A_489 = tpu.memref_slice %arg11[%dma_start3A_487, %dma_start3A_488] : memref<8x128xi32, #tpu.memory_space<vmem>> -> memref<1x128xi32, #tpu.memory_space<vmem>>
      %dma_start3A_490 = tpu.memref_squeeze %dma_start3A_489 : memref<1x128xi32, #tpu.memory_space<vmem>> -> memref<128xi32, #tpu.memory_space<vmem>>
      %dma_start3A_491 = arith.constant 0 : i32
      %dma_start3A_492 = arith.constant 0 : i32
      %dma_start3A_493 = tpu.memref_slice %arg14[%dma_start3A_491, %dma_start3A_492] : memref<10240x128xf32, #tpu.memory_space<vmem_shared>> -> memref<10240x128xf32, #tpu.memory_space<vmem_shared>>
      tpu.enqueue_indirect_dma source(%arg13 : memref<128x128xf32, #tpu.memory_space<vmem>>) target(%dma_start3A_493 : memref<10240x128xf32, #tpu.memory_space<vmem_shared>>) offsets(%dma_start3A_490 : memref<128xi32, #tpu.memory_space<vmem>>) semaphore(%arg20 : memref<!tpu.dma_semaphore, #tpu.memory_space<semaphore_mem>>) {add = true}
      %dma_wait3A_494 = arith.constant 4 : i32
      %dma_wait3A_495 = arith.constant 0 : i32
      %dma_wait3A_496 = tpu.memref_slice %arg11[%dma_wait3A_494, %dma_wait3A_495] : memref<8x128xi32, #tpu.memory_space<vmem>> -> memref<1x128xi32, #tpu.memory_space<vmem>>
      %dma_wait3A_497 = tpu.memref_squeeze %dma_wait3A_496 : memref<1x128xi32, #tpu.memory_space<vmem>> -> memref<128xi32, #tpu.memory_space<vmem>>
      %dma_wait3A_498 = arith.constant 0 : i32
      %dma_wait3A_499 = arith.constant 0 : i32
      %dma_wait3A_500 = tpu.memref_slice %arg14[%dma_wait3A_498, %dma_wait3A_499] : memref<10240x128xf32, #tpu.memory_space<vmem_shared>> -> memref<10240x128xf32, #tpu.memory_space<vmem_shared>>
      tpu.wait_indirect_dma semaphore(%arg19 : memref<!tpu.dma_semaphore, #tpu.memory_space<semaphore_mem>>) src(%arg12 : memref<128x128xf32, #tpu.memory_space<vmem>>) dst(%dma_wait3A_500 : memref<10240x128xf32, #tpu.memory_space<vmem_shared>>)
      %dma_start3A_501 = arith.constant 6 : i32
      %dma_start3A_502 = arith.constant 0 : i32
      %dma_start3A_503 = tpu.memref_slice %arg10[%dma_start3A_501, %dma_start3A_502] : memref<8x128xi32, #tpu.memory_space<vmem>> -> memref<1x128xi32, #tpu.memory_space<vmem>>
      %dma_start3A_504 = tpu.memref_squeeze %dma_start3A_503 : memref<1x128xi32, #tpu.memory_space<vmem>> -> memref<128xi32, #tpu.memory_space<vmem>>
      %dma_start3A_505 = arith.constant 0 : i32
      %dma_start3A_506 = arith.constant 0 : i32
      %dma_start3A_507 = tpu.memref_slice %arg6[%dma_start3A_505, %dma_start3A_506] : memref<10240x128xf32, #tpu.memory_space<hbm>> -> memref<10240x128xf32, #tpu.memory_space<hbm>>
      tpu.enqueue_indirect_dma source(%dma_start3A_507 : memref<10240x128xf32, #tpu.memory_space<hbm>>) target(%arg12 : memref<128x128xf32, #tpu.memory_space<vmem>>) offsets(%dma_start3A_504 : memref<128xi32, #tpu.memory_space<vmem>>) semaphore(%arg17 : memref<!tpu.dma_semaphore, #tpu.memory_space<semaphore_mem>>)
      %dma_wait3A_508 = arith.constant 6 : i32
      %dma_wait3A_509 = arith.constant 0 : i32
      %dma_wait3A_510 = tpu.memref_slice %arg10[%dma_wait3A_508, %dma_wait3A_509] : memref<8x128xi32, #tpu.memory_space<vmem>> -> memref<1x128xi32, #tpu.memory_space<vmem>>
      %dma_wait3A_511 = tpu.memref_squeeze %dma_wait3A_510 : memref<1x128xi32, #tpu.memory_space<vmem>> -> memref<128xi32, #tpu.memory_space<vmem>>
      %dma_wait3A_512 = arith.constant 0 : i32
      %dma_wait3A_513 = arith.constant 0 : i32
      %dma_wait3A_514 = tpu.memref_slice %arg6[%dma_wait3A_512, %dma_wait3A_513] : memref<10240x128xf32, #tpu.memory_space<hbm>> -> memref<10240x128xf32, #tpu.memory_space<hbm>>
      tpu.wait_indirect_dma semaphore(%arg17 : memref<!tpu.dma_semaphore, #tpu.memory_space<semaphore_mem>>) src(%dma_wait3A_514 : memref<10240x128xf32, #tpu.memory_space<hbm>>) dst(%arg12 : memref<128x128xf32, #tpu.memory_space<vmem>>)
      %dma_start3A_515 = arith.constant 6 : i32
      %dma_start3A_516 = arith.constant 0 : i32
      %dma_start3A_517 = tpu.memref_slice %arg11[%dma_start3A_515, %dma_start3A_516] : memref<8x128xi32, #tpu.memory_space<vmem>> -> memref<1x128xi32, #tpu.memory_space<vmem>>
      %dma_start3A_518 = tpu.memref_squeeze %dma_start3A_517 : memref<1x128xi32, #tpu.memory_space<vmem>> -> memref<128xi32, #tpu.memory_space<vmem>>
      %dma_start3A_519 = arith.constant 0 : i32
      %dma_start3A_520 = arith.constant 0 : i32
      %dma_start3A_521 = tpu.memref_slice %arg14[%dma_start3A_519, %dma_start3A_520] : memref<10240x128xf32, #tpu.memory_space<vmem_shared>> -> memref<10240x128xf32, #tpu.memory_space<vmem_shared>>
      tpu.enqueue_indirect_dma source(%arg12 : memref<128x128xf32, #tpu.memory_space<vmem>>) target(%dma_start3A_521 : memref<10240x128xf32, #tpu.memory_space<vmem_shared>>) offsets(%dma_start3A_518 : memref<128xi32, #tpu.memory_space<vmem>>) semaphore(%arg19 : memref<!tpu.dma_semaphore, #tpu.memory_space<semaphore_mem>>) {add = true}
      %dma_wait3A_522 = arith.constant 5 : i32
      %dma_wait3A_523 = arith.constant 0 : i32
      %dma_wait3A_524 = tpu.memref_slice %arg11[%dma_wait3A_522, %dma_wait3A_523] : memref<8x128xi32, #tpu.memory_space<vmem>> -> memref<1x128xi32, #tpu.memory_space<vmem>>
      %dma_wait3A_525 = tpu.memref_squeeze %dma_wait3A_524 : memref<1x128xi32, #tpu.memory_space<vmem>> -> memref<128xi32, #tpu.memory_space<vmem>>
      %dma_wait3A_526 = arith.constant 0 : i32
      %dma_wait3A_527 = arith.constant 0 : i32
      %dma_wait3A_528 = tpu.memref_slice %arg14[%dma_wait3A_526, %dma_wait3A_527] : memref<10240x128xf32, #tpu.memory_space<vmem_shared>> -> memref<10240x128xf32, #tpu.memory_space<vmem_shared>>
      tpu.wait_indirect_dma semaphore(%arg20 : memref<!tpu.dma_semaphore, #tpu.memory_space<semaphore_mem>>) src(%arg13 : memref<128x128xf32, #tpu.memory_space<vmem>>) dst(%dma_wait3A_528 : memref<10240x128xf32, #tpu.memory_space<vmem_shared>>)
      %dma_start3A_529 = arith.constant 7 : i32
      %dma_start3A_530 = arith.constant 0 : i32
      %dma_start3A_531 = tpu.memref_slice %arg10[%dma_start3A_529, %dma_start3A_530] : memref<8x128xi32, #tpu.memory_space<vmem>> -> memref<1x128xi32, #tpu.memory_space<vmem>>
      %dma_start3A_532 = tpu.memref_squeeze %dma_start3A_531 : memref<1x128xi32, #tpu.memory_space<vmem>> -> memref<128xi32, #tpu.memory_space<vmem>>
      %dma_start3A_533 = arith.constant 0 : i32
      %dma_start3A_534 = arith.constant 0 : i32
      %dma_start3A_535 = tpu.memref_slice %arg6[%dma_start3A_533, %dma_start3A_534] : memref<10240x128xf32, #tpu.memory_space<hbm>> -> memref<10240x128xf32, #tpu.memory_space<hbm>>
      tpu.enqueue_indirect_dma source(%dma_start3A_535 : memref<10240x128xf32, #tpu.memory_space<hbm>>) target(%arg13 : memref<128x128xf32, #tpu.memory_space<vmem>>) offsets(%dma_start3A_532 : memref<128xi32, #tpu.memory_space<vmem>>) semaphore(%arg18 : memref<!tpu.dma_semaphore, #tpu.memory_space<semaphore_mem>>)
      %dma_wait3A_536 = arith.constant 7 : i32
      %dma_wait3A_537 = arith.constant 0 : i32
      %dma_wait3A_538 = tpu.memref_slice %arg10[%dma_wait3A_536, %dma_wait3A_537] : memref<8x128xi32, #tpu.memory_space<vmem>> -> memref<1x128xi32, #tpu.memory_space<vmem>>
      %dma_wait3A_539 = tpu.memref_squeeze %dma_wait3A_538 : memref<1x128xi32, #tpu.memory_space<vmem>> -> memref<128xi32, #tpu.memory_space<vmem>>
      %dma_wait3A_540 = arith.constant 0 : i32
      %dma_wait3A_541 = arith.constant 0 : i32
      %dma_wait3A_542 = tpu.memref_slice %arg6[%dma_wait3A_540, %dma_wait3A_541] : memref<10240x128xf32, #tpu.memory_space<hbm>> -> memref<10240x128xf32, #tpu.memory_space<hbm>>
      tpu.wait_indirect_dma semaphore(%arg18 : memref<!tpu.dma_semaphore, #tpu.memory_space<semaphore_mem>>) src(%dma_wait3A_542 : memref<10240x128xf32, #tpu.memory_space<hbm>>) dst(%arg13 : memref<128x128xf32, #tpu.memory_space<vmem>>)
      %dma_start3A_543 = arith.constant 7 : i32
      %dma_start3A_544 = arith.constant 0 : i32
      %dma_start3A_545 = tpu.memref_slice %arg11[%dma_start3A_543, %dma_start3A_544] : memref<8x128xi32, #tpu.memory_space<vmem>> -> memref<1x128xi32, #tpu.memory_space<vmem>>
      %dma_start3A_546 = tpu.memref_squeeze %dma_start3A_545 : memref<1x128xi32, #tpu.memory_space<vmem>> -> memref<128xi32, #tpu.memory_space<vmem>>
      %dma_start3A_547 = arith.constant 0 : i32
      %dma_start3A_548 = arith.constant 0 : i32
      %dma_start3A_549 = tpu.memref_slice %arg14[%dma_start3A_547, %dma_start3A_548] : memref<10240x128xf32, #tpu.memory_space<vmem_shared>> -> memref<10240x128xf32, #tpu.memory_space<vmem_shared>>
      tpu.enqueue_indirect_dma source(%arg13 : memref<128x128xf32, #tpu.memory_space<vmem>>) target(%dma_start3A_549 : memref<10240x128xf32, #tpu.memory_space<vmem_shared>>) offsets(%dma_start3A_546 : memref<128xi32, #tpu.memory_space<vmem>>) semaphore(%arg20 : memref<!tpu.dma_semaphore, #tpu.memory_space<semaphore_mem>>) {add = true}
      %dma_wait3A_550 = arith.constant 6 : i32
      %dma_wait3A_551 = arith.constant 0 : i32
      %dma_wait3A_552 = tpu.memref_slice %arg11[%dma_wait3A_550, %dma_wait3A_551] : memref<8x128xi32, #tpu.memory_space<vmem>> -> memref<1x128xi32, #tpu.memory_space<vmem>>
      %dma_wait3A_553 = tpu.memref_squeeze %dma_wait3A_552 : memref<1x128xi32, #tpu.memory_space<vmem>> -> memref<128xi32, #tpu.memory_space<vmem>>
      %dma_wait3A_554 = arith.constant 0 : i32
      %dma_wait3A_555 = arith.constant 0 : i32
      %dma_wait3A_556 = tpu.memref_slice %arg14[%dma_wait3A_554, %dma_wait3A_555] : memref<10240x128xf32, #tpu.memory_space<vmem_shared>> -> memref<10240x128xf32, #tpu.memory_space<vmem_shared>>
      tpu.wait_indirect_dma semaphore(%arg19 : memref<!tpu.dma_semaphore, #tpu.memory_space<semaphore_mem>>) src(%arg12 : memref<128x128xf32, #tpu.memory_space<vmem>>) dst(%dma_wait3A_556 : memref<10240x128xf32, #tpu.memory_space<vmem_shared>>)
      %add3A_557 = arith.constant 2 : i32
      %add3A_558 = arith.addi %mul3A_68, %add3A_557 : i32
      %lt3A_559 = arith.constant 10 : i32
      %lt3A_560 = arith.cmpi slt, %add3A_558, %lt3A_559 : i32
      %convert_element_type3A_561 = arith.extui %lt3A_560 : i1 to i32
      %cond3A_562 = arith.constant 0 : i32
      %cond3A_563 = arith.cmpi ne, %convert_element_type3A_561, %cond3A_562 : i32
      scf.if %cond3A_563 {
        %add3A_564 = arith.constant 2 : i32
        %add3A_565 = arith.addi %mul3A_68, %add3A_564 : i32
        %dma_wait3A_566 = arith.constant 0 : i32
        %dma_wait3A_567 = arith.constant 0 : i32
        %dma_wait3A_568 = arith.constant 0 : i32
        %dma_wait3A_569 = tpu.memref_slice %arg2[%dma_wait3A_566, %dma_wait3A_567, %dma_wait3A_568] : memref<2x2500x128xi32, #tpu.memory_space<hbm>> -> memref<1x8x128xi32, #tpu.memory_space<hbm>>
        %dma_wait3A_570 = tpu.memref_squeeze %dma_wait3A_569 : memref<1x8x128xi32, #tpu.memory_space<hbm>> -> memref<8x128xi32, #tpu.memory_space<hbm>>
        %dma_wait3A_571 = arith.constant 0 : i32
        %dma_wait3A_572 = arith.constant 0 : i32
        %dma_wait3A_573 = tpu.memref_slice %arg2[%dma_wait3A_566, %dma_wait3A_571, %dma_wait3A_572] : memref<2x2500x128xi32, #tpu.memory_space<hbm>> -> memref<1x8x128xi32, #tpu.memory_space<hbm>>
        %dma_wait3A_574 = tpu.memref_squeeze %dma_wait3A_573 : memref<1x8x128xi32, #tpu.memory_space<hbm>> -> memref<8x128xi32, #tpu.memory_space<hbm>>
        tpu.wait_dma2 semaphore(%arg15 : memref<!tpu.dma_semaphore, #tpu.memory_space<semaphore_mem>>) src(%dma_wait3A_574 : memref<8x128xi32, #tpu.memory_space<hbm>>) dst(%arg8 : memref<8x128xi32, #tpu.memory_space<vmem>>)
        %dma_wait3A_575 = arith.constant 1 : i32
        %dma_wait3A_576 = arith.constant 0 : i32
        %dma_wait3A_577 = arith.constant 0 : i32
        %dma_wait3A_578 = tpu.memref_slice %arg2[%dma_wait3A_575, %dma_wait3A_576, %dma_wait3A_577] : memref<2x2500x128xi32, #tpu.memory_space<hbm>> -> memref<1x8x128xi32, #tpu.memory_space<hbm>>
        %dma_wait3A_579 = tpu.memref_squeeze %dma_wait3A_578 : memref<1x8x128xi32, #tpu.memory_space<hbm>> -> memref<8x128xi32, #tpu.memory_space<hbm>>
        %dma_wait3A_580 = arith.constant 0 : i32
        %dma_wait3A_581 = arith.constant 0 : i32
        %dma_wait3A_582 = tpu.memref_slice %arg2[%dma_wait3A_575, %dma_wait3A_580, %dma_wait3A_581] : memref<2x2500x128xi32, #tpu.memory_space<hbm>> -> memref<1x8x128xi32, #tpu.memory_space<hbm>>
        %dma_wait3A_583 = tpu.memref_squeeze %dma_wait3A_582 : memref<1x8x128xi32, #tpu.memory_space<hbm>> -> memref<8x128xi32, #tpu.memory_space<hbm>>
        tpu.wait_dma2 semaphore(%arg15 : memref<!tpu.dma_semaphore, #tpu.memory_space<semaphore_mem>>) src(%dma_wait3A_583 : memref<8x128xi32, #tpu.memory_space<hbm>>) dst(%arg9 : memref<8x128xi32, #tpu.memory_space<vmem>>)
        %dma_start3A_584 = arith.constant 0 : i32
        %dma_start3A_585 = arith.constant 0 : i32
        %dma_start3A_586 = tpu.memref_slice %arg8[%dma_start3A_584, %dma_start3A_585] : memref<8x128xi32, #tpu.memory_space<vmem>> -> memref<1x128xi32, #tpu.memory_space<vmem>>
        %dma_start3A_587 = tpu.memref_squeeze %dma_start3A_586 : memref<1x128xi32, #tpu.memory_space<vmem>> -> memref<128xi32, #tpu.memory_space<vmem>>
        %dma_start3A_588 = arith.constant 0 : i32
        %dma_start3A_589 = arith.constant 0 : i32
        %dma_start3A_590 = tpu.memref_slice %arg6[%dma_start3A_588, %dma_start3A_589] : memref<10240x128xf32, #tpu.memory_space<hbm>> -> memref<10240x128xf32, #tpu.memory_space<hbm>>
        tpu.enqueue_indirect_dma source(%dma_start3A_590 : memref<10240x128xf32, #tpu.memory_space<hbm>>) target(%arg12 : memref<128x128xf32, #tpu.memory_space<vmem>>) offsets(%dma_start3A_587 : memref<128xi32, #tpu.memory_space<vmem>>) semaphore(%arg17 : memref<!tpu.dma_semaphore, #tpu.memory_space<semaphore_mem>>)
      } else {
      }
    }
    %scan3A_57 = arith.constant 5 : i32
    %dma_wait3A_58 = arith.constant 7 : i32
    %dma_wait3A_59 = arith.constant 0 : i32
    %dma_wait3A_60 = tpu.memref_slice %arg11[%dma_wait3A_58, %dma_wait3A_59] : memref<8x128xi32, #tpu.memory_space<vmem>> -> memref<1x128xi32, #tpu.memory_space<vmem>>
    %dma_wait3A_61 = tpu.memref_squeeze %dma_wait3A_60 : memref<1x128xi32, #tpu.memory_space<vmem>> -> memref<128xi32, #tpu.memory_space<vmem>>
    %dma_wait3A_62 = arith.constant 0 : i32
    %dma_wait3A_63 = arith.constant 0 : i32
    %dma_wait3A_64 = tpu.memref_slice %arg14[%dma_wait3A_62, %dma_wait3A_63] : memref<10240x128xf32, #tpu.memory_space<vmem_shared>> -> memref<10240x128xf32, #tpu.memory_space<vmem_shared>>
    tpu.wait_indirect_dma semaphore(%arg20 : memref<!tpu.dma_semaphore, #tpu.memory_space<semaphore_mem>>) src(%arg13 : memref<128x128xf32, #tpu.memory_space<vmem>>) dst(%dma_wait3A_64 : memref<10240x128xf32, #tpu.memory_space<vmem_shared>>)
    %barrier3A_65 = arith.constant 0 : index
    tpu.barrier barrier_id(%barrier3A_65)
    "tpu.region"() ({
      %run_scoped3A = tpu.sem_alloc : memref<!tpu.dma_semaphore, #tpu.memory_space<semaphore_mem>>
      %dma_start3A_66 = arith.constant 0 : i32
      %dma_start3A_67 = tpu.memref_slice %arg7[%arg0, %mul3A_2, %dma_start3A_66] : memref<2x10240x128xf32, #tpu.memory_space<hbm>> -> memref<1x640x128xf32, #tpu.memory_space<hbm>>
      %dma_start3A_68 = tpu.memref_squeeze %dma_start3A_67 : memref<1x640x128xf32, #tpu.memory_space<hbm>> -> memref<640x128xf32, #tpu.memory_space<hbm>>
      %dma_start3A_69 = arith.constant 0 : i32
      %dma_start3A_70 = tpu.memref_slice %arg14[%mul3A_2, %dma_start3A_69] : memref<10240x128xf32, #tpu.memory_space<vmem_shared>> -> memref<640x128xf32, #tpu.memory_space<vmem_shared>>
      tpu.enqueue_dma source(%dma_start3A_70 : memref<640x128xf32, #tpu.memory_space<vmem_shared>>) target(%dma_start3A_68 : memref<640x128xf32, #tpu.memory_space<hbm>>) target_semaphore(%run_scoped3A : memref<!tpu.dma_semaphore, #tpu.memory_space<semaphore_mem>>)
      %dma_wait3A_71 = arith.constant 0 : i32
      %dma_wait3A_72 = tpu.memref_slice %arg7[%arg0, %mul3A_2, %dma_wait3A_71] : memref<2x10240x128xf32, #tpu.memory_space<hbm>> -> memref<1x640x128xf32, #tpu.memory_space<hbm>>
      %dma_wait3A_73 = tpu.memref_squeeze %dma_wait3A_72 : memref<1x640x128xf32, #tpu.memory_space<hbm>> -> memref<640x128xf32, #tpu.memory_space<hbm>>
      %dma_wait3A_74 = arith.constant 0 : i32
      %dma_wait3A_75 = tpu.memref_slice %arg14[%mul3A_2, %dma_wait3A_74] : memref<10240x128xf32, #tpu.memory_space<vmem_shared>> -> memref<640x128xf32, #tpu.memory_space<vmem_shared>>
      tpu.wait_dma2 semaphore(%run_scoped3A : memref<!tpu.dma_semaphore, #tpu.memory_space<semaphore_mem>>) src(%dma_wait3A_75 : memref<640x128xf32, #tpu.memory_space<vmem_shared>>) dst(%dma_wait3A_73 : memref<640x128xf32, #tpu.memory_space<hbm>>)
      tpu.yield
    }) : () -> ()
    return
  }
}

module attributes {stable_mosaic.version = 14 : i64} {
  func.func @_mm_body(%arg0: i32, %arg1: memref<5120x128xf32, #tpu.memory_space<vmem>>, %arg2: memref<128x128xf32, #tpu.memory_space<vmem>>, %arg3: memref<2x10240xf32, #tpu.memory_space<vmem>>, %arg4: memref<5120x128xf32, #tpu.memory_space<vmem>>) attributes {dimension_semantics = [#tpu.dimension_semantics<arbitrary>], iteration_bounds = array<i64: 2>, scalar_prefetch = 0 : i64, scratch_operands = 0 : i64, tpu.core_type = #tpu.core_type<tc>, window_params = [{transform_indices = @transform_0, window_bounds = array<i64: 5120, 128>}, {pipeline_mode = #tpu.pipeline_mode<synchronous>, transform_indices = @transform_1, window_bounds = array<i64: 128, 128>}, {pipeline_mode = #tpu.pipeline_mode<synchronous>, transform_indices = @transform_2, window_bounds = array<i64: 2, 10240>}, {transform_indices = @transform_3, window_bounds = array<i64: 5120, 128>}]} {
    %get3A = arith.constant 0 : index
    %get3A_0 = arith.constant 0 : index
    %get3A_1 = vector.load %arg1[%get3A, %get3A_0] : memref<5120x128xf32, #tpu.memory_space<vmem>>, vector<5120x128xf32>
    %get3A_2 = arith.constant 0 : index
    %get3A_3 = arith.constant 0 : index
    %get3A_4 = vector.load %arg2[%get3A_2, %get3A_3] : memref<128x128xf32, #tpu.memory_space<vmem>>, vector<128x128xf32>
    %dot_general3A = arith.constant dense<0.000000e+00> : vector<5120x128xf32>
    %dot_general3A_5 = tpu.matmul %get3A_1, %get3A_4, %dot_general3A {dimension_numbers = #tpu.dot_dimension_numbers<[1], [0], [0], [1], [0, 0, 1, 1], [], []>, transpose_lhs_hint = false} : vector<5120x128xf32>, vector<128x128xf32>, vector<5120x128xf32> -> vector<5120x128xf32>
    %mul3A = arith.constant 5120 : i32
    %mul3A_6 = arith.muli %arg0, %mul3A : i32
    %get3A_7 = arith.constant 0 : index
    %get3A_8 = arith.index_cast %mul3A_6 : i32 to index
    %get3A_9 = vector.load %arg3[%get3A_7, %get3A_8] : memref<2x10240xf32, #tpu.memory_space<vmem>>, vector<1x5120xf32>
    %get3A_10 = vector.shape_cast %get3A_9 : vector<1x5120xf32> to vector<5120xf32>
    %mul3A_11 = arith.constant 5120 : i32
    %mul3A_12 = arith.muli %arg0, %mul3A_11 : i32
    %get3A_13 = arith.constant 1 : index
    %get3A_14 = arith.index_cast %mul3A_12 : i32 to index
    %get3A_15 = vector.load %arg3[%get3A_13, %get3A_14] : memref<2x10240xf32, #tpu.memory_space<vmem>>, vector<1x5120xf32>
    %get3A_16 = vector.shape_cast %get3A_15 : vector<1x5120xf32> to vector<5120xf32>
    %add3A = arith.addf %get3A_10, %get3A_16 : vector<5120xf32>
    %add3A_17 = arith.constant 1.000000e+00 : f32
    %add3A_18 = vector.broadcast %add3A_17 : f32 to vector<5120xf32>
    %add3A_19 = arith.addf %add3A, %add3A_18 : vector<5120xf32>
    %rsqrt3A = math.rsqrt %add3A_19 : vector<5120xf32>
    %broadcast_in_dim3A = vector.shape_cast %rsqrt3A : vector<5120xf32> to vector<5120x1xf32>
    %mul3A_20 = vector.broadcast %broadcast_in_dim3A : vector<5120x1xf32> to vector<5120x128xf32>
    %mul3A_21 = arith.mulf %dot_general3A_5, %mul3A_20 : vector<5120x128xf32>
    %swap3A = arith.constant 0 : index
    %swap3A_22 = arith.constant 0 : index
    %swap3A_23 = vector.load %arg4[%swap3A, %swap3A_22] : memref<5120x128xf32, #tpu.memory_space<vmem>>, vector<5120x128xf32>
    tpu.vector_store %arg4[%swap3A, %swap3A_22], %mul3A_21 {strides = array<i32>} : memref<5120x128xf32, #tpu.memory_space<vmem>>, vector<5120x128xf32>,
    return
  }
  func.func @transform_0(%arg0: i32) -> (i32, i32) {
    %c0_i32 = arith.constant 0 : i32
    %c0_i32_0 = arith.constant 0 : i32
    return %arg0, %c0_i32 : i32, i32
  }
  func.func @transform_1(%arg0: i32) -> (i32, i32) {
    %c0_i32 = arith.constant 0 : i32
    %c0_i32_0 = arith.constant 0 : i32
    %c0_i32_1 = arith.constant 0 : i32
    return %c0_i32, %c0_i32_0 : i32, i32
  }
  func.func @transform_2(%arg0: i32) -> (i32, i32) {
    %c0_i32 = arith.constant 0 : i32
    %c0_i32_0 = arith.constant 0 : i32
    %c0_i32_1 = arith.constant 0 : i32
    return %c0_i32, %c0_i32_0 : i32, i32
  }
  func.func @transform_3(%arg0: i32) -> (i32, i32) {
    %c0_i32 = arith.constant 0 : i32
    %c0_i32_0 = arith.constant 0 : i32
    return %arg0, %c0_i32 : i32, i32
  }
}

module attributes {stable_mosaic.version = 14 : i64} {
  func.func @_final_body(%arg0: i32, %arg1: memref<2x5120x128xf32, #tpu.memory_space<vmem>>, %arg2: memref<2x10240xf32, #tpu.memory_space<vmem>>, %arg3: memref<1x128xf32, #tpu.memory_space<vmem>>, %arg4: memref<1x128xf32, #tpu.memory_space<vmem>>, %arg5: memref<5120x128xf32, #tpu.memory_space<vmem>>) attributes {dimension_semantics = [#tpu.dimension_semantics<arbitrary>], iteration_bounds = array<i64: 2>, scalar_prefetch = 0 : i64, scratch_operands = 0 : i64, tpu.core_type = #tpu.core_type<tc>, window_params = [{transform_indices = @transform_0, window_bounds = array<i64: 2, 5120, 128>}, {pipeline_mode = #tpu.pipeline_mode<synchronous>, transform_indices = @transform_1, window_bounds = array<i64: 2, 10240>}, {pipeline_mode = #tpu.pipeline_mode<synchronous>, transform_indices = @transform_2, window_bounds = array<i64: 1, 128>}, {pipeline_mode = #tpu.pipeline_mode<synchronous>, transform_indices = @transform_3, window_bounds = array<i64: 1, 128>}, {transform_indices = @transform_4, window_bounds = array<i64: 5120, 128>}]} {
    %mul3A = arith.constant 5120 : i32
    %mul3A_0 = arith.muli %arg0, %mul3A : i32
    %get3A = arith.constant 0 : index
    %get3A_1 = arith.index_cast %mul3A_0 : i32 to index
    %get3A_2 = vector.load %arg2[%get3A, %get3A_1] : memref<2x10240xf32, #tpu.memory_space<vmem>>, vector<1x5120xf32>
    %get3A_3 = vector.shape_cast %get3A_2 : vector<1x5120xf32> to vector<5120xf32>
    %mul3A_4 = arith.constant 5120 : i32
    %mul3A_5 = arith.muli %arg0, %mul3A_4 : i32
    %get3A_6 = arith.constant 1 : index
    %get3A_7 = arith.index_cast %mul3A_5 : i32 to index
    %get3A_8 = vector.load %arg2[%get3A_6, %get3A_7] : memref<2x10240xf32, #tpu.memory_space<vmem>>, vector<1x5120xf32>
    %get3A_9 = vector.shape_cast %get3A_8 : vector<1x5120xf32> to vector<5120xf32>
    %add3A = arith.addf %get3A_3, %get3A_9 : vector<5120xf32>
    %add3A_10 = arith.constant 1.000000e+00 : f32
    %add3A_11 = vector.broadcast %add3A_10 : f32 to vector<5120xf32>
    %add3A_12 = arith.addf %add3A, %add3A_11 : vector<5120xf32>
    %rsqrt3A = math.rsqrt %add3A_12 : vector<5120xf32>
    %get3A_13 = arith.constant 0 : index
    %get3A_14 = arith.constant 0 : index
    %get3A_15 = arith.constant 0 : index
    %get3A_16 = vector.load %arg1[%get3A_13, %get3A_14, %get3A_15] : memref<2x5120x128xf32, #tpu.memory_space<vmem>>, vector<1x5120x128xf32>
    %get3A_17 = vector.shape_cast %get3A_16 : vector<1x5120x128xf32> to vector<5120x128xf32>
    %get3A_18 = arith.constant 1 : index
    %get3A_19 = arith.constant 0 : index
    %get3A_20 = arith.constant 0 : index
    %get3A_21 = vector.load %arg1[%get3A_18, %get3A_19, %get3A_20] : memref<2x5120x128xf32, #tpu.memory_space<vmem>>, vector<1x5120x128xf32>
    %get3A_22 = vector.shape_cast %get3A_21 : vector<1x5120x128xf32> to vector<5120x128xf32>
    %add3A_23 = arith.addf %get3A_17, %get3A_22 : vector<5120x128xf32>
    %broadcast_in_dim3A = vector.shape_cast %rsqrt3A : vector<5120xf32> to vector<5120x1xf32>
    %mul3A_24 = vector.broadcast %broadcast_in_dim3A : vector<5120x1xf32> to vector<5120x128xf32>
    %mul3A_25 = arith.mulf %add3A_23, %mul3A_24 : vector<5120x128xf32>
    %get3A_26 = arith.constant 0 : index
    %get3A_27 = arith.constant 0 : index
    %get3A_28 = vector.load %arg3[%get3A_26, %get3A_27] : memref<1x128xf32, #tpu.memory_space<vmem>>, vector<1x128xf32>
    %get3A_29 = vector.shape_cast %get3A_28 : vector<1x128xf32> to vector<128xf32>
    %broadcast_in_dim3A_30 = vector.shape_cast %get3A_29 : vector<128xf32> to vector<1x128xf32>
    %add3A_31 = vector.broadcast %broadcast_in_dim3A_30 : vector<1x128xf32> to vector<5120x128xf32>
    %add3A_32 = arith.addf %mul3A_25, %add3A_31 : vector<5120x128xf32>
    %ge3A = arith.constant 0.000000e+00 : f32
    %ge3A_33 = vector.broadcast %ge3A : f32 to vector<5120x128xf32>
    %ge3A_34 = arith.cmpf oge, %add3A_32, %ge3A_33 : vector<5120x128xf32>
    %get3A_35 = arith.constant 0 : index
    %get3A_36 = arith.constant 0 : index
    %get3A_37 = vector.load %arg4[%get3A_35, %get3A_36] : memref<1x128xf32, #tpu.memory_space<vmem>>, vector<1x128xf32>
    %get3A_38 = vector.shape_cast %get3A_37 : vector<1x128xf32> to vector<128xf32>
    %broadcast_in_dim3A_39 = vector.shape_cast %get3A_38 : vector<128xf32> to vector<1x128xf32>
    %mul3A_40 = vector.broadcast %broadcast_in_dim3A_39 : vector<1x128xf32> to vector<5120x128xf32>
    %mul3A_41 = arith.mulf %mul3A_40, %add3A_32 : vector<5120x128xf32>
    %select_n3A = arith.select %ge3A_34, %add3A_32, %mul3A_41 : vector<5120x128xi1>, vector<5120x128xf32>
    %swap3A = arith.constant 0 : index
    %swap3A_42 = arith.constant 0 : index
    %swap3A_43 = vector.load %arg5[%swap3A, %swap3A_42] : memref<5120x128xf32, #tpu.memory_space<vmem>>, vector<5120x128xf32>
    tpu.vector_store %arg5[%swap3A, %swap3A_42], %select_n3A {strides = array<i32>} : memref<5120x128xf32, #tpu.memory_space<vmem>>, vector<5120x128xf32>,
    return
  }
  func.func @transform_0(%arg0: i32) -> (i32, i32, i32) {
    %c0_i32 = arith.constant 0 : i32
    %c0_i32_0 = arith.constant 0 : i32
    %c0_i32_1 = arith.constant 0 : i32
    return %c0_i32, %arg0, %c0_i32_0 : i32, i32, i32
  }
  func.func @transform_1(%arg0: i32) -> (i32, i32) {
    %c0_i32 = arith.constant 0 : i32
    %c0_i32_0 = arith.constant 0 : i32
    %c0_i32_1 = arith.constant 0 : i32
    return %c0_i32, %c0_i32_0 : i32, i32
  }
  func.func @transform_2(%arg0: i32) -> (i32, i32) {
    %c0_i32 = arith.constant 0 : i32
    %c0_i32_0 = arith.constant 0 : i32
    %c0_i32_1 = arith.constant 0 : i32
    return %c0_i32, %c0_i32_0 : i32, i32
  }
  func.func @transform_3(%arg0: i32) -> (i32, i32) {
    %c0_i32 = arith.constant 0 : i32
    %c0_i32_0 = arith.constant 0 : i32
    %c0_i32_1 = arith.constant 0 : i32
    return %c0_i32, %c0_i32_0 : i32, i32
  }
  func.func @transform_4(%arg0: i32) -> (i32, i32) {
    %c0_i32 = arith.constant 0 : i32
    %c0_i32_0 = arith.constant 0 : i32
    return %arg0, %c0_i32 : i32, i32
  }
}

</mosaic_0001>

<sc_bundles>
// kernel: kernel.6.cloned.1.call-start
scs
__scs_entry_jumppad:
0x0: {  	(pc) =	sbr.rel $0x88, $3  }
0x1: {  	(tag) =	ssettag $0x0;
	lr =	simm.s32 $0x1  }
0x2: {  	[smem:$0x3F9C] =	sst lr;
	_ =	strace $0xD0000000  }
0x3: {  	_ = 	snop  }
0x4: {  	_ = 	snop  }
0x5: {  	_ = 	snop  }
0x6: {  	_ = 	snop  }
0x7: {  	_ = 	snop  }
__scs_overlays_trampoline_lowered:
0x8: {  	[smem:$0x3FAB] =	sst s0  }
0x9: {  	[smem:$0x3FAC] =	sst s1  }
0xa: {  	[smem:$0x3FAD] =	sst s2  }
0xb: {  	[smem:$0x3FAE] =	sst s3  }
0xc: {  	[smem:$0x3FAF] =	sst s4  }
0xd: {  	[smem:$0x3FB0] =	sst s5  }
0xe: {  	[smem:$0x3FB1] =	sst s6  }
0xf: {  	[smem:$0x3FB2] =	sst s7  }
0x10: {  	[smem:$0x3FB3] =	sst s8  }
0x11: {  	[smem:$0x3FB4] =	sst s9;
	s0 =	simm.s32 @!p0 $0x0  }
0x12: {  	s1 =	sld [smem:$0x3F9A];
	s0 =	simm.s32 @p0 $0x1  }
0x13: {  	[smem:$0x3FB5] =	sst s0;
	s0 =	simm.s32 @!p1 $0x0  }
0x14: {  	s2 =	sld [smem:$0x3F99];
	s0 =	simm.s32 @p1 $0x1  }
0x15: {  	[smem:$0x3FB6] =	sst s0;
	s0 =	simm.s32 @!p2 $0x0  }
0x16: {  	s3 =	sld [smem:$0x3FDB];
	s0 =	simm.s32 @p2 $0x1  }
0x17: {  	s4 =	simm.s32 $0x1BF5;
	[smem:$0x3FB8] =	sst s0  }
0x18: {  	s0 =	sld [smem:$0x3F9B];
	_ =	swait.ge [sflag:s4], $0x0  }
0x19: {  	s7 =	sld [smem:$0x3F9C]  }
0x1a: {  	s8 =	sadd.s32 $0xFFFFE003, lr  }
0x1b: {  	s9 =	sadd.s32 $0xFFFFFEF7, lr;
	s5 =	simm.s32 $0xFFFFFFFF;
	p2 =	slt.u32 s8, $0xFFFFF086  }
0x1c: {  	p1 =	slt.u32 s9, $0xF7A;
	s5 =	simm.s32 @!p2 $0x0  }
0x1d: {  	s5 =	simm.s32 @p1 $0x1;
	p0 =	seq.s32 s7, s2  }
0x1e: {  	s7 =	smul.u32 @!p0 $0xF7A, s2;
	p2 =	seq.s32 @!p0 s5, $0x0  }
0x1f: {  	s9 =	smul.u32 $0xF7A, s1;
	s8 =	simm.s32 @!p0 $0x1BF5;
	p2 =	por !p2, p0  }
0x20: {  	[sflag:s8] =	ssyncset.s32 @!p0 $0xFFFFF086;
	s6 =	sadd.s32 @!p0 s3, s7;
	s7 =	simm.s32 @!p0 $0x108  }
0x21: {  	s3 =	sadd.s32 s3, s9;
	s6 =	sadd.s32 @!p0 $0x88, s6;
	s7 =	simm.s32 @p2 $0x1082  }
0x22: {  	[simem:s7], [sflag:s8] =	dma.local @!p0 [hbm:s6], $0xF7A  }
0x23: {  	s9 =	sor.u32 $0xD0000000, s2;
	s6 =	simm.s32 $0x108;
	_ =	swait.ge @!p0 [sflag:s8], $0x0  }
0x24: {  	s3 =	sadd.s32 $0x88, s3;
	s6 =	simm.s32 @!p1 $0x1082;
	[sflag:s4] =	ssyncset.s32 $0xFFFFF086  }
0x25: {  	[simem:s6], [sflag:s4] =	dma.local [hbm:s3], $0xF7A  }
0x26: {  	[smem:$0x3F9C] =	sst s1;
	(tag) =	ssettag s2;
	_ =	strace s9  }
0x27: {  	s1 =	sld [smem:$0x3FAC]  }
0x28: {  	s2 =	sld [smem:$0x3FAD]  }
0x29: {  	s4 =	sld [smem:$0x3FAF]  }
0x2a: {  	p0 =	seq.s32 s5, $0x0;
	s5 =	sld [smem:$0x3FB0]  }
0x2b: {  	s6 =	sld [smem:$0x3FB1]  }
0x2c: {  	s7 =	sld [smem:$0x3FB2]  }
0x2d: {  	s3 =	simm.s32 $0x108;
	s8 =	sld [smem:$0x3FB3]  }
0x2e: {  	s3 =	simm.s32 @!p0 $0x1082;
	s9 =	sld [smem:$0x3FB4]  }
0x2f: {  	lr =	sadd.s32 s0, s3;
	s0 =	sld [smem:$0x3FAB]  }
0x30: {  	s3 =	sld [smem:$0x3FAE]  }
0x31: {  	[smem:$0x3FB7] =	sst s10  }
0x32: {  	s10 =	sld [smem:$0x3FB5];
	_ =	sdelay $0x3  }
0x33: {  	p0 =	seq.s32 s10, $0x1;
	s10 =	sld [smem:$0x3FB7];
	_ =	sdelay $0x3  }
0x34: {  	[smem:$0x3FB7] =	sst s10  }
0x35: {  	s10 =	sld [smem:$0x3FB6];
	_ =	sdelay $0x3  }
0x36: {  	p1 =	seq.s32 s10, $0x1;
	s10 =	sld [smem:$0x3FB7];
	_ =	sdelay $0x3  }
0x37: {  	[smem:$0x3FB7] =	sst s10  }
0x38: {  	s10 =	sld [smem:$0x3FB8]  }
0x39: {  	_ = 	snop;
	(pc) =	sbr.ind lr, $3  }
0x3a: {  	_ = 	snop  }
0x3b: {  	_ = 	snop  }
0x3c: {  	p2 =	seq.s32 s10, $0x1;
	s10 =	sld [smem:$0x3FB7]  }
0x3d: {  	_ =	shalt  }
0x3e: {  	_ =	shalt  }
0x3f: {  	_ =	shalt  }
0x40: {  	_ =	shalt  }
0x41: {  	_ =	shalt  }
0x42: {  	_ =	shalt  }
0x43: {  	_ =	shalt  }
0x44: {  	_ =	shalt  }
0x45: {  	_ =	shalt  }
0x46: {  	_ =	shalt  }
0x47: {  	_ =	shalt  }
0x48: {  	_ =	shalt  }
0x49: {  	_ =	shalt  }
0x4a: {  	_ =	shalt  }
0x4b: {  	_ =	shalt  }
0x4c: {  	_ =	shalt  }
0x4d: {  	_ =	shalt  }
0x4e: {  	_ =	shalt  }
0x4f: {  	_ =	shalt  }
0x50: {  	_ =	shalt  }
0x51: {  	_ =	shalt  }
0x52: {  	_ =	shalt  }
0x53: {  	_ =	shalt  }
0x54: {  	_ =	shalt  }
0x55: {  	_ =	shalt  }
0x56: {  	_ =	shalt  }
0x57: {  	_ =	shalt  }
0x58: {  	_ =	shalt  }
0x59: {  	_ =	shalt  }
0x5a: {  	_ =	shalt  }
0x5b: {  	_ =	shalt  }
0x5c: {  	_ =	shalt  }
0x5d: {  	_ =	shalt  }
0x5e: {  	_ =	shalt  }
0x5f: {  	_ =	shalt  }
0x60: {  	_ =	shalt  }
0x61: {  	_ =	shalt  }
0x62: {  	_ =	shalt  }
0x63: {  	_ =	shalt  }
0x64: {  	_ =	shalt  }
0x65: {  	_ =	shalt  }
0x66: {  	_ =	shalt  }
0x67: {  	_ =	shalt  }
0x68: {  	_ =	shalt  }
0x69: {  	_ =	shalt  }
0x6a: {  	_ =	shalt  }
0x6b: {  	_ =	shalt  }
0x6c: {  	_ =	shalt  }
0x6d: {  	_ =	shalt  }
0x6e: {  	_ =	shalt  }
0x6f: {  	_ =	shalt  }
0x70: {  	_ =	shalt  }
0x71: {  	_ =	shalt  }
0x72: {  	_ =	shalt  }
0x73: {  	_ =	shalt  }
0x74: {  	_ =	shalt  }
0x75: {  	_ =	shalt  }
0x76: {  	_ =	shalt  }
0x77: {  	_ =	shalt  }
0x78: {  	_ =	shalt  }
0x79: {  	_ =	shalt  }
0x7a: {  	_ =	shalt  }
0x7b: {  	_ =	shalt  }
0x7c: {  	_ =	shalt  }
0x7d: {  	_ =	shalt  }
0x7e: {  	_ =	shalt  }
0x7f: {  	_ =	shalt  }
0x80: {  	_ =	shalt  }
0x81: {  	_ =	shalt  }
0x82: {  	_ =	shalt  }
0x83: {  	_ =	shalt  }
0x84: {  	_ =	shalt  }
0x85: {  	_ =	shalt  }
0x86: {  	_ =	shalt  }
0x87: {  	_ =	shalt  }
.Lfunc_end0:
.L_simem_size_0:
called_computation_lowered:
.L_overlay_start_0:
0x88: {  	s2 =	sld [smem:$0x3FD9]  }
0x89: {  	s3 =	sld [smem:$0x3FFE];
	_ =	sdelay $0x1  }
0x8a: {  	s1 =	srdreg.scid  }
0x8b: {  	s0 =	sand.u32 $0x1, s1  }
0x8c: {  	s17 =	sshll.u32 s0, $0xA;
	s2 =	sadd.s32 s3, s2  }
0x8d: {  	s2 =	sadd.s32 s2, s17  }
0x8e: {  	[smem:$0x3FC3] =	sst s2  }
0x8f: {  	_ = 	snop  }
0x90: {  	s2 =	sld [smem:$0x3FC8];
	(tm) =	ssettm $0x1  }
0x91: {  	s18 =	sld [smem:$0x3FFB];
	_ =	sdelay $0x3  }
0x92: {  	_ =	strace s18  }
0x93: {  	s3 =	sld [smem:$0x3FFC];
	_ =	sdelay $0x3  }
0x94: {  	_ =	strace s3  }
0x95: {  	s3 =	sld [smem:$0x3FFD];
	_ =	sdelay $0x3  }
0x96: {  	_ =	strace s3  }
0x97: {  	_ =	strace $0x8FFFFFFF  }
0x98: {  	s19 =	sld [smem:$0x3FDB];
	_ =	sdelay $0x1  }
0x99: {  	s4 =	simm.s32 $_scs_section_size  }
0x9a: {  	s5 =	simm.s32 $_size__tile_overlayer_lowered;
	s6 =	simm.s32 $_tile_overlayer_lowered  }
0x9b: {  	s22 =	simm.s32 $0x1BFF;
	s21 =	sshll.u32 s6, $0x1;
	s3 =	sadd.s32 s4, s19  }
0x9c: {  	s7 =	simm.s32 $0x0;
	s20 =	sshll.u32 s5, $0x1;
	s5 =	sadd.s32 s21, s3  }
0x9d: {  	[timem:s7], [sflag:s22] =	dma.local [hbm:s5], s20  }
0x9e: {  	_ =	swait.ge [sflag:s22], s20  }
0x9f: {  	s4 =	ssub.s32 $0x0, s20;
	[sflag:s22] =	ssyncset.done $0x0  }
0xa0: {  	[sflag:s22] =	ssyncadd.s32 s4;
	_ =	sdelay $0x1  }
0xa1: {  	s23 =	simm.s32 $0x1B8B  }
0xa2: {  	_ =	swait.ge [sflag:s23], $0x1  }
0xa3: {  	[sflag:s23] =	ssyncset.done $0x0  }
0xa4: {  	s25 =	simm.s32 $0x1B8E;
	s24 =	sld [smem:$0x3FFE];
	[sflag:s23] =	ssyncadd.s32 $0xFFFFFFFF  }
0xa5: {  	s26 =	simm.s32 $execute0_lowered;
	[smem:$0x3FD2] =	sst s25  }
0xa6: {  	s5 =	sshll.u32 s26, $0x1;
	_ =	strace $0x80000046;
	[dreg:$0x1] =	wrdreg $0xFFFFFFFF  }
0xa7: {  	s28 =	simm.s32 $_size_execute0_lowered;
	s3 =	sadd.s32 s3, s5;
	[dreg:$0x0] =	wrdreg $0x0  }
0xa8: {  	s5 =	sshll.u32 s28, $0x1;
	[dreg:$0x2] =	wrdreg s3  }
0xa9: {  	[dreg:$0x3] =	wrdreg s5  }
0xaa: {  	[dreg:$0x4] =	wrdreg $0xC0  }
0xab: {  	_ =	task [dreg:s7], $0x5FFFF  }
0xac: {  	[dreg:$0x1] =	wrdreg $0xFFFFFFFF  }
0xad: {  	[dreg:$0x0] =	wrdreg $0x60  }
0xae: {  	[dreg:$0x2] =	wrdreg s2  }
0xaf: {  	[dreg:$0x3] =	wrdreg s24  }
0xb0: {  	[dreg:$0x4] =	wrdreg $0x55000  }
0xb1: {  	[dreg:$0x5] =	wrdreg $0x9  }
0xb2: {  	_ =	task.clear_ibuf [dreg:s7], $0x6FFFF;
	_ =	strace $0x90000046  }
0xb3: {  	s29 =	simm.s32 $0x9;
	_ =	strace $0x80000048  }
0xb4: {  	_ =	swait.ge [sflag:s29], $0x1  }
0xb5: {  	[sflag:s29] =	ssyncadd.s32 $0xFFFFFFFF  }
0xb6: {  	_ =	strace $0x90000048  }
0xb7: {  	_ =	sfence  }
0xb8: {  	s30 =	sld [smem:$0x0];
	_ =	sdelay $0x2  }
0xb9: {  	s31 =	sshll.u32 s1, $0xD;
	s1 =	sshrl.u32 s1, $0x2  }
0xba: {  	s3 =	sand.u32 $0x4000, s31;
	s1 =	sadd.s32 s1, s30  }
0xbb: {  	s0 =	sor.u32 s3, s0;
	s1 =	sshll.u32 s1, $0x11  }
0xbc: {  	s0 =	sor.u32 s1, s0  }
0xbd: {  	s0 =	sadd.s32 $0x8F2B, s0  }
0xbe: {  	[sflag:s0] =	ssyncadd.remote.s32 $0x1  }
0xbf: {  	_ =	sfence.sel $0xFFFF  }
0xc0: {  	[dreg:$0x0] =	wrdreg $0xFFFFFFFF;
	(pc) =	sbr.abs _section_cstart, $3  }
0xc1: {  	[dreg:$0x1] =	wrdreg $0xFFFFFFFF  }
0xc2: {  	_ =	task.clear_ibuf [dreg:s7], $0x2FFFF;
	_ =	strace $0x9FFFFFFF  }
0xc3: {  	(tm) =	ssettm $0x7FFFFFFF  }
tec
execute0_lowered:
.L_overlay_start_1:
0x0: {  	(tag) =	ssettag $0x1  }
0x1: {  	s0 =	rddreg [dreg:$0x0]  }
0x2: {  	s1 =	rddreg [dreg:$0x1]  }
0x3: {  	s4 =	rddreg [dreg:$0x2]  }
0x4: {  	s3 =	srdreg.scid;
	s2 =	simm.s32 $0x0;
	s10 =	stileid.u32  }
0x5: {  	s28 =	simm.s32 $0x1;
	s29 =	simm.s32 $0x5000;
	s31 =	simm.s32 $0x5280  }
0x6: {  	s3 =	sand.u32 $0x1, s3;
	[smem:$0x7FF] =	sst s2;
	s5 =	smul.u32 $0x500, s10  }
0x7: {  	s21 =	sshrl.u32 s10, $0x3;
	s9 =	smul.u32 $0x5000, s10;
	s22 =	sshll.u32 s10, $0x7  }
0x8: {  	s6 =	sshll.u32 s3, $0x4;
	_ =	strace $0x80000047;
	s7 =	sshll.u32 s3, $0x7  }
0x9: {  	s3 =	ssub.s32 $0x2, s3;
	s30 =	sand.u32 $0x380, s22;
	s24 =	sor.u32 s10, s6  }
0xa: {  	s5 =	sor.u32 s7, s5;
	s7 =	smul.u32 $0x50000, s21;
	s8 =	sshrl.u32 s3, $0x1  }
0xb: {  	s26 =	sshrl.u32 s9, $0x2;
	s6 =	smul.u32 $0xA00, s24;
	s5 =	sshrl.u32 s5, $0x3  }
0xc: {  	s23 =	ssub.s32 s3, s8;
	p0 =	seq.s32 s24, $0x1F;
	s24 =	simm.s32 $0x2800  }
0xd: {  	s1 =	sadd.s32 s5, s1;
	s25 =	sshrl.u32 s7, $0x2;
	s5 =	sadd.s32 $0x13610, s0  }
0xe: {  	s23 =	smax.u32 s23, $0x1;
	s6 =	sadd.s32 s6, s0;
	s22 =	sadd.s32 $0x2400, s1  }
0xf: {  	s3 =	sadd.s32 $0x10, s6;
	s6 =	sadd.s32 s25, s4;
	s4 =	sadd.s32 s26, s4  }
0x10: {  	s25 =	simm.s32 $0x80;
	s26 =	simm.s32 $0x400;
	s6 =	sadd.s32 s30, s6  }
0x11: {  	s7 =	sadd.s32 $0x80, s4;
	s8 =	sadd.s32 $0x100, s4;
	s9 =	sadd.s32 $0x180, s4  }
0x12: {  	s10 =	sadd.s32 $0x200, s4;
	s11 =	sadd.s32 $0x280, s4;
	s12 =	sadd.s32 $0x300, s4  }
0x13: {  	s13 =	sadd.s32 $0x380, s4;
	s14 =	sadd.s32 $0x14000, s4;
	s15 =	sadd.s32 $0x14080, s4  }
0x14: {  	s16 =	sadd.s32 $0x14100, s4;
	s17 =	sadd.s32 $0x14180, s4;
	s18 =	sadd.s32 $0x14200, s4  }
0x15: {  	v0 =	vimm.f32 $0.0e+00;
	v1 =	vimm.f32 $1.000000000e+00;
	s19 =	sadd.s32 $0x14280, s4;
	s20 =	sadd.s32 $0x14300, s4;
	s21 =	sadd.s32 $0x14380, s4  }
.LBB2_1:
0x16: {  	s0 =	simm.s32 $0x40;
	s1 =	simm.s32 $0x0  }
.LBB2_2:
0x17: {  	p1 =	sne.s32 s0, $0x9FC0;
	[tilespmem:s1+$0x2800] =	vst v0;
	s1 =	smov.u32 s0;
	s0 =	sadd.s32 $0x40, s0  }
.Ltmp0:
0x18: {  	(pc) =	sbr.rel @p1 .LBB2_2-.Ltmp0, $2  }
0x19: {  	_ =	sdelay $0x2  }
0x1a: {  	s1 =	sshra.s32 s1, $0x2  }
0x1b: {  	[tilespmem:s1+$0x2800] =	vst v0;
	s0 =	simm.s32 @p0 $0x80;
	s1 =	simm.s32 @p0 $0x100;
	s30 =	simm.s32 @p0 $0x0  }
0x1c: {  	[tilespmem:s30], [sflag:$0x1] =	stream.strided.gather @p0 [hbm4b:s5+s0], $0xA00, s1, s0, $0x38;
	[tilespmem:$0x7D00] =	vst v63  }
0x1d: {  	s0 =	simm.s32 @p0 $0x1  }
0x1e: {  	_ =	swait.ge @p0 [sflag:s0], $0xA00  }
0x1f: {  	s1 =	simm.s32 @!p0 $0x100;
	[sflag:s0] =	ssyncset.done @p0 $0x0  }
0x20: {  	s30 =	simm.s32 @!p0 $0x0;
	[sflag:s0] =	ssyncadd.s32 @p0 $0xFFFFF600;
	s0 =	simm.s32 @!p0 $0x80  }
0x21: {  	[tilespmem:s30], [sflag:$0x1] =	stream.strided.gather @!p0 [hbm4b:s3+s0], $0x2800, s1, s0, $0x38;
	[tilespmem:$0x7D00] =	vst v63  }
0x22: {  	s1 =	simm.s32 @!p0 $0x280  }
0x23: {  	s1 =	simm.s32 @p0 $0xA0  }
0x24: {  	p1 =	sne.s32 s1, $0x1  }
.Ltmp1:
0x25: {  	s0 =	simm.s32 @!p0 $0x1;
	(pc) =	sbr.rel @!p1 .LBB2_5-.Ltmp1, $4  }
0x26: {  	_ =	swait.ge @!p0 [sflag:s0], $0x2800  }
0x27: {  	[sflag:s0] =	ssyncset.done @!p0 $0x0  }
0x28: {  	[sflag:s0] =	ssyncadd.s32 @!p0 $0xFFFFD800;
	s0 =	simm.s32 $0x0  }
0x29: {  	s1 =	sadd.s32 $0xFFFFFFFF, s1;
	v2 =	vld [tilespmem:s0+$0x0]  }
.LBB2_4:
0x2a: {  	p1 =	sne.s32 s1, $0x1;
	_ =	sdelay $0x3  }
.Ltmp2:
0x2b: {  	(pc) =	sbr.rel @p1 .LBB2_4-.Ltmp2, $3  }
0x2c: {  	_ =	sdelay $0x1  }
0x2d: {  	s0 =	sadd.s32 $0x10, s0;
	[tilespmem:v2+s24+$0x0] =	vst.idx.add.f32.msk $0xffff, v1  }
0x2e: {  	s1 =	sadd.s32 $0xFFFFFFFF, s1;
	v2 =	vld [tilespmem:s0+$0x0]  }
.LBB2_5:
0x2f: {  	_ =	sdelay $0x7  }
0x30: {  	[tilespmem:v2+s24+$0x0] =	vst.idx.add.f32.msk $0xffff, v1  }
0x31: {  	[spmem:s6] =	stream.strided.scatter [tilespmem:s24], [sflag:$0x1], $0x2800, s26, s25, $0x38;
	[tilespmem:$0x7D00] =	vst v63  }
0x32: {  	_ =	swait.ge [sflag:s28], $0x2800  }
0x33: {  	[sflag:s28] =	ssyncset.done $0x0  }
0x34: {  	[sflag:s28] =	ssyncadd.s32 $0xFFFFD800  }
0x35: {  	[bflag:$0x0] =	sbarrier.arrive $0xFFFF  }
0x36: {  	[tilespmem:$0x5280] =	vst v0  }
0x37: {  	[tilespmem:$0x5290] =	vst v0  }
0x38: {  	[tilespmem:$0x52A0] =	vst v0  }
0x39: {  	[tilespmem:$0x52B0] =	vst v0  }
0x3a: {  	[tilespmem:$0x52C0] =	vst v0  }
0x3b: {  	[tilespmem:$0x52D0] =	vst v0  }
0x3c: {  	[tilespmem:$0x52E0] =	vst v0  }
0x3d: {  	[tilespmem:$0x52F0] =	vst v0  }
0x3e: {  	[tilespmem:$0x5300] =	vst v0  }
0x3f: {  	[tilespmem:$0x5310] =	vst v0  }
0x40: {  	[tilespmem:$0x5320] =	vst v0  }
0x41: {  	[tilespmem:$0x5330] =	vst v0  }
0x42: {  	[tilespmem:$0x5340] =	vst v0  }
0x43: {  	[tilespmem:$0x5350] =	vst v0  }
0x44: {  	[tilespmem:$0x5360] =	vst v0  }
0x45: {  	[tilespmem:$0x5370] =	vst v0  }
0x46: {  	[tilespmem:$0x5380] =	vst v0  }
0x47: {  	[tilespmem:$0x5390] =	vst v0  }
0x48: {  	[tilespmem:$0x53A0] =	vst v0  }
0x49: {  	[tilespmem:$0x53B0] =	vst v0  }
0x4a: {  	[tilespmem:$0x53C0] =	vst v0  }
0x4b: {  	[tilespmem:$0x53D0] =	vst v0  }
0x4c: {  	[tilespmem:$0x53E0] =	vst v0  }
0x4d: {  	[tilespmem:$0x53F0] =	vst v0  }
0x4e: {  	[tilespmem:$0x5400] =	vst v0  }
0x4f: {  	[tilespmem:$0x5410] =	vst v0  }
0x50: {  	[tilespmem:$0x5420] =	vst v0  }
0x51: {  	[tilespmem:$0x5430] =	vst v0  }
0x52: {  	[tilespmem:$0x5440] =	vst v0  }
0x53: {  	[tilespmem:$0x5450] =	vst v0  }
0x54: {  	[tilespmem:$0x5460] =	vst v0  }
0x55: {  	[tilespmem:$0x5470] =	vst v0  }
0x56: {  	[tilespmem:$0x5480] =	vst v0  }
0x57: {  	[tilespmem:$0x5490] =	vst v0  }
0x58: {  	[tilespmem:$0x54A0] =	vst v0  }
0x59: {  	[tilespmem:$0x54B0] =	vst v0  }
0x5a: {  	[tilespmem:$0x54C0] =	vst v0  }
0x5b: {  	[tilespmem:$0x54D0] =	vst v0  }
0x5c: {  	[tilespmem:$0x54E0] =	vst v0  }
0x5d: {  	[tilespmem:$0x54F0] =	vst v0  }
0x5e: {  	[tilespmem:s29], [sflag:$0x1] =	stream.strided.gather [spmem:s4], $0x280, s26, s25, $0x38;
	[tilespmem:$0x7D00] =	vst v63  }
0x5f: {  	_ =	swait.ge [sflag:s28], $0x280  }
0x60: {  	[sflag:s28] =	ssyncset.done $0x0  }
0x61: {  	s0 =	simm.s32 $0x0;
	[sflag:s28] =	ssyncadd.s32 $0xFFFFFD80  }
0x62: {  	s1 =	simm.s32 $0x40;
	v2 =	vld [tilespmem:s0+$0x5000]  }
.LBB2_6:
0x63: {  	p1 =	sne.s32 s1, $0x9C0;
	v3 =	vld [tilespmem:s0+$0x5280];
	_ =	sdelay $0x2  }
.Ltmp3:
0x64: {  	(pc) =	sbr.rel @p1 .LBB2_6-.Ltmp3, $4  }
0x65: {  	_ = 	snop  }
0x66: {  	v3 =	vadd.f32 v2, v3  }
0x67: {  	s30 =	sshra.s32 s1, $0x2  }
0x68: {  	s1 =	sadd.s32 $0x40, s1;
	v2 =	vld [tilespmem:s30+$0x5000];
	[tilespmem:s0+$0x5280] =	vst v3;
	s0 =	smov.u32 s30  }
0x69: {  	v3 =	vld [tilespmem:s0+$0x5280];
	_ =	sdelay $0x4  }
0x6a: {  	v2 =	vadd.f32 v2, v3;
	_ =	sdelay $0x1  }
0x6b: {  	[tilespmem:s0+$0x5280] =	vst v2  }
0x6c: {  	[tilespmem:s29], [sflag:$0x1] =	stream.strided.gather [spmem:s7], $0x280, s26, s25, $0x38;
	[tilespmem:$0x7D00] =	vst v63  }
0x6d: {  	_ =	swait.ge [sflag:s28], $0x280  }
0x6e: {  	[sflag:s28] =	ssyncset.done $0x0  }
0x6f: {  	s0 =	simm.s32 $0x0;
	[sflag:s28] =	ssyncadd.s32 $0xFFFFFD80  }
0x70: {  	s1 =	simm.s32 $0x40;
	v2 =	vld [tilespmem:s0+$0x5000]  }
.LBB2_8:
0x71: {  	p1 =	sne.s32 s1, $0x9C0;
	v3 =	vld [tilespmem:s0+$0x5280];
	_ =	sdelay $0x2  }
.Ltmp4:
0x72: {  	(pc) =	sbr.rel @p1 .LBB2_8-.Ltmp4, $4  }
0x73: {  	_ = 	snop  }
0x74: {  	v3 =	vadd.f32 v2, v3  }
0x75: {  	s30 =	sshra.s32 s1, $0x2  }
0x76: {  	s1 =	sadd.s32 $0x40, s1;
	v2 =	vld [tilespmem:s30+$0x5000];
	[tilespmem:s0+$0x5280] =	vst v3;
	s0 =	smov.u32 s30  }
0x77: {  	v3 =	vld [tilespmem:s0+$0x5280];
	_ =	sdelay $0x4  }
0x78: {  	v2 =	vadd.f32 v2, v3;
	_ =	sdelay $0x1  }
0x79: {  	[tilespmem:s0+$0x5280] =	vst v2  }
0x7a: {  	[tilespmem:s29], [sflag:$0x1] =	stream.strided.gather [spmem:s8], $0x280, s26, s25, $0x38;
	[tilespmem:$0x7D00] =	vst v63  }
0x7b: {  	_ =	swait.ge [sflag:s28], $0x280  }
0x7c: {  	[sflag:s28] =	ssyncset.done $0x0  }
0x7d: {  	s0 =	simm.s32 $0x0;
	[sflag:s28] =	ssyncadd.s32 $0xFFFFFD80  }
0x7e: {  	s1 =	simm.s32 $0x40;
	v2 =	vld [tilespmem:s0+$0x5000]  }
.LBB2_10:
0x7f: {  	p1 =	sne.s32 s1, $0x9C0;
	v3 =	vld [tilespmem:s0+$0x5280];
	_ =	sdelay $0x2  }
.Ltmp5:
0x80: {  	(pc) =	sbr.rel @p1 .LBB2_10-.Ltmp5, $4  }
0x81: {  	_ = 	snop  }
0x82: {  	v3 =	vadd.f32 v2, v3  }
0x83: {  	s30 =	sshra.s32 s1, $0x2  }
0x84: {  	s1 =	sadd.s32 $0x40, s1;
	v2 =	vld [tilespmem:s30+$0x5000];
	[tilespmem:s0+$0x5280] =	vst v3;
	s0 =	smov.u32 s30  }
0x85: {  	v3 =	vld [tilespmem:s0+$0x5280];
	_ =	sdelay $0x4  }
0x86: {  	v2 =	vadd.f32 v2, v3;
	_ =	sdelay $0x1  }
0x87: {  	[tilespmem:s0+$0x5280] =	vst v2  }
0x88: {  	[tilespmem:s29], [sflag:$0x1] =	stream.strided.gather [spmem:s9], $0x280, s26, s25, $0x38;
	[tilespmem:$0x7D00] =	vst v63  }
0x89: {  	_ =	swait.ge [sflag:s28], $0x280  }
0x8a: {  	[sflag:s28] =	ssyncset.done $0x0  }
0x8b: {  	s0 =	simm.s32 $0x0;
	[sflag:s28] =	ssyncadd.s32 $0xFFFFFD80  }
0x8c: {  	s1 =	simm.s32 $0x40;
	v2 =	vld [tilespmem:s0+$0x5000]  }
.LBB2_12:
0x8d: {  	p1 =	sne.s32 s1, $0x9C0;
	v3 =	vld [tilespmem:s0+$0x5280];
	_ =	sdelay $0x2  }
.Ltmp6:
0x8e: {  	(pc) =	sbr.rel @p1 .LBB2_12-.Ltmp6, $4  }
0x8f: {  	_ = 	snop  }
0x90: {  	v3 =	vadd.f32 v2, v3  }
0x91: {  	s30 =	sshra.s32 s1, $0x2  }
0x92: {  	s1 =	sadd.s32 $0x40, s1;
	v2 =	vld [tilespmem:s30+$0x5000];
	[tilespmem:s0+$0x5280] =	vst v3;
	s0 =	smov.u32 s30  }
0x93: {  	v3 =	vld [tilespmem:s0+$0x5280];
	_ =	sdelay $0x4  }
0x94: {  	v2 =	vadd.f32 v2, v3;
	_ =	sdelay $0x1  }
0x95: {  	[tilespmem:s0+$0x5280] =	vst v2  }
0x96: {  	[tilespmem:s29], [sflag:$0x1] =	stream.strided.gather [spmem:s10], $0x280, s26, s25, $0x38;
	[tilespmem:$0x7D00] =	vst v63  }
0x97: {  	_ =	swait.ge [sflag:s28], $0x280  }
0x98: {  	[sflag:s28] =	ssyncset.done $0x0  }
0x99: {  	s0 =	simm.s32 $0x0;
	[sflag:s28] =	ssyncadd.s32 $0xFFFFFD80  }
0x9a: {  	s1 =	simm.s32 $0x40;
	v2 =	vld [tilespmem:s0+$0x5000]  }
.LBB2_14:
0x9b: {  	p1 =	sne.s32 s1, $0x9C0;
	v3 =	vld [tilespmem:s0+$0x5280];
	_ =	sdelay $0x2  }
.Ltmp7:
0x9c: {  	(pc) =	sbr.rel @p1 .LBB2_14-.Ltmp7, $4  }
0x9d: {  	_ = 	snop  }
0x9e: {  	v3 =	vadd.f32 v2, v3  }
0x9f: {  	s30 =	sshra.s32 s1, $0x2  }
0xa0: {  	s1 =	sadd.s32 $0x40, s1;
	v2 =	vld [tilespmem:s30+$0x5000];
	[tilespmem:s0+$0x5280] =	vst v3;
	s0 =	smov.u32 s30  }
0xa1: {  	v3 =	vld [tilespmem:s0+$0x5280];
	_ =	sdelay $0x4  }
0xa2: {  	v2 =	vadd.f32 v2, v3;
	_ =	sdelay $0x1  }
0xa3: {  	[tilespmem:s0+$0x5280] =	vst v2  }
0xa4: {  	[tilespmem:s29], [sflag:$0x1] =	stream.strided.gather [spmem:s11], $0x280, s26, s25, $0x38;
	[tilespmem:$0x7D00] =	vst v63  }
0xa5: {  	_ =	swait.ge [sflag:s28], $0x280  }
0xa6: {  	[sflag:s28] =	ssyncset.done $0x0  }
0xa7: {  	s0 =	simm.s32 $0x0;
	[sflag:s28] =	ssyncadd.s32 $0xFFFFFD80  }
0xa8: {  	s1 =	simm.s32 $0x40;
	v2 =	vld [tilespmem:s0+$0x5000]  }
.LBB2_16:
0xa9: {  	p1 =	sne.s32 s1, $0x9C0;
	v3 =	vld [tilespmem:s0+$0x5280];
	_ =	sdelay $0x2  }
.Ltmp8:
0xaa: {  	(pc) =	sbr.rel @p1 .LBB2_16-.Ltmp8, $4  }
0xab: {  	_ = 	snop  }
0xac: {  	v3 =	vadd.f32 v2, v3  }
0xad: {  	s30 =	sshra.s32 s1, $0x2  }
0xae: {  	s1 =	sadd.s32 $0x40, s1;
	v2 =	vld [tilespmem:s30+$0x5000];
	[tilespmem:s0+$0x5280] =	vst v3;
	s0 =	smov.u32 s30  }
0xaf: {  	v3 =	vld [tilespmem:s0+$0x5280];
	_ =	sdelay $0x4  }
0xb0: {  	v2 =	vadd.f32 v2, v3;
	_ =	sdelay $0x1  }
0xb1: {  	[tilespmem:s0+$0x5280] =	vst v2  }
0xb2: {  	[tilespmem:s29], [sflag:$0x1] =	stream.strided.gather [spmem:s12], $0x280, s26, s25, $0x38;
	[tilespmem:$0x7D00] =	vst v63  }
0xb3: {  	_ =	swait.ge [sflag:s28], $0x280  }
0xb4: {  	[sflag:s28] =	ssyncset.done $0x0  }
0xb5: {  	s0 =	simm.s32 $0x0;
	[sflag:s28] =	ssyncadd.s32 $0xFFFFFD80  }
0xb6: {  	s1 =	simm.s32 $0x40;
	v2 =	vld [tilespmem:s0+$0x5000]  }
.LBB2_18:
0xb7: {  	p1 =	sne.s32 s1, $0x9C0;
	v3 =	vld [tilespmem:s0+$0x5280];
	_ =	sdelay $0x2  }
.Ltmp9:
0xb8: {  	(pc) =	sbr.rel @p1 .LBB2_18-.Ltmp9, $4  }
0xb9: {  	_ = 	snop  }
0xba: {  	v3 =	vadd.f32 v2, v3  }
0xbb: {  	s30 =	sshra.s32 s1, $0x2  }
0xbc: {  	s1 =	sadd.s32 $0x40, s1;
	v2 =	vld [tilespmem:s30+$0x5000];
	[tilespmem:s0+$0x5280] =	vst v3;
	s0 =	smov.u32 s30  }
0xbd: {  	v3 =	vld [tilespmem:s0+$0x5280];
	_ =	sdelay $0x4  }
0xbe: {  	v2 =	vadd.f32 v2, v3;
	_ =	sdelay $0x1  }
0xbf: {  	[tilespmem:s0+$0x5280] =	vst v2  }
0xc0: {  	[tilespmem:s29], [sflag:$0x1] =	stream.strided.gather [spmem:s13], $0x280, s26, s25, $0x38;
	[tilespmem:$0x7D00] =	vst v63  }
0xc1: {  	_ =	swait.ge [sflag:s28], $0x280  }
0xc2: {  	[sflag:s28] =	ssyncset.done $0x0  }
0xc3: {  	s0 =	simm.s32 $0x0;
	[sflag:s28] =	ssyncadd.s32 $0xFFFFFD80  }
0xc4: {  	s1 =	simm.s32 $0x40;
	v2 =	vld [tilespmem:s0+$0x5000]  }
.LBB2_20:
0xc5: {  	p1 =	sne.s32 s1, $0x9C0;
	v3 =	vld [tilespmem:s0+$0x5280];
	_ =	sdelay $0x2  }
.Ltmp10:
0xc6: {  	(pc) =	sbr.rel @p1 .LBB2_20-.Ltmp10, $4  }
0xc7: {  	_ = 	snop  }
0xc8: {  	v3 =	vadd.f32 v2, v3  }
0xc9: {  	s30 =	sshra.s32 s1, $0x2  }
0xca: {  	s1 =	sadd.s32 $0x40, s1;
	v2 =	vld [tilespmem:s30+$0x5000];
	[tilespmem:s0+$0x5280] =	vst v3;
	s0 =	smov.u32 s30  }
0xcb: {  	v3 =	vld [tilespmem:s0+$0x5280];
	_ =	sdelay $0x4  }
0xcc: {  	v2 =	vadd.f32 v2, v3;
	_ =	sdelay $0x1  }
0xcd: {  	[tilespmem:s0+$0x5280] =	vst v2  }
0xce: {  	[tilespmem:s29], [sflag:$0x1] =	stream.strided.gather [spmem:s14], $0x280, s26, s25, $0x38;
	[tilespmem:$0x7D00] =	vst v63  }
0xcf: {  	_ =	swait.ge [sflag:s28], $0x280  }
0xd0: {  	[sflag:s28] =	ssyncset.done $0x0  }
0xd1: {  	s0 =	simm.s32 $0x0;
	[sflag:s28] =	ssyncadd.s32 $0xFFFFFD80  }
0xd2: {  	s1 =	simm.s32 $0x40;
	v2 =	vld [tilespmem:s0+$0x5000]  }
.LBB2_22:
0xd3: {  	p1 =	sne.s32 s1, $0x9C0;
	v3 =	vld [tilespmem:s0+$0x5280];
	_ =	sdelay $0x2  }
.Ltmp11:
0xd4: {  	(pc) =	sbr.rel @p1 .LBB2_22-.Ltmp11, $4  }
0xd5: {  	_ = 	snop  }
0xd6: {  	v3 =	vadd.f32 v2, v3  }
0xd7: {  	s30 =	sshra.s32 s1, $0x2  }
0xd8: {  	s1 =	sadd.s32 $0x40, s1;
	v2 =	vld [tilespmem:s30+$0x5000];
	[tilespmem:s0+$0x5280] =	vst v3;
	s0 =	smov.u32 s30  }
0xd9: {  	v3 =	vld [tilespmem:s0+$0x5280];
	_ =	sdelay $0x4  }
0xda: {  	v2 =	vadd.f32 v2, v3;
	_ =	sdelay $0x1  }
0xdb: {  	[tilespmem:s0+$0x5280] =	vst v2  }
0xdc: {  	[tilespmem:s29], [sflag:$0x1] =	stream.strided.gather [spmem:s15], $0x280, s26, s25, $0x38;
	[tilespmem:$0x7D00] =	vst v63  }
0xdd: {  	_ =	swait.ge [sflag:s28], $0x280  }
0xde: {  	[sflag:s28] =	ssyncset.done $0x0  }
0xdf: {  	s0 =	simm.s32 $0x0;
	[sflag:s28] =	ssyncadd.s32 $0xFFFFFD80  }
0xe0: {  	s1 =	simm.s32 $0x40;
	v2 =	vld [tilespmem:s0+$0x5000]  }
.LBB2_24:
0xe1: {  	p1 =	sne.s32 s1, $0x9C0;
	v3 =	vld [tilespmem:s0+$0x5280];
	_ =	sdelay $0x2  }
.Ltmp12:
0xe2: {  	(pc) =	sbr.rel @p1 .LBB2_24-.Ltmp12, $4  }
0xe3: {  	_ = 	snop  }
0xe4: {  	v3 =	vadd.f32 v2, v3  }
0xe5: {  	s30 =	sshra.s32 s1, $0x2  }
0xe6: {  	s1 =	sadd.s32 $0x40, s1;
	v2 =	vld [tilespmem:s30+$0x5000];
	[tilespmem:s0+$0x5280] =	vst v3;
	s0 =	smov.u32 s30  }
0xe7: {  	v3 =	vld [tilespmem:s0+$0x5280];
	_ =	sdelay $0x4  }
0xe8: {  	v2 =	vadd.f32 v2, v3;
	_ =	sdelay $0x1  }
0xe9: {  	[tilespmem:s0+$0x5280] =	vst v2  }
0xea: {  	[tilespmem:s29], [sflag:$0x1] =	stream.strided.gather [spmem:s16], $0x280, s26, s25, $0x38;
	[tilespmem:$0x7D00] =	vst v63  }
0xeb: {  	_ =	swait.ge [sflag:s28], $0x280  }
0xec: {  	[sflag:s28] =	ssyncset.done $0x0  }
0xed: {  	s0 =	simm.s32 $0x0;
	[sflag:s28] =	ssyncadd.s32 $0xFFFFFD80  }
0xee: {  	s1 =	simm.s32 $0x40;
	v2 =	vld [tilespmem:s0+$0x5000]  }
.LBB2_26:
0xef: {  	p1 =	sne.s32 s1, $0x9C0;
	v3 =	vld [tilespmem:s0+$0x5280];
	_ =	sdelay $0x2  }
.Ltmp13:
0xf0: {  	(pc) =	sbr.rel @p1 .LBB2_26-.Ltmp13, $4  }
0xf1: {  	_ = 	snop  }
0xf2: {  	v3 =	vadd.f32 v2, v3  }
0xf3: {  	s30 =	sshra.s32 s1, $0x2  }
0xf4: {  	s1 =	sadd.s32 $0x40, s1;
	v2 =	vld [tilespmem:s30+$0x5000];
	[tilespmem:s0+$0x5280] =	vst v3;
	s0 =	smov.u32 s30  }
0xf5: {  	v3 =	vld [tilespmem:s0+$0x5280];
	_ =	sdelay $0x4  }
0xf6: {  	v2 =	vadd.f32 v2, v3;
	_ =	sdelay $0x1  }
0xf7: {  	[tilespmem:s0+$0x5280] =	vst v2  }
0xf8: {  	[tilespmem:s29], [sflag:$0x1] =	stream.strided.gather [spmem:s17], $0x280, s26, s25, $0x38;
	[tilespmem:$0x7D00] =	vst v63  }
0xf9: {  	_ =	swait.ge [sflag:s28], $0x280  }
0xfa: {  	[sflag:s28] =	ssyncset.done $0x0  }
0xfb: {  	s0 =	simm.s32 $0x0;
	[sflag:s28] =	ssyncadd.s32 $0xFFFFFD80  }
0xfc: {  	s1 =	simm.s32 $0x40;
	v2 =	vld [tilespmem:s0+$0x5000]  }
.LBB2_28:
0xfd: {  	p1 =	sne.s32 s1, $0x9C0;
	v3 =	vld [tilespmem:s0+$0x5280];
	_ =	sdelay $0x2  }
.Ltmp14:
0xfe: {  	(pc) =	sbr.rel @p1 .LBB2_28-.Ltmp14, $4  }
0xff: {  	_ = 	snop  }
0x100: {  	v3 =	vadd.f32 v2, v3  }
0x101: {  	s30 =	sshra.s32 s1, $0x2  }
0x102: {  	s1 =	sadd.s32 $0x40, s1;
	v2 =	vld [tilespmem:s30+$0x5000];
	[tilespmem:s0+$0x5280] =	vst v3;
	s0 =	smov.u32 s30  }
0x103: {  	v3 =	vld [tilespmem:s0+$0x5280];
	_ =	sdelay $0x4  }
0x104: {  	v2 =	vadd.f32 v2, v3;
	_ =	sdelay $0x1  }
0x105: {  	[tilespmem:s0+$0x5280] =	vst v2  }
0x106: {  	[tilespmem:s29], [sflag:$0x1] =	stream.strided.gather [spmem:s18], $0x280, s26, s25, $0x38;
	[tilespmem:$0x7D00] =	vst v63  }
0x107: {  	_ =	swait.ge [sflag:s28], $0x280  }
0x108: {  	[sflag:s28] =	ssyncset.done $0x0  }
0x109: {  	s0 =	simm.s32 $0x0;
	[sflag:s28] =	ssyncadd.s32 $0xFFFFFD80  }
0x10a: {  	s1 =	simm.s32 $0x40;
	v2 =	vld [tilespmem:s0+$0x5000]  }
.LBB2_30:
0x10b: {  	p1 =	sne.s32 s1, $0x9C0;
	v3 =	vld [tilespmem:s0+$0x5280];
	_ =	sdelay $0x2  }
.Ltmp15:
0x10c: {  	(pc) =	sbr.rel @p1 .LBB2_30-.Ltmp15, $4  }
0x10d: {  	_ = 	snop  }
0x10e: {  	v3 =	vadd.f32 v2, v3  }
0x10f: {  	s30 =	sshra.s32 s1, $0x2  }
0x110: {  	s1 =	sadd.s32 $0x40, s1;
	v2 =	vld [tilespmem:s30+$0x5000];
	[tilespmem:s0+$0x5280] =	vst v3;
	s0 =	smov.u32 s30  }
0x111: {  	v3 =	vld [tilespmem:s0+$0x5280];
	_ =	sdelay $0x4  }
0x112: {  	v2 =	vadd.f32 v2, v3;
	_ =	sdelay $0x1  }
0x113: {  	[tilespmem:s0+$0x5280] =	vst v2  }
0x114: {  	[tilespmem:s29], [sflag:$0x1] =	stream.strided.gather [spmem:s19], $0x280, s26, s25, $0x38;
	[tilespmem:$0x7D00] =	vst v63  }
0x115: {  	_ =	swait.ge [sflag:s28], $0x280  }
0x116: {  	[sflag:s28] =	ssyncset.done $0x0  }
0x117: {  	s0 =	simm.s32 $0x0;
	[sflag:s28] =	ssyncadd.s32 $0xFFFFFD80  }
0x118: {  	s1 =	simm.s32 $0x40;
	v2 =	vld [tilespmem:s0+$0x5000]  }
.LBB2_32:
0x119: {  	p1 =	sne.s32 s1, $0x9C0;
	v3 =	vld [tilespmem:s0+$0x5280];
	_ =	sdelay $0x2  }
.Ltmp16:
0x11a: {  	(pc) =	sbr.rel @p1 .LBB2_32-.Ltmp16, $4  }
0x11b: {  	_ = 	snop  }
0x11c: {  	v3 =	vadd.f32 v2, v3  }
0x11d: {  	s30 =	sshra.s32 s1, $0x2  }
0x11e: {  	s1 =	sadd.s32 $0x40, s1;
	v2 =	vld [tilespmem:s30+$0x5000];
	[tilespmem:s0+$0x5280] =	vst v3;
	s0 =	smov.u32 s30  }
0x11f: {  	v3 =	vld [tilespmem:s0+$0x5280];
	_ =	sdelay $0x4  }
0x120: {  	v2 =	vadd.f32 v2, v3;
	_ =	sdelay $0x1  }
0x121: {  	[tilespmem:s0+$0x5280] =	vst v2  }
0x122: {  	[tilespmem:s29], [sflag:$0x1] =	stream.strided.gather [spmem:s20], $0x280, s26, s25, $0x38;
	[tilespmem:$0x7D00] =	vst v63  }
0x123: {  	_ =	swait.ge [sflag:s28], $0x280  }
0x124: {  	[sflag:s28] =	ssyncset.done $0x0  }
0x125: {  	s0 =	simm.s32 $0x0;
	[sflag:s28] =	ssyncadd.s32 $0xFFFFFD80  }
0x126: {  	s1 =	simm.s32 $0x40;
	v2 =	vld [tilespmem:s0+$0x5000]  }
.LBB2_34:
0x127: {  	p1 =	sne.s32 s1, $0x9C0;
	v3 =	vld [tilespmem:s0+$0x5280];
	_ =	sdelay $0x2  }
.Ltmp17:
0x128: {  	(pc) =	sbr.rel @p1 .LBB2_34-.Ltmp17, $4  }
0x129: {  	_ = 	snop  }
0x12a: {  	v3 =	vadd.f32 v2, v3  }
0x12b: {  	s30 =	sshra.s32 s1, $0x2  }
0x12c: {  	s1 =	sadd.s32 $0x40, s1;
	v2 =	vld [tilespmem:s30+$0x5000];
	[tilespmem:s0+$0x5280] =	vst v3;
	s0 =	smov.u32 s30  }
0x12d: {  	v3 =	vld [tilespmem:s0+$0x5280];
	_ =	sdelay $0x4  }
0x12e: {  	v2 =	vadd.f32 v2, v3;
	_ =	sdelay $0x1  }
0x12f: {  	[tilespmem:s0+$0x5280] =	vst v2  }
0x130: {  	[tilespmem:s29], [sflag:$0x1] =	stream.strided.gather [spmem:s21], $0x280, s26, s25, $0x38;
	[tilespmem:$0x7D00] =	vst v63  }
0x131: {  	_ =	swait.ge [sflag:s28], $0x280  }
0x132: {  	[sflag:s28] =	ssyncset.done $0x0  }
0x133: {  	s0 =	simm.s32 $0x0;
	[sflag:s28] =	ssyncadd.s32 $0xFFFFFD80  }
0x134: {  	s1 =	simm.s32 $0x40;
	v2 =	vld [tilespmem:s0+$0x5000]  }
.LBB2_36:
0x135: {  	p1 =	sne.s32 s1, $0x9C0;
	v3 =	vld [tilespmem:s0+$0x5280];
	_ =	sdelay $0x2  }
.Ltmp18:
0x136: {  	(pc) =	sbr.rel @p1 .LBB2_36-.Ltmp18, $4  }
0x137: {  	_ = 	snop  }
0x138: {  	v3 =	vadd.f32 v2, v3  }
0x139: {  	s30 =	sshra.s32 s1, $0x2  }
0x13a: {  	s1 =	sadd.s32 $0x40, s1;
	v2 =	vld [tilespmem:s30+$0x5000];
	[tilespmem:s0+$0x5280] =	vst v3;
	s0 =	smov.u32 s30  }
0x13b: {  	v3 =	vld [tilespmem:s0+$0x5280];
	_ =	sdelay $0x4  }
0x13c: {  	s2 =	sadd.s32 $0x1, s2;
	v2 =	vadd.f32 v2, v3  }
0x13d: {  	p1 =	sne.s32 s2, s23  }
.Ltmp19:
0x13e: {  	s30 =	simm.s32 $0x100;
	[tilespmem:s0+$0x5280] =	vst v2;
	(pc) =	sbr.rel @p1 .LBB2_1-.Ltmp19, $4  }
0x13f: {  	[hbm4b:s22+s25] =	stream.strided.scatter [tilespmem:s31], [sflag:$0x1], $0x280, s30, s25, $0x38;
	[tilespmem:$0x7D00] =	vst v63  }
0x140: {  	_ =	swait.ge [sflag:s28], $0x280  }
0x141: {  	[sflag:s28] =	ssyncset.done $0x0  }
0x142: {  	[sflag:s28] =	ssyncadd.s32 $0xFFFFFD80  }
0x143: {  	_ =	sfence.sel $0x180000  }
0x144: {  	[bflag:$0x0] =	sbarrier.arrive $0xFFFF  }
0x145: {  	_ =	strace $0x90000047  }
0x146: {  	s0 =	stileid.u32;
	[bflag:$0x2] =	sbarrier.arrive $0xFFFF  }
0x147: {  	p0 =	sne.s32 s0, $0x0;
	s0 =	rddreg [dreg:$0x3]  }
0x148: {  	s0 =	sadd.s32 @!p0 $0x100000, s0  }
0x149: {  	[sflag:s0] =	ssyncadd.tile.s32 @!p0 $0x1;
	_ =	shalt  }
.Lfunc_end2:
_tile_overlayer_lowered:
.L_overlay_start_2:
0x14a: {  	(tag) =	ssettag $0x2  }
0x14b: {  	s0 =	rddreg [dreg:$0x0];
	s2 =	stileid.u32  }
0x14c: {  	s1 =	rddreg [dreg:$0x1];
	p0 =	sne.s32 s2, $0x0  }
0x14d: {  	s3 =	rddreg [dreg:$0x2];
	[bflag:$0x3] =	sbarrier.arrive $0xFFFF;
	s2 =	simm.s32 @!p0 $0x1C01  }
0x14e: {  	[timem:s3], [sflag:s2] =	dma.local @!p0 [hbm:s0], s1  }
0x14f: {  	s0 =	simm.s32 @!p0 $0x1  }
0x150: {  	_ =	swait.ge @!p0 [sflag:s0], s1  }
0x151: {  	s1 =	ssub.s32 @!p0 $0x0, s1;
	[sflag:s0] =	ssyncset.done @!p0 $0x0  }
0x152: {  	[sflag:s0] =	ssyncadd.s32 @!p0 s1  }
0x153: {  	[bflag:$0x3] =	sbarrier.arrive $0xFFFF  }
0x154: {  	_ =	shalt  }

// kernel: kernel.9.cloned.1.call-start
scs
__scs_entry_jumppad:
0x0: {  	(pc) =	sbr.rel $0x88, $3  }
0x1: {  	(tag) =	ssettag $0x0;
	lr =	simm.s32 $0x1  }
0x2: {  	[smem:$0x3F9C] =	sst lr;
	_ =	strace $0xD0000000  }
0x3: {  	_ = 	snop  }
0x4: {  	_ = 	snop  }
0x5: {  	_ = 	snop  }
0x6: {  	_ = 	snop  }
0x7: {  	_ = 	snop  }
__scs_overlays_trampoline_lowered:
0x8: {  	[smem:$0x3FAB] =	sst s0  }
0x9: {  	[smem:$0x3FAC] =	sst s1  }
0xa: {  	[smem:$0x3FAD] =	sst s2  }
0xb: {  	[smem:$0x3FAE] =	sst s3  }
0xc: {  	[smem:$0x3FAF] =	sst s4  }
0xd: {  	[smem:$0x3FB0] =	sst s5  }
0xe: {  	[smem:$0x3FB1] =	sst s6  }
0xf: {  	[smem:$0x3FB2] =	sst s7  }
0x10: {  	[smem:$0x3FB3] =	sst s8  }
0x11: {  	[smem:$0x3FB4] =	sst s9;
	s0 =	simm.s32 @!p0 $0x0  }
0x12: {  	s1 =	sld [smem:$0x3F9A];
	s0 =	simm.s32 @p0 $0x1  }
0x13: {  	[smem:$0x3FB5] =	sst s0;
	s0 =	simm.s32 @!p1 $0x0  }
0x14: {  	s2 =	sld [smem:$0x3F99];
	s0 =	simm.s32 @p1 $0x1  }
0x15: {  	[smem:$0x3FB6] =	sst s0;
	s0 =	simm.s32 @!p2 $0x0  }
0x16: {  	s3 =	sld [smem:$0x3FDB];
	s0 =	simm.s32 @p2 $0x1  }
0x17: {  	s4 =	simm.s32 $0x1BF5;
	[smem:$0x3FB8] =	sst s0  }
0x18: {  	s0 =	sld [smem:$0x3F9B];
	_ =	swait.ge [sflag:s4], $0x0  }
0x19: {  	s7 =	sld [smem:$0x3F9C]  }
0x1a: {  	s8 =	sadd.s32 $0xFFFFE003, lr  }
0x1b: {  	s9 =	sadd.s32 $0xFFFFFEF7, lr;
	s5 =	simm.s32 $0xFFFFFFFF;
	p2 =	slt.u32 s8, $0xFFFFF086  }
0x1c: {  	p1 =	slt.u32 s9, $0xF7A;
	s5 =	simm.s32 @!p2 $0x0  }
0x1d: {  	s5 =	simm.s32 @p1 $0x1;
	p0 =	seq.s32 s7, s2  }
0x1e: {  	s7 =	smul.u32 @!p0 $0xF7A, s2;
	p2 =	seq.s32 @!p0 s5, $0x0  }
0x1f: {  	s9 =	smul.u32 $0xF7A, s1;
	s8 =	simm.s32 @!p0 $0x1BF5;
	p2 =	por !p2, p0  }
0x20: {  	[sflag:s8] =	ssyncset.s32 @!p0 $0xFFFFF086;
	s6 =	sadd.s32 @!p0 s3, s7;
	s7 =	simm.s32 @!p0 $0x108  }
0x21: {  	s3 =	sadd.s32 s3, s9;
	s6 =	sadd.s32 @!p0 $0x88, s6;
	s7 =	simm.s32 @p2 $0x1082  }
0x22: {  	[simem:s7], [sflag:s8] =	dma.local @!p0 [hbm:s6], $0xF7A  }
0x23: {  	s9 =	sor.u32 $0xD0000000, s2;
	s6 =	simm.s32 $0x108;
	_ =	swait.ge @!p0 [sflag:s8], $0x0  }
0x24: {  	s3 =	sadd.s32 $0x88, s3;
	s6 =	simm.s32 @!p1 $0x1082;
	[sflag:s4] =	ssyncset.s32 $0xFFFFF086  }
0x25: {  	[simem:s6], [sflag:s4] =	dma.local [hbm:s3], $0xF7A  }
0x26: {  	[smem:$0x3F9C] =	sst s1;
	(tag) =	ssettag s2;
	_ =	strace s9  }
0x27: {  	s1 =	sld [smem:$0x3FAC]  }
0x28: {  	s2 =	sld [smem:$0x3FAD]  }
0x29: {  	s4 =	sld [smem:$0x3FAF]  }
0x2a: {  	p0 =	seq.s32 s5, $0x0;
	s5 =	sld [smem:$0x3FB0]  }
0x2b: {  	s6 =	sld [smem:$0x3FB1]  }
0x2c: {  	s7 =	sld [smem:$0x3FB2]  }
0x2d: {  	s3 =	simm.s32 $0x108;
	s8 =	sld [smem:$0x3FB3]  }
0x2e: {  	s3 =	simm.s32 @!p0 $0x1082;
	s9 =	sld [smem:$0x3FB4]  }
0x2f: {  	lr =	sadd.s32 s0, s3;
	s0 =	sld [smem:$0x3FAB]  }
0x30: {  	s3 =	sld [smem:$0x3FAE]  }
0x31: {  	[smem:$0x3FB7] =	sst s10  }
0x32: {  	s10 =	sld [smem:$0x3FB5];
	_ =	sdelay $0x3  }
0x33: {  	p0 =	seq.s32 s10, $0x1;
	s10 =	sld [smem:$0x3FB7];
	_ =	sdelay $0x3  }
0x34: {  	[smem:$0x3FB7] =	sst s10  }
0x35: {  	s10 =	sld [smem:$0x3FB6];
	_ =	sdelay $0x3  }
0x36: {  	p1 =	seq.s32 s10, $0x1;
	s10 =	sld [smem:$0x3FB7];
	_ =	sdelay $0x3  }
0x37: {  	[smem:$0x3FB7] =	sst s10  }
0x38: {  	s10 =	sld [smem:$0x3FB8]  }
0x39: {  	_ = 	snop;
	(pc) =	sbr.ind lr, $3  }
0x3a: {  	_ = 	snop  }
0x3b: {  	_ = 	snop  }
0x3c: {  	p2 =	seq.s32 s10, $0x1;
	s10 =	sld [smem:$0x3FB7]  }
0x3d: {  	_ =	shalt  }
0x3e: {  	_ =	shalt  }
0x3f: {  	_ =	shalt  }
0x40: {  	_ =	shalt  }
0x41: {  	_ =	shalt  }
0x42: {  	_ =	shalt  }
0x43: {  	_ =	shalt  }
0x44: {  	_ =	shalt  }
0x45: {  	_ =	shalt  }
0x46: {  	_ =	shalt  }
0x47: {  	_ =	shalt  }
0x48: {  	_ =	shalt  }
0x49: {  	_ =	shalt  }
0x4a: {  	_ =	shalt  }
0x4b: {  	_ =	shalt  }
0x4c: {  	_ =	shalt  }
0x4d: {  	_ =	shalt  }
0x4e: {  	_ =	shalt  }
0x4f: {  	_ =	shalt  }
0x50: {  	_ =	shalt  }
0x51: {  	_ =	shalt  }
0x52: {  	_ =	shalt  }
0x53: {  	_ =	shalt  }
0x54: {  	_ =	shalt  }
0x55: {  	_ =	shalt  }
0x56: {  	_ =	shalt  }
0x57: {  	_ =	shalt  }
0x58: {  	_ =	shalt  }
0x59: {  	_ =	shalt  }
0x5a: {  	_ =	shalt  }
0x5b: {  	_ =	shalt  }
0x5c: {  	_ =	shalt  }
0x5d: {  	_ =	shalt  }
0x5e: {  	_ =	shalt  }
0x5f: {  	_ =	shalt  }
0x60: {  	_ =	shalt  }
0x61: {  	_ =	shalt  }
0x62: {  	_ =	shalt  }
0x63: {  	_ =	shalt  }
0x64: {  	_ =	shalt  }
0x65: {  	_ =	shalt  }
0x66: {  	_ =	shalt  }
0x67: {  	_ =	shalt  }
0x68: {  	_ =	shalt  }
0x69: {  	_ =	shalt  }
0x6a: {  	_ =	shalt  }
0x6b: {  	_ =	shalt  }
0x6c: {  	_ =	shalt  }
0x6d: {  	_ =	shalt  }
0x6e: {  	_ =	shalt  }
0x6f: {  	_ =	shalt  }
0x70: {  	_ =	shalt  }
0x71: {  	_ =	shalt  }
0x72: {  	_ =	shalt  }
0x73: {  	_ =	shalt  }
0x74: {  	_ =	shalt  }
0x75: {  	_ =	shalt  }
0x76: {  	_ =	shalt  }
0x77: {  	_ =	shalt  }
0x78: {  	_ =	shalt  }
0x79: {  	_ =	shalt  }
0x7a: {  	_ =	shalt  }
0x7b: {  	_ =	shalt  }
0x7c: {  	_ =	shalt  }
0x7d: {  	_ =	shalt  }
0x7e: {  	_ =	shalt  }
0x7f: {  	_ =	shalt  }
0x80: {  	_ =	shalt  }
0x81: {  	_ =	shalt  }
0x82: {  	_ =	shalt  }
0x83: {  	_ =	shalt  }
0x84: {  	_ =	shalt  }
0x85: {  	_ =	shalt  }
0x86: {  	_ =	shalt  }
0x87: {  	_ =	shalt  }
.Lfunc_end0:
.L_simem_size_0:
called_computation.1_lowered:
.L_overlay_start_0:
0x88: {  	s2 =	sld [smem:$0x3FD9]  }
0x89: {  	s3 =	sld [smem:$0x3FFE];
	_ =	sdelay $0x1  }
0x8a: {  	s1 =	srdreg.scid  }
0x8b: {  	s0 =	sand.u32 $0x1, s1  }
0x8c: {  	s17 =	sshll.u32 s0, $0xA;
	s2 =	sadd.s32 s3, s2  }
0x8d: {  	s2 =	sadd.s32 s2, s17  }
0x8e: {  	[smem:$0x3FC3] =	sst s2  }
0x8f: {  	_ = 	snop  }
0x90: {  	s2 =	sld [smem:$0x3FD0];
	(tm) =	ssettm $0x1  }
0x91: {  	s18 =	sld [smem:$0x3FFB];
	_ =	sdelay $0x3  }
0x92: {  	_ =	strace s18  }
0x93: {  	s3 =	sld [smem:$0x3FFC];
	_ =	sdelay $0x3  }
0x94: {  	_ =	strace s3  }
0x95: {  	s3 =	sld [smem:$0x3FFD];
	_ =	sdelay $0x3  }
0x96: {  	_ =	strace s3  }
0x97: {  	_ =	strace $0x8FFFFFFF  }
0x98: {  	s19 =	sld [smem:$0x3FDB];
	_ =	sdelay $0x1  }
0x99: {  	s4 =	simm.s32 $_scs_section_size  }
0x9a: {  	s5 =	simm.s32 $_size__tile_overlayer_lowered;
	s6 =	simm.s32 $_tile_overlayer_lowered  }
0x9b: {  	s22 =	simm.s32 $0x1BFF;
	s21 =	sshll.u32 s6, $0x1;
	s3 =	sadd.s32 s4, s19  }
0x9c: {  	s7 =	simm.s32 $0x0;
	s20 =	sshll.u32 s5, $0x1;
	s5 =	sadd.s32 s21, s3  }
0x9d: {  	[timem:s7], [sflag:s22] =	dma.local [hbm:s5], s20  }
0x9e: {  	_ =	swait.ge [sflag:s22], s20  }
0x9f: {  	s4 =	ssub.s32 $0x0, s20;
	[sflag:s22] =	ssyncset.done $0x0  }
0xa0: {  	[sflag:s22] =	ssyncadd.s32 s4;
	_ =	sdelay $0x1  }
0xa1: {  	s23 =	simm.s32 $0x1B8B  }
0xa2: {  	_ =	swait.ge [sflag:s23], $0x1  }
0xa3: {  	[sflag:s23] =	ssyncset.done $0x0  }
0xa4: {  	s25 =	simm.s32 $0x1B8E;
	s24 =	sld [smem:$0x3FFE];
	[sflag:s23] =	ssyncadd.s32 $0xFFFFFFFF  }
0xa5: {  	s26 =	simm.s32 $execute0_lowered;
	[smem:$0x3FD2] =	sst s25  }
0xa6: {  	s5 =	sshll.u32 s26, $0x1;
	_ =	strace $0x80000049;
	[dreg:$0x1] =	wrdreg $0xFFFFFFFF  }
0xa7: {  	s28 =	simm.s32 $_size_execute0_lowered;
	s3 =	sadd.s32 s3, s5;
	[dreg:$0x0] =	wrdreg $0x0  }
0xa8: {  	s5 =	sshll.u32 s28, $0x1;
	[dreg:$0x2] =	wrdreg s3  }
0xa9: {  	[dreg:$0x3] =	wrdreg s5  }
0xaa: {  	[dreg:$0x4] =	wrdreg $0xC0  }
0xab: {  	_ =	task [dreg:s7], $0x5FFFF  }
0xac: {  	[dreg:$0x1] =	wrdreg $0xFFFFFFFF  }
0xad: {  	[dreg:$0x0] =	wrdreg $0x60  }
0xae: {  	[dreg:$0x2] =	wrdreg s2  }
0xaf: {  	[dreg:$0x3] =	wrdreg s24  }
0xb0: {  	[dreg:$0x4] =	wrdreg $0x90000  }
0xb1: {  	[dreg:$0x5] =	wrdreg $0x9  }
0xb2: {  	_ =	task.clear_ibuf [dreg:s7], $0x6FFFF;
	_ =	strace $0x90000049  }
0xb3: {  	s29 =	simm.s32 $0x9;
	_ =	strace $0x8000004B  }
0xb4: {  	_ =	swait.ge [sflag:s29], $0x1  }
0xb5: {  	[sflag:s29] =	ssyncadd.s32 $0xFFFFFFFF  }
0xb6: {  	_ =	strace $0x9000004B  }
0xb7: {  	_ =	sfence  }
0xb8: {  	s30 =	sld [smem:$0x0];
	_ =	sdelay $0x2  }
0xb9: {  	s31 =	sshll.u32 s1, $0xD;
	s1 =	sshrl.u32 s1, $0x2  }
0xba: {  	s3 =	sand.u32 $0x4000, s31;
	s1 =	sadd.s32 s1, s30  }
0xbb: {  	s0 =	sor.u32 s3, s0;
	s1 =	sshll.u32 s1, $0x11  }
0xbc: {  	s0 =	sor.u32 s1, s0  }
0xbd: {  	s0 =	sadd.s32 $0x8F2B, s0  }
0xbe: {  	[sflag:s0] =	ssyncadd.remote.s32 $0x1  }
0xbf: {  	_ =	sfence.sel $0xFFFF  }
0xc0: {  	[dreg:$0x0] =	wrdreg $0xFFFFFFFF;
	(pc) =	sbr.abs _section_cstart, $3  }
0xc1: {  	[dreg:$0x1] =	wrdreg $0xFFFFFFFF  }
0xc2: {  	_ =	task.clear_ibuf [dreg:s7], $0x2FFFF;
	_ =	strace $0x9FFFFFFF  }
0xc3: {  	(tm) =	ssettm $0x7FFFFFFF  }
tec
execute0_lowered:
.L_overlay_start_1:
0x0: {  	(tag) =	ssettag $0x1  }
0x1: {  	s0 =	rddreg [dreg:$0x0]  }
0x2: {  	s2 =	rddreg [dreg:$0x1]  }
0x3: {  	s1 =	rddreg [dreg:$0x2];
	s3 =	srdreg.scid  }
0x4: {  	s15 =	stileid.u32;
	s28 =	simm.s32 $0x80;
	s29 =	simm.s32 $0x3  }
0x5: {  	s30 =	simm.s32 $0xC00;
	s31 =	simm.s32 $0x5000;
	s10 =	smul.u32 $0x14000, s15  }
0x6: {  	s8 =	sand.u32 $0x1, s3;
	s3 =	simm.s32 $0x0;
	s11 =	smul.u32 $0x50000, s15  }
0x7: {  	s4 =	sadd.s32 $0x2E00, s2;
	s5 =	sadd.s32 $0x3400, s2;
	s14 =	smul.u32 $0x2800, s15  }
0x8: {  	s6 =	sadd.s32 $0x3000, s2;
	s7 =	sadd.s32 $0x3800, s2;
	s26 =	smul.u32 $0x500, s15  }
0x9: {  	s9 =	smul.u32 $0x140000, s8;
	[smem:$0x7FF] =	sst s3;
	s20 =	ssub.s32 $0x2, s8  }
0xa: {  	s13 =	sshll.u32 s8, $0x4;
	p0 =	seq.s32 s8, $0x1;
	s25 =	smul.u32 $0x28000, s8  }
0xb: {  	_ =	strace $0x8000004A;
	s12 =	sshrl.u32 s20, $0x1;
	s13 =	sor.u32 s15, s13  }
0xc: {  	s11 =	sshrl.u32 s11, $0x2;
	s22 =	sadd.s32 s7, s14;
	s9 =	sadd.s32 s10, s9  }
0xd: {  	s10 =	ssub.s32 s20, s12;
	s18 =	sadd.s32 s11, s1;
	s21 =	smul.u32 $0x2800, s13  }
0xe: {  	[dreg:$0x5] =	wrdreg s22;
	s12 =	simm.s32 $0xF00;
	s9 =	sshrl.u32 s9, $0x3  }
0xf: {  	s23 =	sadd.s32 $0x4000, s18;
	s24 =	sadd.s32 $0x8000, s18;
	[dreg:$0x4] =	wrdreg s18  }
0x10: {  	s19 =	sadd.s32 $0xC000, s18;
	s16 =	sadd.s32 $0x10000, s18;
	[dreg:$0x6] =	wrdreg s23  }
0x11: {  	s22 =	smax.u32 s10, $0x1;
	s10 =	simm.s32 $0x5;
	[dreg:$0x7] =	wrdreg s24  }
0x12: {  	s9 =	sadd.s32 s9, s2;
	s11 =	sshrl.u32 s21, $0x3;
	[dreg:$0x8] =	wrdreg s19  }
0x13: {  	s21 =	smul.u32 $0x5000, s8;
	[dreg:$0xa] =	wrdreg s16;
	s16 =	sadd.s32 $0x2E80, s2  }
0x14: {  	s19 =	smul.u32 $0x500, s8;
	[dreg:$0xd] =	wrdreg s22;
	s23 =	sadd.s32 s14, s25  }
0x15: {  	s24 =	smul.u32 $0x50, s15;
	s14 =	simm.s32 $0x6;
	s2 =	simm.s32 $0xF80  }
0x16: {  	s15 =	simm.s32 $0x0;
	s20 =	sadd.s32 s0, s11;
	s17 =	sadd.s32 $0x2B800, s9  }
0x17: {  	s8 =	sadd.s32 $0xFFFB2000, s23;
	s23 =	simm.s32 $0x1000;
	[dreg:$0x9] =	wrdreg s20  }
0x18: {  	s11 =	simm.s32 $0x2;
	s9 =	simm.s32 $0xB00;
	[dreg:$0xc] =	wrdreg s17  }
.Ltmp0:
0x19: {  	s13 =	sadd.s32 $0x9C80, s20;
	[dreg:$0xe] =	wrdreg s8;
	(pc) =	sbr.rel .LBB2_1-.Ltmp0, $4  }
0x1a: {  	s25 =	sadd.s32 s21, s26;
	s0 =	sadd.s32 s21, s0;
	[dreg:$0xb] =	wrdreg s13  }
0x1b: {  	s20 =	sadd.s32 $0xFFFF6500, s25;
	s21 =	sadd.s32 s26, s0;
	s26 =	sadd.s32 s24, s19  }
0x1c: {  	s13 =	simm.s32 $0x7;
	s25 =	simm.s32 $0xB80;
	s0 =	sadd.s32 $0x10, s26  }
0x1d: {  	v0 =	vimm.f32 $0.0e+00;
	s26 =	simm.s32 $0x1;
	[dreg:$0xf] =	wrdreg s0;
	s0 =	simm.s32 $0x4  }
.LBB2_9:
0x1e: {  	_ =	swait.ge [sflag:s14], $0x4000  }
0x1f: {  	[sflag:s14] =	ssyncset.done $0x0  }
0x20: {  	[sflag:s14] =	ssyncadd.s32 $0xFFFFC000  }
0x21: {  	s8 =	stileid.u32;
	[bflag:$0x0] =	sbarrier.arrive $0xFFFF  }
0x22: {  	s8 =	sshll.u32 s8, $0x6;
	s18 =	rddreg [dreg:$0x4]  }
0x23: {  	s8 =	sor.u32 $0x1C07, s8;
	s15 =	rddreg [dreg:$0xc];
	s13 =	sshrl.u32 s18, $0x3  }
0x24: {  	[hbm:s15], [sflag:s8] =	dma.local [spmem:s13], $0x2800  }
0x25: {  	s13 =	simm.s32 $0x7  }
0x26: {  	_ =	swait.ge [sflag:s13], $0x2800  }
0x27: {  	s22 =	rddreg [dreg:$0x10]  }
0x28: {  	s24 =	rddreg [dreg:$0xd];
	s15 =	sadd.s32 $0x1, s22  }
0x29: {  	p1 =	sne.s32 s15, s24  }
.Ltmp1:
0x2a: {  	_ = 	snop;
	(pc) =	sbr.rel @!p1 .LBB2_10-.Ltmp1, $3  }
0x2b: {  	_ =	sdelay $0x1  }
0x2c: {  	[sflag:s13] =	ssyncset.done $0x0  }
0x2d: {  	[sflag:s13] =	ssyncadd.s32 $0xFFFFD800  }
.LBB2_1:
.Ltmp2:
0x2e: {  	(pc) =	sbr.rel @!p0 .LBB2_2-.Ltmp2, $2  }
0x2f: {  	_ =	sdelay $0x2  }
0x30: {  	[dreg:$0x10] =	wrdreg s15  }
0x31: {  	s15 =	sshra.s32 s3, $0x2;
	s17 =	sadd.s32 $0x200, s3  }
.LBB2_4:
0x32: {  	p1 =	sne.s32 s17, $0xFE00;
	[tilespmem:s15+$0x1070] =	vst v0  }
0x33: {  	[tilespmem:s15+$0x1000] =	vst v0  }
0x34: {  	[tilespmem:s15+$0x1010] =	vst v0  }
.Ltmp3:
0x35: {  	[tilespmem:s15+$0x1020] =	vst v0;
	(pc) =	sbr.rel @p1 .LBB2_4-.Ltmp3, $4  }
0x36: {  	[tilespmem:s15+$0x1030] =	vst v0  }
0x37: {  	[tilespmem:s15+$0x1040] =	vst v0  }
0x38: {  	[tilespmem:s15+$0x1050] =	vst v0  }
0x39: {  	[tilespmem:s15+$0x1060] =	vst v0;
	s15 =	sshra.s32 s17, $0x2;
	s17 =	sadd.s32 $0x200, s17  }
0x3a: {  	[tilespmem:s15+$0x1070] =	vst v0  }
0x3b: {  	[tilespmem:s15+$0x1000] =	vst v0  }
0x3c: {  	[tilespmem:s15+$0x1010] =	vst v0  }
0x3d: {  	[tilespmem:s15+$0x1020] =	vst v0  }
0x3e: {  	[tilespmem:s15+$0x1030] =	vst v0  }
0x3f: {  	[tilespmem:s15+$0x1040] =	vst v0  }
0x40: {  	[tilespmem:s15+$0x1050] =	vst v0  }
0x41: {  	[tilespmem:s15+$0x1060] =	vst v0  }
0x42: {  	[spmem:s18] =	stream.linear.scatter [tilespmem:s23], [sflag:$0x7], $0x4000, $0x38;
	[tilespmem:$0x1D000] =	vst v63  }
0x43: {  	_ =	swait.ge [sflag:s13], $0x4000  }
0x44: {  	[sflag:s13] =	ssyncset.done $0x0  }
0x45: {  	s8 =	rddreg [dreg:$0x6];
	[sflag:s13] =	ssyncadd.s32 $0xFFFFC000  }
0x46: {  	[spmem:s8] =	stream.linear.scatter [tilespmem:s23], [sflag:$0x7], $0x4000, $0x38;
	[tilespmem:$0x1D000] =	vst v63  }
0x47: {  	_ =	swait.ge [sflag:s13], $0x4000  }
0x48: {  	[sflag:s13] =	ssyncset.done $0x0  }
0x49: {  	s19 =	rddreg [dreg:$0x7];
	[sflag:s13] =	ssyncadd.s32 $0xFFFFC000  }
0x4a: {  	[spmem:s19] =	stream.linear.scatter [tilespmem:s23], [sflag:$0x7], $0x4000, $0x38;
	[tilespmem:$0x1D000] =	vst v63  }
0x4b: {  	_ =	swait.ge [sflag:s13], $0x4000  }
0x4c: {  	[sflag:s13] =	ssyncset.done $0x0  }
0x4d: {  	s22 =	rddreg [dreg:$0x8];
	[sflag:s13] =	ssyncadd.s32 $0xFFFFC000  }
0x4e: {  	[spmem:s22] =	stream.linear.scatter [tilespmem:s23], [sflag:$0x7], $0x4000, $0x38;
	[tilespmem:$0x1D000] =	vst v63  }
0x4f: {  	_ =	swait.ge [sflag:s13], $0x4000  }
0x50: {  	[sflag:s13] =	ssyncset.done $0x0  }
.Ltmp4:
0x51: {  	s24 =	rddreg [dreg:$0xa];
	[sflag:s13] =	ssyncadd.s32 $0xFFFFC000;
	(pc) =	sbr.rel .LBB2_6-.Ltmp4, $4  }
0x52: {  	[spmem:s24] =	stream.linear.scatter [tilespmem:s23], [sflag:$0x7], $0x4000, $0x38;
	[tilespmem:$0x1D000] =	vst v63  }
0x53: {  	_ =	swait.ge [sflag:s13], $0x4000  }
0x54: {  	[sflag:s13] =	ssyncset.done $0x0  }
0x55: {  	[sflag:s13] =	ssyncadd.s32 $0xFFFFC000  }
.LBB2_2:
0x56: {  	s8 =	stileid.u32  }
0x57: {  	s15 =	sshll.u32 s8, $0x6  }
0x58: {  	s17 =	sshrl.u32 s18, $0x3;
	s24 =	rddreg [dreg:$0x5];
	s15 =	sor.u32 $0x1C07, s15  }
0x59: {  	[spmem:s17], [sflag:s15] =	dma.local [hbm:s24], $0x2800  }
0x5a: {  	_ =	swait.ge [sflag:s13], $0x2800  }
0x5b: {  	[sflag:s13] =	ssyncset.done $0x0  }
0x5c: {  	[sflag:s13] =	ssyncadd.s32 $0xFFFFD800  }
.LBB2_6:
0x5d: {  	[bflag:$0x0] =	sbarrier.arrive $0xFFFF  }
0x5e: {  	s15 =	simm.s32 $0x0;
	s8 =	rddreg [dreg:$0x9]  }
0x5f: {  	[tilespmem:s15], [sflag:$0x1] =	stream.linear.gather [hbm4b:s8+s15], $0x400, $0x38;
	[tilespmem:$0x1D000] =	vst v63  }
0x60: {  	s13 =	simm.s32 $0x400;
	s24 =	rddreg [dreg:$0xb]  }
0x61: {  	[tilespmem:s13], [sflag:$0x1] =	stream.linear.gather [hbm4b:s24+s15], $0x400, $0x38;
	[tilespmem:$0x1D000] =	vst v63  }
0x62: {  	_ =	swait.ge [sflag:s26], $0x400  }
0x63: {  	[sflag:s26] =	ssyncset.done $0x0  }
0x64: {  	[sflag:s26] =	ssyncadd.s32 $0xFFFFFC00  }
0x65: {  	_ =	swait.ge [sflag:s26], $0x400  }
0x66: {  	[sflag:s26] =	ssyncset.done $0x0;
	s17 =	rddreg [dreg:$0xf]  }
0x67: {  	s18 =	rddreg [dreg:$0xe];
	[sflag:s26] =	ssyncadd.s32 $0xFFFFFC00  }
0x68: {  	[tilespmem:s23], [sflag:$0x3] =	stream.indirect.gather [hbm4b:s7+s28], $0x80, s15, s28, $0xb8;
	[tilespmem:$0x1D000] =	vst v63  }
.LBB2_7:
0x69: {  	_ =	swait.ge [sflag:s29], $0x4000  }
0x6a: {  	p1 =	seq.s32 s15, $0x0;
	[sflag:s29] =	ssyncset.done $0x0  }
0x6b: {  	s8 =	simm.s32 $0x400;
	s13 =	simm.s32 @!p1 $0x6;
	[sflag:s29] =	ssyncadd.s32 $0xFFFFC000  }
0x6c: {  	[spmem:s1] =	stream.indirect.scatter.add.f32 [tilespmem:s23], [sflag:$0x5], $0x80, s8, s28, $0xb8;
	[tilespmem:$0x1D000] =	vst v63  }
0x6d: {  	s19 =	sadd.s32 $0xFFFFFFF8, s17;
	_ =	swait.ge @!p1 [sflag:s13], $0x4000  }
0x6e: {  	p2 =	sgt.u32 s19, $0x9BF;
	[sflag:s13] =	ssyncset.done @!p1 $0x0  }
0x6f: {  	[sflag:s13] =	ssyncadd.s32 @!p1 $0xFFFFC000;
	s13 =	sshrl.u32 @p2 s18, $0x3  }
0x70: {  	s22 =	simm.s32 @p2 $0x0;
	s8 =	simm.s32 @p2 $0x800;
	s19 =	sadd.s32 @p2 s5, s13  }
0x71: {  	[tilespmem:s8], [sflag:$0x2] =	stream.linear.gather @p2 [hbm4b:s19+s22], $0x400, $0x38;
	[tilespmem:$0x1D000] =	vst v63  }
0x72: {  	s24 =	simm.s32 @!p2 $0x800;
	s13 =	sadd.s32 @p2 s6, s13;
	s8 =	sadd.s32 @!p2 s15, s21  }
0x73: {  	s22 =	simm.s32 @!p2 $0x0;
	s19 =	sadd.s32 @!p2 $0x80, s8;
	s8 =	sadd.s32 @!p2 $0x9D00, s8  }
0x74: {  	[tilespmem:s24], [sflag:$0x2] =	stream.linear.gather @!p2 [hbm4b:s19+s22], $0x400, $0x38;
	[tilespmem:$0x1D000] =	vst v63  }
0x75: {  	s8 =	smov.u32 @p2 s13  }
0x76: {  	[tilespmem:s30], [sflag:$0x2] =	stream.linear.gather [hbm4b:s8+s3], $0x400, $0x38;
	[tilespmem:$0x1D000] =	vst v63  }
0x77: {  	_ = 	snop  }
0x78: {  	[tilespmem:s31], [sflag:$0x4] =	stream.indirect.gather [hbm4b:s7+s28], $0x80, s28, s28, $0xb8;
	[tilespmem:$0x1D000] =	vst v63  }
0x79: {  	_ =	swait.ge [sflag:s0], $0x4000  }
0x7a: {  	[sflag:s0] =	ssyncset.done $0x0  }
0x7b: {  	s13 =	simm.s32 $0x480;
	[sflag:s0] =	ssyncadd.s32 $0xFFFFC000  }
0x7c: {  	[spmem:s1] =	stream.indirect.scatter.add.f32 [tilespmem:s31], [sflag:$0x6], $0x80, s13, s28, $0xb8;
	[tilespmem:$0x1D000] =	vst v63  }
0x7d: {  	_ =	swait.ge [sflag:s10], $0x4000  }
0x7e: {  	[sflag:s10] =	ssyncset.done $0x0  }
0x7f: {  	s19 =	simm.s32 $0x100;
	[sflag:s10] =	ssyncadd.s32 $0xFFFFC000  }
0x80: {  	[tilespmem:s23], [sflag:$0x3] =	stream.indirect.gather [hbm4b:s7+s28], $0x80, s19, s28, $0xb8;
	[tilespmem:$0x1D000] =	vst v63  }
0x81: {  	_ =	swait.ge [sflag:s29], $0x4000  }
0x82: {  	[sflag:s29] =	ssyncset.done $0x0  }
0x83: {  	s22 =	simm.s32 $0x500;
	[sflag:s29] =	ssyncadd.s32 $0xFFFFC000  }
0x84: {  	[spmem:s1] =	stream.indirect.scatter.add.f32 [tilespmem:s23], [sflag:$0x5], $0x80, s22, s28, $0xb8;
	[tilespmem:$0x1D000] =	vst v63  }
0x85: {  	_ =	swait.ge [sflag:s14], $0x4000  }
0x86: {  	[sflag:s14] =	ssyncset.done $0x0  }
0x87: {  	s24 =	simm.s32 $0x180;
	[sflag:s14] =	ssyncadd.s32 $0xFFFFC000  }
0x88: {  	[tilespmem:s31], [sflag:$0x4] =	stream.indirect.gather [hbm4b:s7+s28], $0x80, s24, s28, $0xb8;
	[tilespmem:$0x1D000] =	vst v63  }
0x89: {  	_ =	swait.ge [sflag:s0], $0x4000  }
0x8a: {  	[sflag:s0] =	ssyncset.done $0x0  }
0x8b: {  	s13 =	simm.s32 $0x580;
	[sflag:s0] =	ssyncadd.s32 $0xFFFFC000  }
0x8c: {  	[spmem:s1] =	stream.indirect.scatter.add.f32 [tilespmem:s31], [sflag:$0x6], $0x80, s13, s28, $0xb8;
	[tilespmem:$0x1D000] =	vst v63  }
0x8d: {  	_ =	swait.ge [sflag:s10], $0x4000  }
0x8e: {  	[sflag:s10] =	ssyncset.done $0x0  }
0x8f: {  	s19 =	simm.s32 $0x200;
	[sflag:s10] =	ssyncadd.s32 $0xFFFFC000  }
0x90: {  	[tilespmem:s23], [sflag:$0x3] =	stream.indirect.gather [hbm4b:s7+s28], $0x80, s19, s28, $0xb8;
	[tilespmem:$0x1D000] =	vst v63  }
0x91: {  	_ =	swait.ge [sflag:s29], $0x4000  }
0x92: {  	[sflag:s29] =	ssyncset.done $0x0  }
0x93: {  	s22 =	simm.s32 $0x600;
	[sflag:s29] =	ssyncadd.s32 $0xFFFFC000  }
0x94: {  	[spmem:s1] =	stream.indirect.scatter.add.f32 [tilespmem:s23], [sflag:$0x5], $0x80, s22, s28, $0xb8;
	[tilespmem:$0x1D000] =	vst v63  }
0x95: {  	_ =	swait.ge [sflag:s14], $0x4000  }
0x96: {  	[sflag:s14] =	ssyncset.done $0x0  }
0x97: {  	s24 =	simm.s32 $0x280;
	[sflag:s14] =	ssyncadd.s32 $0xFFFFC000  }
0x98: {  	[tilespmem:s31], [sflag:$0x4] =	stream.indirect.gather [hbm4b:s7+s28], $0x80, s24, s28, $0xb8;
	[tilespmem:$0x1D000] =	vst v63  }
0x99: {  	_ =	swait.ge [sflag:s0], $0x4000  }
0x9a: {  	[sflag:s0] =	ssyncset.done $0x0  }
0x9b: {  	s13 =	simm.s32 $0x680;
	[sflag:s0] =	ssyncadd.s32 $0xFFFFC000  }
0x9c: {  	[spmem:s1] =	stream.indirect.scatter.add.f32 [tilespmem:s31], [sflag:$0x6], $0x80, s13, s28, $0xb8;
	[tilespmem:$0x1D000] =	vst v63  }
0x9d: {  	_ =	swait.ge [sflag:s10], $0x4000  }
0x9e: {  	[sflag:s10] =	ssyncset.done $0x0  }
0x9f: {  	s19 =	simm.s32 $0x300;
	[sflag:s10] =	ssyncadd.s32 $0xFFFFC000  }
0xa0: {  	[tilespmem:s23], [sflag:$0x3] =	stream.indirect.gather [hbm4b:s7+s28], $0x80, s19, s28, $0xb8;
	[tilespmem:$0x1D000] =	vst v63  }
0xa1: {  	_ =	swait.ge [sflag:s29], $0x4000  }
0xa2: {  	[sflag:s29] =	ssyncset.done $0x0  }
0xa3: {  	s22 =	simm.s32 $0x700;
	[sflag:s29] =	ssyncadd.s32 $0xFFFFC000  }
0xa4: {  	[spmem:s1] =	stream.indirect.scatter.add.f32 [tilespmem:s23], [sflag:$0x5], $0x80, s22, s28, $0xb8;
	[tilespmem:$0x1D000] =	vst v63  }
0xa5: {  	_ =	swait.ge [sflag:s14], $0x4000  }
0xa6: {  	[sflag:s14] =	ssyncset.done $0x0  }
0xa7: {  	s24 =	simm.s32 $0x380;
	[sflag:s14] =	ssyncadd.s32 $0xFFFFC000  }
0xa8: {  	[tilespmem:s31], [sflag:$0x4] =	stream.indirect.gather [hbm4b:s7+s28], $0x80, s24, s28, $0xb8;
	[tilespmem:$0x1D000] =	vst v63  }
0xa9: {  	_ =	swait.ge [sflag:s0], $0x4000  }
0xaa: {  	[sflag:s0] =	ssyncset.done $0x0  }
0xab: {  	s13 =	simm.s32 $0x780;
	[sflag:s0] =	ssyncadd.s32 $0xFFFFC000  }
0xac: {  	[spmem:s1] =	stream.indirect.scatter.add.f32 [tilespmem:s31], [sflag:$0x6], $0x80, s13, s28, $0xb8;
	[tilespmem:$0x1D000] =	vst v63  }
0xad: {  	_ =	swait.ge [sflag:s10], $0x4000  }
0xae: {  	[sflag:s10] =	ssyncset.done $0x0  }
0xaf: {  	[sflag:s10] =	ssyncadd.s32 $0xFFFFC000  }
0xb0: {  	_ =	swait.ge [sflag:s11], $0x400  }
0xb1: {  	[sflag:s11] =	ssyncset.done $0x0  }
0xb2: {  	p1 =	seq.s32 s15, $0x400;
	[sflag:s11] =	ssyncadd.s32 $0xFFFFFC00  }
0xb3: {  	p4 =	sgt.u32 @!p1 s17, $0x9BF;
	_ =	swait.ge [sflag:s11], $0x400  }
0xb4: {  	p2 =	por !p4, p1;
	[sflag:s11] =	ssyncset.done $0x0  }
0xb5: {  	s8 =	sadd.s32 @!p1 s15, s20;
	s19 =	simm.s32 $0x800;
	[sflag:s11] =	ssyncadd.s32 $0xFFFFFC00  }
0xb6: {  	[tilespmem:s23], [sflag:$0x3] =	stream.indirect.gather [hbm4b:s7+s28], $0x80, s19, s28, $0xb8;
	[tilespmem:$0x1D000] =	vst v63  }
0xb7: {  	p6 =	sne.s32 @!p2 s8, $0x0;
	_ =	swait.ge [sflag:s29], $0x4000  }
0xb8: {  	p3 =	por @!p1 !p6, !p4;
	[sflag:s29] =	ssyncset.done $0x0  }
0xb9: {  	p5 =	por p3, p1;
	[sflag:s29] =	ssyncadd.s32 $0xFFFFC000  }
0xba: {  	[spmem:s1] =	stream.indirect.scatter.add.f32 [tilespmem:s23], [sflag:$0x5], $0x80, s30, s28, $0xb8;
	[tilespmem:$0x1D000] =	vst v63  }
0xbb: {  	p6 =	por @!p1 p6, !p4;
	s8 =	sadd.s32 @!p5 $0x400, s18;
	_ =	swait.ge [sflag:s14], $0x4000  }
0xbc: {  	p6 =	por p6, p1;
	s8 =	sshrl.u32 @!p5 s8, $0x3;
	[sflag:s14] =	ssyncset.done $0x0  }
0xbd: {  	s13 =	sadd.s32 @!p5 s5, s8;
	s19 =	simm.s32 @!p5 $0x0;
	[sflag:s14] =	ssyncadd.s32 $0xFFFFC000  }
0xbe: {  	[tilespmem:s19], [sflag:$0x1] =	stream.linear.gather @!p5 [hbm4b:s13+s19], $0x400, $0x38;
	[tilespmem:$0x1D000] =	vst v63  }
0xbf: {  	p4 =	por p4, p1;
	s13 =	simm.s32 @!p6 $0x0  }
0xc0: {  	[tilespmem:s13], [sflag:$0x1] =	stream.linear.gather @!p6 [hbm4b:s4+s13], $0x400, $0x38;
	[tilespmem:$0x1D000] =	vst v63  }
0xc1: {  	s13 =	sadd.s32 @!p4 s15, s21  }
0xc2: {  	s22 =	simm.s32 @!p4 $0x0;
	s19 =	sadd.s32 @!p4 $0x100, s13  }
0xc3: {  	[tilespmem:s22], [sflag:$0x1] =	stream.linear.gather @!p4 [hbm4b:s19+s22], $0x400, $0x38;
	[tilespmem:$0x1D000] =	vst v63  }
0xc4: {  	p3 =	por !p3, p1;
	s8 =	sadd.s32 @!p5 s6, s8;
	s19 =	smov.u32 s16  }
0xc5: {  	s19 =	smov.u32 @p3 s8;
	s8 =	sadd.s32 @!p4 $0x9D80, s13  }
0xc6: {  	s13 =	simm.s32 @!p1 $0x400;
	s19 =	smov.u32 @p2 s8;
	s8 =	simm.s32 @!p1 $0x0  }
0xc7: {  	[tilespmem:s13], [sflag:$0x1] =	stream.linear.gather @!p1 [hbm4b:s19+s8], $0x400, $0x38;
	[tilespmem:$0x1D000] =	vst v63  }
0xc8: {  	s22 =	simm.s32 $0x880  }
0xc9: {  	[tilespmem:s31], [sflag:$0x4] =	stream.indirect.gather [hbm4b:s7+s28], $0x80, s22, s28, $0xb8;
	[tilespmem:$0x1D000] =	vst v63  }
0xca: {  	_ =	swait.ge [sflag:s0], $0x4000  }
0xcb: {  	[sflag:s0] =	ssyncset.done $0x0  }
0xcc: {  	s24 =	simm.s32 $0xC80;
	[sflag:s0] =	ssyncadd.s32 $0xFFFFC000  }
0xcd: {  	[spmem:s1] =	stream.indirect.scatter.add.f32 [tilespmem:s31], [sflag:$0x6], $0x80, s24, s28, $0xb8;
	[tilespmem:$0x1D000] =	vst v63  }
0xce: {  	_ =	swait.ge [sflag:s10], $0x4000  }
0xcf: {  	[sflag:s10] =	ssyncset.done $0x0  }
0xd0: {  	s13 =	simm.s32 $0x900;
	[sflag:s10] =	ssyncadd.s32 $0xFFFFC000  }
0xd1: {  	[tilespmem:s23], [sflag:$0x3] =	stream.indirect.gather [hbm4b:s7+s28], $0x80, s13, s28, $0xb8;
	[tilespmem:$0x1D000] =	vst v63  }
0xd2: {  	_ =	swait.ge [sflag:s29], $0x4000  }
0xd3: {  	[sflag:s29] =	ssyncset.done $0x0  }
0xd4: {  	s19 =	simm.s32 $0xD00;
	[sflag:s29] =	ssyncadd.s32 $0xFFFFC000  }
0xd5: {  	[spmem:s1] =	stream.indirect.scatter.add.f32 [tilespmem:s23], [sflag:$0x5], $0x80, s19, s28, $0xb8;
	[tilespmem:$0x1D000] =	vst v63  }
0xd6: {  	_ =	swait.ge [sflag:s14], $0x4000  }
0xd7: {  	[sflag:s14] =	ssyncset.done $0x0  }
0xd8: {  	s22 =	simm.s32 $0x980;
	[sflag:s14] =	ssyncadd.s32 $0xFFFFC000  }
0xd9: {  	[tilespmem:s31], [sflag:$0x4] =	stream.indirect.gather [hbm4b:s7+s28], $0x80, s22, s28, $0xb8;
	[tilespmem:$0x1D000] =	vst v63  }
0xda: {  	_ =	swait.ge [sflag:s0], $0x4000  }
0xdb: {  	[sflag:s0] =	ssyncset.done $0x0  }
0xdc: {  	s24 =	simm.s32 $0xD80;
	[sflag:s0] =	ssyncadd.s32 $0xFFFFC000  }
0xdd: {  	[spmem:s1] =	stream.indirect.scatter.add.f32 [tilespmem:s31], [sflag:$0x6], $0x80, s24, s28, $0xb8;
	[tilespmem:$0x1D000] =	vst v63  }
0xde: {  	_ =	swait.ge [sflag:s10], $0x4000  }
0xdf: {  	[sflag:s10] =	ssyncset.done $0x0  }
0xe0: {  	s13 =	simm.s32 $0xA00;
	[sflag:s10] =	ssyncadd.s32 $0xFFFFC000  }
0xe1: {  	[tilespmem:s23], [sflag:$0x3] =	stream.indirect.gather [hbm4b:s7+s28], $0x80, s13, s28, $0xb8;
	[tilespmem:$0x1D000] =	vst v63  }
0xe2: {  	_ =	swait.ge [sflag:s29], $0x4000  }
0xe3: {  	[sflag:s29] =	ssyncset.done $0x0  }
0xe4: {  	s19 =	simm.s32 $0xE00;
	[sflag:s29] =	ssyncadd.s32 $0xFFFFC000  }
0xe5: {  	[spmem:s1] =	stream.indirect.scatter.add.f32 [tilespmem:s23], [sflag:$0x5], $0x80, s19, s28, $0xb8;
	[tilespmem:$0x1D000] =	vst v63  }
0xe6: {  	_ =	swait.ge [sflag:s14], $0x4000  }
0xe7: {  	[sflag:s14] =	ssyncset.done $0x0  }
0xe8: {  	s22 =	simm.s32 $0xA80;
	[sflag:s14] =	ssyncadd.s32 $0xFFFFC000  }
0xe9: {  	[tilespmem:s31], [sflag:$0x4] =	stream.indirect.gather [hbm4b:s7+s28], $0x80, s22, s28, $0xb8;
	[tilespmem:$0x1D000] =	vst v63  }
0xea: {  	_ =	swait.ge [sflag:s0], $0x4000  }
0xeb: {  	[sflag:s0] =	ssyncset.done $0x0  }
0xec: {  	s24 =	simm.s32 $0xE80;
	[sflag:s0] =	ssyncadd.s32 $0xFFFFC000  }
0xed: {  	[spmem:s1] =	stream.indirect.scatter.add.f32 [tilespmem:s31], [sflag:$0x6], $0x80, s24, s28, $0xb8;
	[tilespmem:$0x1D000] =	vst v63  }
0xee: {  	_ =	swait.ge [sflag:s10], $0x4000  }
0xef: {  	[sflag:s10] =	ssyncset.done $0x0  }
0xf0: {  	[sflag:s10] =	ssyncadd.s32 $0xFFFFC000  }
0xf1: {  	[tilespmem:s23], [sflag:$0x3] =	stream.indirect.gather [hbm4b:s7+s28], $0x80, s9, s28, $0xb8;
	[tilespmem:$0x1D000] =	vst v63  }
0xf2: {  	_ =	swait.ge [sflag:s29], $0x4000  }
0xf3: {  	[sflag:s29] =	ssyncset.done $0x0  }
0xf4: {  	[sflag:s29] =	ssyncadd.s32 $0xFFFFC000  }
0xf5: {  	[spmem:s1] =	stream.indirect.scatter.add.f32 [tilespmem:s23], [sflag:$0x5], $0x80, s12, s28, $0xb8;
	[tilespmem:$0x1D000] =	vst v63  }
0xf6: {  	_ =	swait.ge [sflag:s14], $0x4000  }
0xf7: {  	[sflag:s14] =	ssyncset.done $0x0  }
0xf8: {  	[sflag:s14] =	ssyncadd.s32 $0xFFFFC000  }
0xf9: {  	[tilespmem:s31], [sflag:$0x4] =	stream.indirect.gather [hbm4b:s7+s28], $0x80, s25, s28, $0xb8;
	[tilespmem:$0x1D000] =	vst v63  }
0xfa: {  	_ =	swait.ge [sflag:s0], $0x4000  }
0xfb: {  	[sflag:s0] =	ssyncset.done $0x0  }
.Ltmp5:
0xfc: {  	[sflag:s0] =	ssyncadd.s32 $0xFFFFC000;
	(pc) =	sbr.rel @p1 .LBB2_9-.Ltmp5, $4  }
0xfd: {  	[spmem:s1] =	stream.indirect.scatter.add.f32 [tilespmem:s31], [sflag:$0x6], $0x80, s2, s28, $0xb8;
	[tilespmem:$0x1D000] =	vst v63  }
0xfe: {  	_ =	swait.ge [sflag:s10], $0x4000  }
0xff: {  	[sflag:s10] =	ssyncset.done $0x0  }
0x100: {  	[sflag:s10] =	ssyncadd.s32 $0xFFFFC000  }
0x101: {  	_ =	swait.ge [sflag:s26], $0x400  }
0x102: {  	[sflag:s26] =	ssyncset.done $0x0  }
.Ltmp6:
0x103: {  	[sflag:s26] =	ssyncadd.s32 $0xFFFFFC00;
	(pc) =	sbr.rel .LBB2_7-.Ltmp6, $4  }
0x104: {  	_ =	swait.ge [sflag:s26], $0x400  }
0x105: {  	s18 =	sadd.s32 $0x800, s18;
	[sflag:s26] =	ssyncset.done $0x0  }
0x106: {  	s15 =	sadd.s32 $0x100, s15;
	s17 =	sadd.s32 $0x10, s17;
	[sflag:s26] =	ssyncadd.s32 $0xFFFFFC00  }
0x107: {  	[tilespmem:s23], [sflag:$0x3] =	stream.indirect.gather [hbm4b:s7+s28], $0x80, s3, s28, $0xb8;
	[tilespmem:$0x1D000] =	vst v63  }
.LBB2_10:
0x108: {  	_ =	sfence.sel $0x180000  }
0x109: {  	[bflag:$0x0] =	sbarrier.arrive $0xFFFF  }
0x10a: {  	_ =	strace $0x9000004A  }
0x10b: {  	s0 =	stileid.u32;
	[bflag:$0x2] =	sbarrier.arrive $0xFFFF  }
0x10c: {  	p0 =	sne.s32 s0, $0x0;
	s0 =	rddreg [dreg:$0x3]  }
0x10d: {  	s0 =	sadd.s32 @!p0 $0x100000, s0  }
0x10e: {  	[sflag:s0] =	ssyncadd.tile.s32 @!p0 $0x1;
	_ =	shalt  }
.Lfunc_end2:
_tile_overlayer_lowered:
.L_overlay_start_2:
0x10f: {  	(tag) =	ssettag $0x2  }
0x110: {  	s0 =	rddreg [dreg:$0x0];
	s2 =	stileid.u32  }
0x111: {  	s1 =	rddreg [dreg:$0x1];
	p0 =	sne.s32 s2, $0x0  }
0x112: {  	s3 =	rddreg [dreg:$0x2];
	[bflag:$0x3] =	sbarrier.arrive $0xFFFF;
	s2 =	simm.s32 @!p0 $0x1C07  }
0x113: {  	[timem:s3], [sflag:s2] =	dma.local @!p0 [hbm:s0], s1  }
0x114: {  	s0 =	simm.s32 @!p0 $0x7  }
0x115: {  	_ =	swait.ge @!p0 [sflag:s0], s1  }
0x116: {  	s1 =	ssub.s32 @!p0 $0x0, s1;
	[sflag:s0] =	ssyncset.done @!p0 $0x0  }
0x117: {  	[sflag:s0] =	ssyncadd.s32 @!p0 s1  }
0x118: {  	[bflag:$0x3] =	sbarrier.arrive $0xFFFF  }
0x119: {  	_ =	shalt  }

</sc_bundles>
